<compile_context>
chip_gen: v7x
topology: tpu7x:2x2x1
jax: 0.10.2.dev20260603
libtpu: 0.0.44.dev20260713+nightly
codegen_flags: <defaults>
</compile_context>

<pallas_src>
import jax
import jax.numpy as jnp
from jax import lax
from jax.experimental import pallas as pl
from jax.experimental.pallas import tpu as pltpu
from jax.experimental.pallas import tpu_sc as plsc
import functools

NC = 2
NS = 16
NW = NC * NS
CHUNK = 128


@functools.lru_cache(maxsize=None)
def _build_sc_call(B, D, n_neg):
    assert B % (NW * CHUNK) == 0
    bpw = B // NW
    nch = bpw // CHUNK
    nnch = nch * n_neg
    ngrp = bpw // 16

    mesh = plsc.VectorSubcoreMesh(core_axis_name="c", subcore_axis_name="s")

    f32 = jnp.float32
    out_type = (
        jax.ShapeDtypeStruct((n_neg, B), f32),
        jax.ShapeDtypeStruct((n_neg, B), f32),
        jax.ShapeDtypeStruct((B,), f32),
        jax.ShapeDtypeStruct((B,), f32),
        jax.ShapeDtypeStruct((B,), f32),
    )
    scratch_types = [
        pltpu.VMEM((nch, CHUNK), jnp.int32),
        pltpu.VMEM((nch, CHUNK), jnp.int32),
        pltpu.VMEM((nnch, CHUNK), jnp.int32),
        pltpu.VMEM((bpw, D), f32),
        pltpu.VMEM((bpw, D), f32),
        pltpu.VMEM((bpw * n_neg, D), f32),
        pltpu.VMEM((bpw,), f32),
        pltpu.VMEM((bpw,), f32),
        pltpu.VMEM((bpw,), f32),
        pltpu.VMEM((bpw,), f32),
        pltpu.VMEM((n_neg, bpw), f32),
        pltpu.SemaphoreType.DMA,
    ]

    @functools.partial(
        pl.kernel, out_type=out_type, mesh=mesh,
        scratch_types=scratch_types,
        compiler_params=pltpu.CompilerParams(
            needs_layout_passes=False, use_tc_tiling_on_sc=False))
    def sc_kernel(users_hbm, pos_hbm, neg_hbm, uf_hbm, if_hbm,
                  accp_out, accn_out, qu_out, ppi_out, npi_out,
                  uidx, pidx, nidx, urows, prows, nrows,
                  pos_v, qu_v, ppi_v, npi_v, neg_v, sem):
        wid = lax.axis_index("s") * NC + lax.axis_index("c")
        base = wid * bpw
        crow = wid * nch

        stage = [
            pltpu.async_copy(users_hbm.at[pl.ds(crow, nch)], uidx, sem),
            pltpu.async_copy(pos_hbm.at[pl.ds(crow, nch)], pidx, sem),
            pltpu.async_copy(neg_hbm.at[pl.ds(wid * nnch, nnch)], nidx, sem),
        ]
        for dsc in stage:
            dsc.wait()

        gathers = []
        for c in range(nch):
            dst = pl.ds(c * CHUNK, CHUNK)
            gathers.append(pltpu.async_copy(
                uf_hbm.at[uidx.at[c]], urows.at[dst], sem))
            gathers.append(pltpu.async_copy(
                if_hbm.at[pidx.at[c]], prows.at[dst], sem))
        for c in range(nnch):
            gathers.append(pltpu.async_copy(
                if_hbm.at[nidx.at[c]], nrows.at[pl.ds(c * CHUNK, CHUNK)], sem))
        for dsc in gathers:
            dsc.wait()

        lane = lax.iota(jnp.int32, 16)
        zero = jnp.zeros((16,), f32)

        def group(g, carry):
            rows = g * 16 + lane
            nrow_base = rows * n_neg
            acc_pp = zero
            acc_qu = zero
            acc_ppi = zero
            acc_npi = zero
            acc_n = [zero] * n_neg
            for d in range(D):
                dcol = jnp.full((16,), d, jnp.int32)
                u = plsc.load_gather(urows, [rows, dcol])
                ip = plsc.load_gather(prows, [rows, dcol])
                acc_pp = acc_pp + u * ip
                acc_qu = acc_qu + u * u
                acc_ppi = acc_ppi + ip * ip
                for j in range(n_neg):
                    nj = plsc.load_gather(nrows, [nrow_base + j, dcol])
                    acc_n[j] = acc_n[j] + u * nj
                    if j == n_neg - 1:
                        acc_npi = acc_npi + nj * nj
            sl = pl.ds(g * 16, 16)
            pos_v[sl] = acc_pp
            qu_v[sl] = acc_qu
            ppi_v[sl] = acc_ppi
            npi_v[sl] = acc_npi
            for j in range(n_neg):
                neg_v[j, sl] = acc_n[j]
            return carry

        lax.fori_loop(0, ngrp, group, 0)

        out_sl = pl.ds(base, bpw)
        pltpu.sync_copy(qu_v, qu_out.at[out_sl])
        pltpu.sync_copy(ppi_v, ppi_out.at[out_sl])
        pltpu.sync_copy(npi_v, npi_out.at[out_sl])
        for j in range(n_neg):
            pltpu.sync_copy(pos_v, accp_out.at[j, out_sl])
            pltpu.sync_copy(neg_v.at[j], accn_out.at[j, out_sl])

    return sc_kernel


def kernel(users, pos_items, neg_items, user_factors, item_factors):
    B = users.shape[0]
    n_neg = neg_items.shape[1]
    D = user_factors.shape[1]

    users_v = users.astype(jnp.int32).reshape(B // CHUNK, CHUNK)
    pos_v = pos_items.astype(jnp.int32).reshape(B // CHUNK, CHUNK)
    neg_v = neg_items.astype(jnp.int32).reshape(B * n_neg // CHUNK, CHUNK)

    sc_call = _build_sc_call(B, D, n_neg)
    accp, accn, qu, ppi, npi = sc_call(
        users_v, pos_v, neg_v, user_factors, item_factors)

    return ((accp.reshape(-1), accn.reshape(-1)), (qu, ppi, qu, npi))

# --- scband reference (transcript-rebuilt; emitter-appended) ---
"""Pipeline reference for scband-bcemodel-58213986730422 (READ-ONLY COPY).

The authoritative reference and input builder live on the scoring server;
editing this copy changes nothing except your own understanding.
"""

import jax, jax.numpy as jnp
import numpy as np

B = 16384
N_NEG = 4
N_USERS = 1000000
N_ITEMS = 1000000
D = 32

def setup_inputs(seed: int = 0) -> dict:
    key = jax.random.key(seed)
    k1, k2, k3, k4, k5 = jax.random.split(key, 5)
    users = jax.random.randint(k1, (B,), 0, N_USERS, dtype=jnp.int64) if jax.config.jax_enable_x64 else jax.random.randint(k1, (B,), 0, N_USERS).astype(jnp.int32)
    pos_items = jax.random.randint(k2, (B,), 0, N_ITEMS).astype(users.dtype)
    neg_items = jax.random.randint(k3, (B, N_NEG), 0, N_ITEMS).astype(users.dtype)
    user_factors = (jax.random.normal(k4, (N_USERS, D), dtype=jnp.float32) * 0.01)
    item_factors = (jax.random.normal(k5, (N_ITEMS, D), dtype=jnp.float32) * 0.01)
    return {"users": users, "pos_items": pos_items, "neg_items": neg_items,
            "user_factors": user_factors, "item_factors": item_factors}

def reference(users, pos_items, neg_items, user_factors, item_factors):
    # BaseModel.forward: gather embeddings, dot product, squared norms
    def pred(u, i):
        um = jnp.take(user_factors, u, axis=0)
        im = jnp.take(item_factors, i, axis=0)
        p = (um * im).sum(1)
        qu = jnp.power(um, 2).sum(1)
        pi = jnp.power(im, 2).sum(1)
        return p, qu, pi

    pos_preds, pqu, ppi = pred(users, pos_items)
    acc_p = jnp.zeros((0,), dtype=jnp.float32)
    acc_n = jnp.zeros((0,), dtype=jnp.float32)
    nqu = None
    npi = None
    neg_T = neg_items.T  # [N_NEG, B]
    for j in range(neg_T.shape[0]):
        item = neg_T[j]
        neg_preds, nqu, npi = pred(users, item)
        acc_p = jnp.concatenate([acc_p, pos_preds], axis=0)
        acc_n = jnp.concatenate([acc_n, neg_preds], axis=0)
    return ((acc_p, acc_n), (pqu, ppi, nqu, npi))

if __name__ == "__main__":
    import jax
    _d = setup_inputs()
    print(jax.jit(kernel)(*tuple(_d.values())))

</pallas_src>

<mosaic_0001>
#map = affine_map<(d0, d1) -> (0, 0)>
#map1 = affine_map<(d0, d1) -> (0)>
module attributes {stable_mosaic.version = 14 : i64} {
  func.func @sc_kernel(%arg0: i32, %arg1: i32, %arg2: memref<128x128xi32, #tpu.memory_space<hbm>>, %arg3: memref<128x128xi32, #tpu.memory_space<hbm>>, %arg4: memref<512x128xi32, #tpu.memory_space<hbm>>, %arg5: memref<1000000x32xf32, #tpu.memory_space<hbm>>, %arg6: memref<1000000x32xf32, #tpu.memory_space<hbm>>, %arg7: memref<4x16384xf32, #tpu.memory_space<hbm>>, %arg8: memref<4x16384xf32, #tpu.memory_space<hbm>>, %arg9: memref<16384xf32, #tpu.memory_space<hbm>>, %arg10: memref<16384xf32, #tpu.memory_space<hbm>>, %arg11: memref<16384xf32, #tpu.memory_space<hbm>>, %arg12: memref<4x128xi32, #tpu.memory_space<vmem>>, %arg13: memref<4x128xi32, #tpu.memory_space<vmem>>, %arg14: memref<16x128xi32, #tpu.memory_space<vmem>>, %arg15: memref<512x32xf32, #tpu.memory_space<vmem>>, %arg16: memref<512x32xf32, #tpu.memory_space<vmem>>, %arg17: memref<2048x32xf32, #tpu.memory_space<vmem>>, %arg18: memref<512xf32, #tpu.memory_space<vmem>>, %arg19: memref<512xf32, #tpu.memory_space<vmem>>, %arg20: memref<512xf32, #tpu.memory_space<vmem>>, %arg21: memref<512xf32, #tpu.memory_space<vmem>>, %arg22: memref<4x512xf32, #tpu.memory_space<vmem>>, %arg23: memref<!tpu.dma_semaphore, #tpu.memory_space<semaphore_mem>>) attributes {dimension_semantics = [#tpu.dimension_semantics<core_parallel>, #tpu.dimension_semantics<subcore_parallel>], iteration_bounds = array<i64: 2, 16>, scalar_prefetch = 0 : i64, scratch_operands = 12 : i64, tpu.core_type = #tpu.core_type<sc_vector_subcore>, window_params = [{transform_indices = #map}, {transform_indices = #map}, {transform_indices = #map}, {transform_indices = #map}, {transform_indices = #map}, {transform_indices = #map}, {transform_indices = #map}, {transform_indices = #map1}, {transform_indices = #map1}, {transform_indices = #map1}]} {
    %mul3A = arith.constant 2 : i32
    %mul3A_0 = arith.muli %arg1, %mul3A : i32
    %add3A = arith.addi %mul3A_0, %arg0 : i32
    %mul3A_1 = arith.constant 512 : i32
    %mul3A_2 = arith.muli %add3A, %mul3A_1 : i32
    %mul3A_3 = arith.constant 4 : i32
    %mul3A_4 = arith.muli %add3A, %mul3A_3 : i32
    %dma_start3A = arith.constant 0 : i32
    %dma_start3A_5 = tpu.memref_slice %arg2[%mul3A_4, %dma_start3A] : memref<128x128xi32, #tpu.memory_space<hbm>> -> memref<4x128xi32, #tpu.memory_space<hbm>>
    %dma_start3A_6 = arith.constant 0 : i32
    %dma_start3A_7 = tpu.memref_slice %arg2[%mul3A_4, %dma_start3A_6] : memref<128x128xi32, #tpu.memory_space<hbm>> -> memref<4x128xi32, #tpu.memory_space<hbm>>
    tpu.enqueue_dma source(%dma_start3A_7 : memref<4x128xi32, #tpu.memory_space<hbm>>) target(%arg12 : memref<4x128xi32, #tpu.memory_space<vmem>>) target_semaphore(%arg23 : memref<!tpu.dma_semaphore, #tpu.memory_space<semaphore_mem>>)
    %dma_start3A_8 = arith.constant 0 : i32
    %dma_start3A_9 = tpu.memref_slice %arg3[%mul3A_4, %dma_start3A_8] : memref<128x128xi32, #tpu.memory_space<hbm>> -> memref<4x128xi32, #tpu.memory_space<hbm>>
    %dma_start3A_10 = arith.constant 0 : i32
    %dma_start3A_11 = tpu.memref_slice %arg3[%mul3A_4, %dma_start3A_10] : memref<128x128xi32, #tpu.memory_space<hbm>> -> memref<4x128xi32, #tpu.memory_space<hbm>>
    tpu.enqueue_dma source(%dma_start3A_11 : memref<4x128xi32, #tpu.memory_space<hbm>>) target(%arg13 : memref<4x128xi32, #tpu.memory_space<vmem>>) target_semaphore(%arg23 : memref<!tpu.dma_semaphore, #tpu.memory_space<semaphore_mem>>)
    %mul3A_12 = arith.constant 16 : i32
    %mul3A_13 = arith.muli %add3A, %mul3A_12 : i32
    %dma_start3A_14 = arith.constant 0 : i32
    %dma_start3A_15 = tpu.memref_slice %arg4[%mul3A_13, %dma_start3A_14] : memref<512x128xi32, #tpu.memory_space<hbm>> -> memref<16x128xi32, #tpu.memory_space<hbm>>
    %dma_start3A_16 = arith.constant 0 : i32
    %dma_start3A_17 = tpu.memref_slice %arg4[%mul3A_13, %dma_start3A_16] : memref<512x128xi32, #tpu.memory_space<hbm>> -> memref<16x128xi32, #tpu.memory_space<hbm>>
    tpu.enqueue_dma source(%dma_start3A_17 : memref<16x128xi32, #tpu.memory_space<hbm>>) target(%arg14 : memref<16x128xi32, #tpu.memory_space<vmem>>) target_semaphore(%arg23 : memref<!tpu.dma_semaphore, #tpu.memory_space<semaphore_mem>>)
    %dma_wait3A = arith.constant 0 : i32
    %dma_wait3A_18 = tpu.memref_slice %arg2[%mul3A_4, %dma_wait3A] : memref<128x128xi32, #tpu.memory_space<hbm>> -> memref<4x128xi32, #tpu.memory_space<hbm>>
    %dma_wait3A_19 = arith.constant 0 : i32
    %dma_wait3A_20 = tpu.memref_slice %arg2[%mul3A_4, %dma_wait3A_19] : memref<128x128xi32, #tpu.memory_space<hbm>> -> memref<4x128xi32, #tpu.memory_space<hbm>>
    tpu.wait_dma2 semaphore(%arg23 : memref<!tpu.dma_semaphore, #tpu.memory_space<semaphore_mem>>) src(%dma_wait3A_20 : memref<4x128xi32, #tpu.memory_space<hbm>>) dst(%arg12 : memref<4x128xi32, #tpu.memory_space<vmem>>)
    %dma_wait3A_21 = arith.constant 0 : i32
    %dma_wait3A_22 = tpu.memref_slice %arg3[%mul3A_4, %dma_wait3A_21] : memref<128x128xi32, #tpu.memory_space<hbm>> -> memref<4x128xi32, #tpu.memory_space<hbm>>
    %dma_wait3A_23 = arith.constant 0 : i32
    %dma_wait3A_24 = tpu.memref_slice %arg3[%mul3A_4, %dma_wait3A_23] : memref<128x128xi32, #tpu.memory_space<hbm>> -> memref<4x128xi32, #tpu.memory_space<hbm>>
    tpu.wait_dma2 semaphore(%arg23 : memref<!tpu.dma_semaphore, #tpu.memory_space<semaphore_mem>>) src(%dma_wait3A_24 : memref<4x128xi32, #tpu.memory_space<hbm>>) dst(%arg13 : memref<4x128xi32, #tpu.memory_space<vmem>>)
    %dma_wait3A_25 = arith.constant 0 : i32
    %dma_wait3A_26 = tpu.memref_slice %arg4[%mul3A_13, %dma_wait3A_25] : memref<512x128xi32, #tpu.memory_space<hbm>> -> memref<16x128xi32, #tpu.memory_space<hbm>>
    %dma_wait3A_27 = arith.constant 0 : i32
    %dma_wait3A_28 = tpu.memref_slice %arg4[%mul3A_13, %dma_wait3A_27] : memref<512x128xi32, #tpu.memory_space<hbm>> -> memref<16x128xi32, #tpu.memory_space<hbm>>
    tpu.wait_dma2 semaphore(%arg23 : memref<!tpu.dma_semaphore, #tpu.memory_space<semaphore_mem>>) src(%dma_wait3A_28 : memref<16x128xi32, #tpu.memory_space<hbm>>) dst(%arg14 : memref<16x128xi32, #tpu.memory_space<vmem>>)
    %dma_start3A_29 = arith.constant 0 : i32
    %dma_start3A_30 = arith.constant 0 : i32
    %dma_start3A_31 = arith.constant 0 : i32
    %dma_start3A_32 = tpu.memref_slice %arg15[%dma_start3A_30, %dma_start3A_31] : memref<512x32xf32, #tpu.memory_space<vmem>> -> memref<128x32xf32, #tpu.memory_space<vmem>>
    %dma_start3A_33 = arith.constant 0 : i32
    %dma_start3A_34 = tpu.memref_slice %arg12[%dma_start3A_29, %dma_start3A_33] : memref<4x128xi32, #tpu.memory_space<vmem>> -> memref<1x128xi32, #tpu.memory_space<vmem>>
    %dma_start3A_35 = tpu.memref_squeeze %dma_start3A_34 : memref<1x128xi32, #tpu.memory_space<vmem>> -> memref<128xi32, #tpu.memory_space<vmem>>
    %dma_start3A_36 = arith.constant 0 : i32
    %dma_start3A_37 = arith.constant 0 : i32
    %dma_start3A_38 = tpu.memref_slice %arg5[%dma_start3A_36, %dma_start3A_37] : memref<1000000x32xf32, #tpu.memory_space<hbm>> -> memref<1000000x32xf32, #tpu.memory_space<hbm>>
    tpu.enqueue_indirect_dma source(%dma_start3A_38 : memref<1000000x32xf32, #tpu.memory_space<hbm>>) target(%dma_start3A_32 : memref<128x32xf32, #tpu.memory_space<vmem>>) offsets(%dma_start3A_35 : memref<128xi32, #tpu.memory_space<vmem>>) semaphore(%arg23 : memref<!tpu.dma_semaphore, #tpu.memory_space<semaphore_mem>>)
    %dma_start3A_39 = arith.constant 0 : i32
    %dma_start3A_40 = arith.constant 0 : i32
    %dma_start3A_41 = arith.constant 0 : i32
    %dma_start3A_42 = tpu.memref_slice %arg16[%dma_start3A_40, %dma_start3A_41] : memref<512x32xf32, #tpu.memory_space<vmem>> -> memref<128x32xf32, #tpu.memory_space<vmem>>
    %dma_start3A_43 = arith.constant 0 : i32
    %dma_start3A_44 = tpu.memref_slice %arg13[%dma_start3A_39, %dma_start3A_43] : memref<4x128xi32, #tpu.memory_space<vmem>> -> memref<1x128xi32, #tpu.memory_space<vmem>>
    %dma_start3A_45 = tpu.memref_squeeze %dma_start3A_44 : memref<1x128xi32, #tpu.memory_space<vmem>> -> memref<128xi32, #tpu.memory_space<vmem>>
    %dma_start3A_46 = arith.constant 0 : i32
    %dma_start3A_47 = arith.constant 0 : i32
    %dma_start3A_48 = tpu.memref_slice %arg6[%dma_start3A_46, %dma_start3A_47] : memref<1000000x32xf32, #tpu.memory_space<hbm>> -> memref<1000000x32xf32, #tpu.memory_space<hbm>>
    tpu.enqueue_indirect_dma source(%dma_start3A_48 : memref<1000000x32xf32, #tpu.memory_space<hbm>>) target(%dma_start3A_42 : memref<128x32xf32, #tpu.memory_space<vmem>>) offsets(%dma_start3A_45 : memref<128xi32, #tpu.memory_space<vmem>>) semaphore(%arg23 : memref<!tpu.dma_semaphore, #tpu.memory_space<semaphore_mem>>)
    %dma_start3A_49 = arith.constant 1 : i32
    %dma_start3A_50 = arith.constant 128 : i32
    %dma_start3A_51 = arith.constant 0 : i32
    %dma_start3A_52 = tpu.memref_slice %arg15[%dma_start3A_50, %dma_start3A_51] : memref<512x32xf32, #tpu.memory_space<vmem>> -> memref<128x32xf32, #tpu.memory_space<vmem>>
    %dma_start3A_53 = arith.constant 0 : i32
    %dma_start3A_54 = tpu.memref_slice %arg12[%dma_start3A_49, %dma_start3A_53] : memref<4x128xi32, #tpu.memory_space<vmem>> -> memref<1x128xi32, #tpu.memory_space<vmem>>
    %dma_start3A_55 = tpu.memref_squeeze %dma_start3A_54 : memref<1x128xi32, #tpu.memory_space<vmem>> -> memref<128xi32, #tpu.memory_space<vmem>>
    %dma_start3A_56 = arith.constant 0 : i32
    %dma_start3A_57 = arith.constant 0 : i32
    %dma_start3A_58 = tpu.memref_slice %arg5[%dma_start3A_56, %dma_start3A_57] : memref<1000000x32xf32, #tpu.memory_space<hbm>> -> memref<1000000x32xf32, #tpu.memory_space<hbm>>
    tpu.enqueue_indirect_dma source(%dma_start3A_58 : memref<1000000x32xf32, #tpu.memory_space<hbm>>) target(%dma_start3A_52 : memref<128x32xf32, #tpu.memory_space<vmem>>) offsets(%dma_start3A_55 : memref<128xi32, #tpu.memory_space<vmem>>) semaphore(%arg23 : memref<!tpu.dma_semaphore, #tpu.memory_space<semaphore_mem>>)
    %dma_start3A_59 = arith.constant 1 : i32
    %dma_start3A_60 = arith.constant 128 : i32
    %dma_start3A_61 = arith.constant 0 : i32
    %dma_start3A_62 = tpu.memref_slice %arg16[%dma_start3A_60, %dma_start3A_61] : memref<512x32xf32, #tpu.memory_space<vmem>> -> memref<128x32xf32, #tpu.memory_space<vmem>>
    %dma_start3A_63 = arith.constant 0 : i32
    %dma_start3A_64 = tpu.memref_slice %arg13[%dma_start3A_59, %dma_start3A_63] : memref<4x128xi32, #tpu.memory_space<vmem>> -> memref<1x128xi32, #tpu.memory_space<vmem>>
    %dma_start3A_65 = tpu.memref_squeeze %dma_start3A_64 : memref<1x128xi32, #tpu.memory_space<vmem>> -> memref<128xi32, #tpu.memory_space<vmem>>
    %dma_start3A_66 = arith.constant 0 : i32
    %dma_start3A_67 = arith.constant 0 : i32
    %dma_start3A_68 = tpu.memref_slice %arg6[%dma_start3A_66, %dma_start3A_67] : memref<1000000x32xf32, #tpu.memory_space<hbm>> -> memref<1000000x32xf32, #tpu.memory_space<hbm>>
    tpu.enqueue_indirect_dma source(%dma_start3A_68 : memref<1000000x32xf32, #tpu.memory_space<hbm>>) target(%dma_start3A_62 : memref<128x32xf32, #tpu.memory_space<vmem>>) offsets(%dma_start3A_65 : memref<128xi32, #tpu.memory_space<vmem>>) semaphore(%arg23 : memref<!tpu.dma_semaphore, #tpu.memory_space<semaphore_mem>>)
    %dma_start3A_69 = arith.constant 2 : i32
    %dma_start3A_70 = arith.constant 256 : i32
    %dma_start3A_71 = arith.constant 0 : i32
    %dma_start3A_72 = tpu.memref_slice %arg15[%dma_start3A_70, %dma_start3A_71] : memref<512x32xf32, #tpu.memory_space<vmem>> -> memref<128x32xf32, #tpu.memory_space<vmem>>
    %dma_start3A_73 = arith.constant 0 : i32
    %dma_start3A_74 = tpu.memref_slice %arg12[%dma_start3A_69, %dma_start3A_73] : memref<4x128xi32, #tpu.memory_space<vmem>> -> memref<1x128xi32, #tpu.memory_space<vmem>>
    %dma_start3A_75 = tpu.memref_squeeze %dma_start3A_74 : memref<1x128xi32, #tpu.memory_space<vmem>> -> memref<128xi32, #tpu.memory_space<vmem>>
    %dma_start3A_76 = arith.constant 0 : i32
    %dma_start3A_77 = arith.constant 0 : i32
    %dma_start3A_78 = tpu.memref_slice %arg5[%dma_start3A_76, %dma_start3A_77] : memref<1000000x32xf32, #tpu.memory_space<hbm>> -> memref<1000000x32xf32, #tpu.memory_space<hbm>>
    tpu.enqueue_indirect_dma source(%dma_start3A_78 : memref<1000000x32xf32, #tpu.memory_space<hbm>>) target(%dma_start3A_72 : memref<128x32xf32, #tpu.memory_space<vmem>>) offsets(%dma_start3A_75 : memref<128xi32, #tpu.memory_space<vmem>>) semaphore(%arg23 : memref<!tpu.dma_semaphore, #tpu.memory_space<semaphore_mem>>)
    %dma_start3A_79 = arith.constant 2 : i32
    %dma_start3A_80 = arith.constant 256 : i32
    %dma_start3A_81 = arith.constant 0 : i32
    %dma_start3A_82 = tpu.memref_slice %arg16[%dma_start3A_80, %dma_start3A_81] : memref<512x32xf32, #tpu.memory_space<vmem>> -> memref<128x32xf32, #tpu.memory_space<vmem>>
    %dma_start3A_83 = arith.constant 0 : i32
    %dma_start3A_84 = tpu.memref_slice %arg13[%dma_start3A_79, %dma_start3A_83] : memref<4x128xi32, #tpu.memory_space<vmem>> -> memref<1x128xi32, #tpu.memory_space<vmem>>
    %dma_start3A_85 = tpu.memref_squeeze %dma_start3A_84 : memref<1x128xi32, #tpu.memory_space<vmem>> -> memref<128xi32, #tpu.memory_space<vmem>>
    %dma_start3A_86 = arith.constant 0 : i32
    %dma_start3A_87 = arith.constant 0 : i32
    %dma_start3A_88 = tpu.memref_slice %arg6[%dma_start3A_86, %dma_start3A_87] : memref<1000000x32xf32, #tpu.memory_space<hbm>> -> memref<1000000x32xf32, #tpu.memory_space<hbm>>
    tpu.enqueue_indirect_dma source(%dma_start3A_88 : memref<1000000x32xf32, #tpu.memory_space<hbm>>) target(%dma_start3A_82 : memref<128x32xf32, #tpu.memory_space<vmem>>) offsets(%dma_start3A_85 : memref<128xi32, #tpu.memory_space<vmem>>) semaphore(%arg23 : memref<!tpu.dma_semaphore, #tpu.memory_space<semaphore_mem>>)
    %dma_start3A_89 = arith.constant 3 : i32
    %dma_start3A_90 = arith.constant 384 : i32
    %dma_start3A_91 = arith.constant 0 : i32
    %dma_start3A_92 = tpu.memref_slice %arg15[%dma_start3A_90, %dma_start3A_91] : memref<512x32xf32, #tpu.memory_space<vmem>> -> memref<128x32xf32, #tpu.memory_space<vmem>>
    %dma_start3A_93 = arith.constant 0 : i32
    %dma_start3A_94 = tpu.memref_slice %arg12[%dma_start3A_89, %dma_start3A_93] : memref<4x128xi32, #tpu.memory_space<vmem>> -> memref<1x128xi32, #tpu.memory_space<vmem>>
    %dma_start3A_95 = tpu.memref_squeeze %dma_start3A_94 : memref<1x128xi32, #tpu.memory_space<vmem>> -> memref<128xi32, #tpu.memory_space<vmem>>
    %dma_start3A_96 = arith.constant 0 : i32
    %dma_start3A_97 = arith.constant 0 : i32
    %dma_start3A_98 = tpu.memref_slice %arg5[%dma_start3A_96, %dma_start3A_97] : memref<1000000x32xf32, #tpu.memory_space<hbm>> -> memref<1000000x32xf32, #tpu.memory_space<hbm>>
    tpu.enqueue_indirect_dma source(%dma_start3A_98 : memref<1000000x32xf32, #tpu.memory_space<hbm>>) target(%dma_start3A_92 : memref<128x32xf32, #tpu.memory_space<vmem>>) offsets(%dma_start3A_95 : memref<128xi32, #tpu.memory_space<vmem>>) semaphore(%arg23 : memref<!tpu.dma_semaphore, #tpu.memory_space<semaphore_mem>>)
    %dma_start3A_99 = arith.constant 3 : i32
    %dma_start3A_100 = arith.constant 384 : i32
    %dma_start3A_101 = arith.constant 0 : i32
    %dma_start3A_102 = tpu.memref_slice %arg16[%dma_start3A_100, %dma_start3A_101] : memref<512x32xf32, #tpu.memory_space<vmem>> -> memref<128x32xf32, #tpu.memory_space<vmem>>
    %dma_start3A_103 = arith.constant 0 : i32
    %dma_start3A_104 = tpu.memref_slice %arg13[%dma_start3A_99, %dma_start3A_103] : memref<4x128xi32, #tpu.memory_space<vmem>> -> memref<1x128xi32, #tpu.memory_space<vmem>>
    %dma_start3A_105 = tpu.memref_squeeze %dma_start3A_104 : memref<1x128xi32, #tpu.memory_space<vmem>> -> memref<128xi32, #tpu.memory_space<vmem>>
    %dma_start3A_106 = arith.constant 0 : i32
    %dma_start3A_107 = arith.constant 0 : i32
    %dma_start3A_108 = tpu.memref_slice %arg6[%dma_start3A_106, %dma_start3A_107] : memref<1000000x32xf32, #tpu.memory_space<hbm>> -> memref<1000000x32xf32, #tpu.memory_space<hbm>>
    tpu.enqueue_indirect_dma source(%dma_start3A_108 : memref<1000000x32xf32, #tpu.memory_space<hbm>>) target(%dma_start3A_102 : memref<128x32xf32, #tpu.memory_space<vmem>>) offsets(%dma_start3A_105 : memref<128xi32, #tpu.memory_space<vmem>>) semaphore(%arg23 : memref<!tpu.dma_semaphore, #tpu.memory_space<semaphore_mem>>)
    %dma_start3A_109 = arith.constant 0 : i32
    %dma_start3A_110 = arith.constant 0 : i32
    %dma_start3A_111 = arith.constant 0 : i32
    %dma_start3A_112 = tpu.memref_slice %arg17[%dma_start3A_110, %dma_start3A_111] : memref<2048x32xf32, #tpu.memory_space<vmem>> -> memref<128x32xf32, #tpu.memory_space<vmem>>
    %dma_start3A_113 = arith.constant 0 : i32
    %dma_start3A_114 = tpu.memref_slice %arg14[%dma_start3A_109, %dma_start3A_113] : memref<16x128xi32, #tpu.memory_space<vmem>> -> memref<1x128xi32, #tpu.memory_space<vmem>>
    %dma_start3A_115 = tpu.memref_squeeze %dma_start3A_114 : memref<1x128xi32, #tpu.memory_space<vmem>> -> memref<128xi32, #tpu.memory_space<vmem>>
    %dma_start3A_116 = arith.constant 0 : i32
    %dma_start3A_117 = arith.constant 0 : i32
    %dma_start3A_118 = tpu.memref_slice %arg6[%dma_start3A_116, %dma_start3A_117] : memref<1000000x32xf32, #tpu.memory_space<hbm>> -> memref<1000000x32xf32, #tpu.memory_space<hbm>>
    tpu.enqueue_indirect_dma source(%dma_start3A_118 : memref<1000000x32xf32, #tpu.memory_space<hbm>>) target(%dma_start3A_112 : memref<128x32xf32, #tpu.memory_space<vmem>>) offsets(%dma_start3A_115 : memref<128xi32, #tpu.memory_space<vmem>>) semaphore(%arg23 : memref<!tpu.dma_semaphore, #tpu.memory_space<semaphore_mem>>)
    %dma_start3A_119 = arith.constant 1 : i32
    %dma_start3A_120 = arith.constant 128 : i32
    %dma_start3A_121 = arith.constant 0 : i32
    %dma_start3A_122 = tpu.memref_slice %arg17[%dma_start3A_120, %dma_start3A_121] : memref<2048x32xf32, #tpu.memory_space<vmem>> -> memref<128x32xf32, #tpu.memory_space<vmem>>
    %dma_start3A_123 = arith.constant 0 : i32
    %dma_start3A_124 = tpu.memref_slice %arg14[%dma_start3A_119, %dma_start3A_123] : memref<16x128xi32, #tpu.memory_space<vmem>> -> memref<1x128xi32, #tpu.memory_space<vmem>>
    %dma_start3A_125 = tpu.memref_squeeze %dma_start3A_124 : memref<1x128xi32, #tpu.memory_space<vmem>> -> memref<128xi32, #tpu.memory_space<vmem>>
    %dma_start3A_126 = arith.constant 0 : i32
    %dma_start3A_127 = arith.constant 0 : i32
    %dma_start3A_128 = tpu.memref_slice %arg6[%dma_start3A_126, %dma_start3A_127] : memref<1000000x32xf32, #tpu.memory_space<hbm>> -> memref<1000000x32xf32, #tpu.memory_space<hbm>>
    tpu.enqueue_indirect_dma source(%dma_start3A_128 : memref<1000000x32xf32, #tpu.memory_space<hbm>>) target(%dma_start3A_122 : memref<128x32xf32, #tpu.memory_space<vmem>>) offsets(%dma_start3A_125 : memref<128xi32, #tpu.memory_space<vmem>>) semaphore(%arg23 : memref<!tpu.dma_semaphore, #tpu.memory_space<semaphore_mem>>)
    %dma_start3A_129 = arith.constant 2 : i32
    %dma_start3A_130 = arith.constant 256 : i32
    %dma_start3A_131 = arith.constant 0 : i32
    %dma_start3A_132 = tpu.memref_slice %arg17[%dma_start3A_130, %dma_start3A_131] : memref<2048x32xf32, #tpu.memory_space<vmem>> -> memref<128x32xf32, #tpu.memory_space<vmem>>
    %dma_start3A_133 = arith.constant 0 : i32
    %dma_start3A_134 = tpu.memref_slice %arg14[%dma_start3A_129, %dma_start3A_133] : memref<16x128xi32, #tpu.memory_space<vmem>> -> memref<1x128xi32, #tpu.memory_space<vmem>>
    %dma_start3A_135 = tpu.memref_squeeze %dma_start3A_134 : memref<1x128xi32, #tpu.memory_space<vmem>> -> memref<128xi32, #tpu.memory_space<vmem>>
    %dma_start3A_136 = arith.constant 0 : i32
    %dma_start3A_137 = arith.constant 0 : i32
    %dma_start3A_138 = tpu.memref_slice %arg6[%dma_start3A_136, %dma_start3A_137] : memref<1000000x32xf32, #tpu.memory_space<hbm>> -> memref<1000000x32xf32, #tpu.memory_space<hbm>>
    tpu.enqueue_indirect_dma source(%dma_start3A_138 : memref<1000000x32xf32, #tpu.memory_space<hbm>>) target(%dma_start3A_132 : memref<128x32xf32, #tpu.memory_space<vmem>>) offsets(%dma_start3A_135 : memref<128xi32, #tpu.memory_space<vmem>>) semaphore(%arg23 : memref<!tpu.dma_semaphore, #tpu.memory_space<semaphore_mem>>)
    %dma_start3A_139 = arith.constant 3 : i32
    %dma_start3A_140 = arith.constant 384 : i32
    %dma_start3A_141 = arith.constant 0 : i32
    %dma_start3A_142 = tpu.memref_slice %arg17[%dma_start3A_140, %dma_start3A_141] : memref<2048x32xf32, #tpu.memory_space<vmem>> -> memref<128x32xf32, #tpu.memory_space<vmem>>
    %dma_start3A_143 = arith.constant 0 : i32
    %dma_start3A_144 = tpu.memref_slice %arg14[%dma_start3A_139, %dma_start3A_143] : memref<16x128xi32, #tpu.memory_space<vmem>> -> memref<1x128xi32, #tpu.memory_space<vmem>>
    %dma_start3A_145 = tpu.memref_squeeze %dma_start3A_144 : memref<1x128xi32, #tpu.memory_space<vmem>> -> memref<128xi32, #tpu.memory_space<vmem>>
    %dma_start3A_146 = arith.constant 0 : i32
    %dma_start3A_147 = arith.constant 0 : i32
    %dma_start3A_148 = tpu.memref_slice %arg6[%dma_start3A_146, %dma_start3A_147] : memref<1000000x32xf32, #tpu.memory_space<hbm>> -> memref<1000000x32xf32, #tpu.memory_space<hbm>>
    tpu.enqueue_indirect_dma source(%dma_start3A_148 : memref<1000000x32xf32, #tpu.memory_space<hbm>>) target(%dma_start3A_142 : memref<128x32xf32, #tpu.memory_space<vmem>>) offsets(%dma_start3A_145 : memref<128xi32, #tpu.memory_space<vmem>>) semaphore(%arg23 : memref<!tpu.dma_semaphore, #tpu.memory_space<semaphore_mem>>)
    %dma_start3A_149 = arith.constant 4 : i32
    %dma_start3A_150 = arith.constant 512 : i32
    %dma_start3A_151 = arith.constant 0 : i32
    %dma_start3A_152 = tpu.memref_slice %arg17[%dma_start3A_150, %dma_start3A_151] : memref<2048x32xf32, #tpu.memory_space<vmem>> -> memref<128x32xf32, #tpu.memory_space<vmem>>
    %dma_start3A_153 = arith.constant 0 : i32
    %dma_start3A_154 = tpu.memref_slice %arg14[%dma_start3A_149, %dma_start3A_153] : memref<16x128xi32, #tpu.memory_space<vmem>> -> memref<1x128xi32, #tpu.memory_space<vmem>>
    %dma_start3A_155 = tpu.memref_squeeze %dma_start3A_154 : memref<1x128xi32, #tpu.memory_space<vmem>> -> memref<128xi32, #tpu.memory_space<vmem>>
    %dma_start3A_156 = arith.constant 0 : i32
    %dma_start3A_157 = arith.constant 0 : i32
    %dma_start3A_158 = tpu.memref_slice %arg6[%dma_start3A_156, %dma_start3A_157] : memref<1000000x32xf32, #tpu.memory_space<hbm>> -> memref<1000000x32xf32, #tpu.memory_space<hbm>>
    tpu.enqueue_indirect_dma source(%dma_start3A_158 : memref<1000000x32xf32, #tpu.memory_space<hbm>>) target(%dma_start3A_152 : memref<128x32xf32, #tpu.memory_space<vmem>>) offsets(%dma_start3A_155 : memref<128xi32, #tpu.memory_space<vmem>>) semaphore(%arg23 : memref<!tpu.dma_semaphore, #tpu.memory_space<semaphore_mem>>)
    %dma_start3A_159 = arith.constant 5 : i32
    %dma_start3A_160 = arith.constant 640 : i32
    %dma_start3A_161 = arith.constant 0 : i32
    %dma_start3A_162 = tpu.memref_slice %arg17[%dma_start3A_160, %dma_start3A_161] : memref<2048x32xf32, #tpu.memory_space<vmem>> -> memref<128x32xf32, #tpu.memory_space<vmem>>
    %dma_start3A_163 = arith.constant 0 : i32
    %dma_start3A_164 = tpu.memref_slice %arg14[%dma_start3A_159, %dma_start3A_163] : memref<16x128xi32, #tpu.memory_space<vmem>> -> memref<1x128xi32, #tpu.memory_space<vmem>>
    %dma_start3A_165 = tpu.memref_squeeze %dma_start3A_164 : memref<1x128xi32, #tpu.memory_space<vmem>> -> memref<128xi32, #tpu.memory_space<vmem>>
    %dma_start3A_166 = arith.constant 0 : i32
    %dma_start3A_167 = arith.constant 0 : i32
    %dma_start3A_168 = tpu.memref_slice %arg6[%dma_start3A_166, %dma_start3A_167] : memref<1000000x32xf32, #tpu.memory_space<hbm>> -> memref<1000000x32xf32, #tpu.memory_space<hbm>>
    tpu.enqueue_indirect_dma source(%dma_start3A_168 : memref<1000000x32xf32, #tpu.memory_space<hbm>>) target(%dma_start3A_162 : memref<128x32xf32, #tpu.memory_space<vmem>>) offsets(%dma_start3A_165 : memref<128xi32, #tpu.memory_space<vmem>>) semaphore(%arg23 : memref<!tpu.dma_semaphore, #tpu.memory_space<semaphore_mem>>)
    %dma_start3A_169 = arith.constant 6 : i32
    %dma_start3A_170 = arith.constant 768 : i32
    %dma_start3A_171 = arith.constant 0 : i32
    %dma_start3A_172 = tpu.memref_slice %arg17[%dma_start3A_170, %dma_start3A_171] : memref<2048x32xf32, #tpu.memory_space<vmem>> -> memref<128x32xf32, #tpu.memory_space<vmem>>
    %dma_start3A_173 = arith.constant 0 : i32
    %dma_start3A_174 = tpu.memref_slice %arg14[%dma_start3A_169, %dma_start3A_173] : memref<16x128xi32, #tpu.memory_space<vmem>> -> memref<1x128xi32, #tpu.memory_space<vmem>>
    %dma_start3A_175 = tpu.memref_squeeze %dma_start3A_174 : memref<1x128xi32, #tpu.memory_space<vmem>> -> memref<128xi32, #tpu.memory_space<vmem>>
    %dma_start3A_176 = arith.constant 0 : i32
    %dma_start3A_177 = arith.constant 0 : i32
    %dma_start3A_178 = tpu.memref_slice %arg6[%dma_start3A_176, %dma_start3A_177] : memref<1000000x32xf32, #tpu.memory_space<hbm>> -> memref<1000000x32xf32, #tpu.memory_space<hbm>>
    tpu.enqueue_indirect_dma source(%dma_start3A_178 : memref<1000000x32xf32, #tpu.memory_space<hbm>>) target(%dma_start3A_172 : memref<128x32xf32, #tpu.memory_space<vmem>>) offsets(%dma_start3A_175 : memref<128xi32, #tpu.memory_space<vmem>>) semaphore(%arg23 : memref<!tpu.dma_semaphore, #tpu.memory_space<semaphore_mem>>)
    %dma_start3A_179 = arith.constant 7 : i32
    %dma_start3A_180 = arith.constant 896 : i32
    %dma_start3A_181 = arith.constant 0 : i32
    %dma_start3A_182 = tpu.memref_slice %arg17[%dma_start3A_180, %dma_start3A_181] : memref<2048x32xf32, #tpu.memory_space<vmem>> -> memref<128x32xf32, #tpu.memory_space<vmem>>
    %dma_start3A_183 = arith.constant 0 : i32
    %dma_start3A_184 = tpu.memref_slice %arg14[%dma_start3A_179, %dma_start3A_183] : memref<16x128xi32, #tpu.memory_space<vmem>> -> memref<1x128xi32, #tpu.memory_space<vmem>>
    %dma_start3A_185 = tpu.memref_squeeze %dma_start3A_184 : memref<1x128xi32, #tpu.memory_space<vmem>> -> memref<128xi32, #tpu.memory_space<vmem>>
    %dma_start3A_186 = arith.constant 0 : i32
    %dma_start3A_187 = arith.constant 0 : i32
    %dma_start3A_188 = tpu.memref_slice %arg6[%dma_start3A_186, %dma_start3A_187] : memref<1000000x32xf32, #tpu.memory_space<hbm>> -> memref<1000000x32xf32, #tpu.memory_space<hbm>>
    tpu.enqueue_indirect_dma source(%dma_start3A_188 : memref<1000000x32xf32, #tpu.memory_space<hbm>>) target(%dma_start3A_182 : memref<128x32xf32, #tpu.memory_space<vmem>>) offsets(%dma_start3A_185 : memref<128xi32, #tpu.memory_space<vmem>>) semaphore(%arg23 : memref<!tpu.dma_semaphore, #tpu.memory_space<semaphore_mem>>)
    %dma_start3A_189 = arith.constant 8 : i32
    %dma_start3A_190 = arith.constant 1024 : i32
    %dma_start3A_191 = arith.constant 0 : i32
    %dma_start3A_192 = tpu.memref_slice %arg17[%dma_start3A_190, %dma_start3A_191] : memref<2048x32xf32, #tpu.memory_space<vmem>> -> memref<128x32xf32, #tpu.memory_space<vmem>>
    %dma_start3A_193 = arith.constant 0 : i32
    %dma_start3A_194 = tpu.memref_slice %arg14[%dma_start3A_189, %dma_start3A_193] : memref<16x128xi32, #tpu.memory_space<vmem>> -> memref<1x128xi32, #tpu.memory_space<vmem>>
    %dma_start3A_195 = tpu.memref_squeeze %dma_start3A_194 : memref<1x128xi32, #tpu.memory_space<vmem>> -> memref<128xi32, #tpu.memory_space<vmem>>
    %dma_start3A_196 = arith.constant 0 : i32
    %dma_start3A_197 = arith.constant 0 : i32
    %dma_start3A_198 = tpu.memref_slice %arg6[%dma_start3A_196, %dma_start3A_197] : memref<1000000x32xf32, #tpu.memory_space<hbm>> -> memref<1000000x32xf32, #tpu.memory_space<hbm>>
    tpu.enqueue_indirect_dma source(%dma_start3A_198 : memref<1000000x32xf32, #tpu.memory_space<hbm>>) target(%dma_start3A_192 : memref<128x32xf32, #tpu.memory_space<vmem>>) offsets(%dma_start3A_195 : memref<128xi32, #tpu.memory_space<vmem>>) semaphore(%arg23 : memref<!tpu.dma_semaphore, #tpu.memory_space<semaphore_mem>>)
    %dma_start3A_199 = arith.constant 9 : i32
    %dma_start3A_200 = arith.constant 1152 : i32
    %dma_start3A_201 = arith.constant 0 : i32
    %dma_start3A_202 = tpu.memref_slice %arg17[%dma_start3A_200, %dma_start3A_201] : memref<2048x32xf32, #tpu.memory_space<vmem>> -> memref<128x32xf32, #tpu.memory_space<vmem>>
    %dma_start3A_203 = arith.constant 0 : i32
    %dma_start3A_204 = tpu.memref_slice %arg14[%dma_start3A_199, %dma_start3A_203] : memref<16x128xi32, #tpu.memory_space<vmem>> -> memref<1x128xi32, #tpu.memory_space<vmem>>
    %dma_start3A_205 = tpu.memref_squeeze %dma_start3A_204 : memref<1x128xi32, #tpu.memory_space<vmem>> -> memref<128xi32, #tpu.memory_space<vmem>>
    %dma_start3A_206 = arith.constant 0 : i32
    %dma_start3A_207 = arith.constant 0 : i32
    %dma_start3A_208 = tpu.memref_slice %arg6[%dma_start3A_206, %dma_start3A_207] : memref<1000000x32xf32, #tpu.memory_space<hbm>> -> memref<1000000x32xf32, #tpu.memory_space<hbm>>
    tpu.enqueue_indirect_dma source(%dma_start3A_208 : memref<1000000x32xf32, #tpu.memory_space<hbm>>) target(%dma_start3A_202 : memref<128x32xf32, #tpu.memory_space<vmem>>) offsets(%dma_start3A_205 : memref<128xi32, #tpu.memory_space<vmem>>) semaphore(%arg23 : memref<!tpu.dma_semaphore, #tpu.memory_space<semaphore_mem>>)
    %dma_start3A_209 = arith.constant 10 : i32
    %dma_start3A_210 = arith.constant 1280 : i32
    %dma_start3A_211 = arith.constant 0 : i32
    %dma_start3A_212 = tpu.memref_slice %arg17[%dma_start3A_210, %dma_start3A_211] : memref<2048x32xf32, #tpu.memory_space<vmem>> -> memref<128x32xf32, #tpu.memory_space<vmem>>
    %dma_start3A_213 = arith.constant 0 : i32
    %dma_start3A_214 = tpu.memref_slice %arg14[%dma_start3A_209, %dma_start3A_213] : memref<16x128xi32, #tpu.memory_space<vmem>> -> memref<1x128xi32, #tpu.memory_space<vmem>>
    %dma_start3A_215 = tpu.memref_squeeze %dma_start3A_214 : memref<1x128xi32, #tpu.memory_space<vmem>> -> memref<128xi32, #tpu.memory_space<vmem>>
    %dma_start3A_216 = arith.constant 0 : i32
    %dma_start3A_217 = arith.constant 0 : i32
    %dma_start3A_218 = tpu.memref_slice %arg6[%dma_start3A_216, %dma_start3A_217] : memref<1000000x32xf32, #tpu.memory_space<hbm>> -> memref<1000000x32xf32, #tpu.memory_space<hbm>>
    tpu.enqueue_indirect_dma source(%dma_start3A_218 : memref<1000000x32xf32, #tpu.memory_space<hbm>>) target(%dma_start3A_212 : memref<128x32xf32, #tpu.memory_space<vmem>>) offsets(%dma_start3A_215 : memref<128xi32, #tpu.memory_space<vmem>>) semaphore(%arg23 : memref<!tpu.dma_semaphore, #tpu.memory_space<semaphore_mem>>)
    %dma_start3A_219 = arith.constant 11 : i32
    %dma_start3A_220 = arith.constant 1408 : i32
    %dma_start3A_221 = arith.constant 0 : i32
    %dma_start3A_222 = tpu.memref_slice %arg17[%dma_start3A_220, %dma_start3A_221] : memref<2048x32xf32, #tpu.memory_space<vmem>> -> memref<128x32xf32, #tpu.memory_space<vmem>>
    %dma_start3A_223 = arith.constant 0 : i32
    %dma_start3A_224 = tpu.memref_slice %arg14[%dma_start3A_219, %dma_start3A_223] : memref<16x128xi32, #tpu.memory_space<vmem>> -> memref<1x128xi32, #tpu.memory_space<vmem>>
    %dma_start3A_225 = tpu.memref_squeeze %dma_start3A_224 : memref<1x128xi32, #tpu.memory_space<vmem>> -> memref<128xi32, #tpu.memory_space<vmem>>
    %dma_start3A_226 = arith.constant 0 : i32
    %dma_start3A_227 = arith.constant 0 : i32
    %dma_start3A_228 = tpu.memref_slice %arg6[%dma_start3A_226, %dma_start3A_227] : memref<1000000x32xf32, #tpu.memory_space<hbm>> -> memref<1000000x32xf32, #tpu.memory_space<hbm>>
    tpu.enqueue_indirect_dma source(%dma_start3A_228 : memref<1000000x32xf32, #tpu.memory_space<hbm>>) target(%dma_start3A_222 : memref<128x32xf32, #tpu.memory_space<vmem>>) offsets(%dma_start3A_225 : memref<128xi32, #tpu.memory_space<vmem>>) semaphore(%arg23 : memref<!tpu.dma_semaphore, #tpu.memory_space<semaphore_mem>>)
    %dma_start3A_229 = arith.constant 12 : i32
    %dma_start3A_230 = arith.constant 1536 : i32
    %dma_start3A_231 = arith.constant 0 : i32
    %dma_start3A_232 = tpu.memref_slice %arg17[%dma_start3A_230, %dma_start3A_231] : memref<2048x32xf32, #tpu.memory_space<vmem>> -> memref<128x32xf32, #tpu.memory_space<vmem>>
    %dma_start3A_233 = arith.constant 0 : i32
    %dma_start3A_234 = tpu.memref_slice %arg14[%dma_start3A_229, %dma_start3A_233] : memref<16x128xi32, #tpu.memory_space<vmem>> -> memref<1x128xi32, #tpu.memory_space<vmem>>
    %dma_start3A_235 = tpu.memref_squeeze %dma_start3A_234 : memref<1x128xi32, #tpu.memory_space<vmem>> -> memref<128xi32, #tpu.memory_space<vmem>>
    %dma_start3A_236 = arith.constant 0 : i32
    %dma_start3A_237 = arith.constant 0 : i32
    %dma_start3A_238 = tpu.memref_slice %arg6[%dma_start3A_236, %dma_start3A_237] : memref<1000000x32xf32, #tpu.memory_space<hbm>> -> memref<1000000x32xf32, #tpu.memory_space<hbm>>
    tpu.enqueue_indirect_dma source(%dma_start3A_238 : memref<1000000x32xf32, #tpu.memory_space<hbm>>) target(%dma_start3A_232 : memref<128x32xf32, #tpu.memory_space<vmem>>) offsets(%dma_start3A_235 : memref<128xi32, #tpu.memory_space<vmem>>) semaphore(%arg23 : memref<!tpu.dma_semaphore, #tpu.memory_space<semaphore_mem>>)
    %dma_start3A_239 = arith.constant 13 : i32
    %dma_start3A_240 = arith.constant 1664 : i32
    %dma_start3A_241 = arith.constant 0 : i32
    %dma_start3A_242 = tpu.memref_slice %arg17[%dma_start3A_240, %dma_start3A_241] : memref<2048x32xf32, #tpu.memory_space<vmem>> -> memref<128x32xf32, #tpu.memory_space<vmem>>
    %dma_start3A_243 = arith.constant 0 : i32
    %dma_start3A_244 = tpu.memref_slice %arg14[%dma_start3A_239, %dma_start3A_243] : memref<16x128xi32, #tpu.memory_space<vmem>> -> memref<1x128xi32, #tpu.memory_space<vmem>>
    %dma_start3A_245 = tpu.memref_squeeze %dma_start3A_244 : memref<1x128xi32, #tpu.memory_space<vmem>> -> memref<128xi32, #tpu.memory_space<vmem>>
    %dma_start3A_246 = arith.constant 0 : i32
    %dma_start3A_247 = arith.constant 0 : i32
    %dma_start3A_248 = tpu.memref_slice %arg6[%dma_start3A_246, %dma_start3A_247] : memref<1000000x32xf32, #tpu.memory_space<hbm>> -> memref<1000000x32xf32, #tpu.memory_space<hbm>>
    tpu.enqueue_indirect_dma source(%dma_start3A_248 : memref<1000000x32xf32, #tpu.memory_space<hbm>>) target(%dma_start3A_242 : memref<128x32xf32, #tpu.memory_space<vmem>>) offsets(%dma_start3A_245 : memref<128xi32, #tpu.memory_space<vmem>>) semaphore(%arg23 : memref<!tpu.dma_semaphore, #tpu.memory_space<semaphore_mem>>)
    %dma_start3A_249 = arith.constant 14 : i32
    %dma_start3A_250 = arith.constant 1792 : i32
    %dma_start3A_251 = arith.constant 0 : i32
    %dma_start3A_252 = tpu.memref_slice %arg17[%dma_start3A_250, %dma_start3A_251] : memref<2048x32xf32, #tpu.memory_space<vmem>> -> memref<128x32xf32, #tpu.memory_space<vmem>>
    %dma_start3A_253 = arith.constant 0 : i32
    %dma_start3A_254 = tpu.memref_slice %arg14[%dma_start3A_249, %dma_start3A_253] : memref<16x128xi32, #tpu.memory_space<vmem>> -> memref<1x128xi32, #tpu.memory_space<vmem>>
    %dma_start3A_255 = tpu.memref_squeeze %dma_start3A_254 : memref<1x128xi32, #tpu.memory_space<vmem>> -> memref<128xi32, #tpu.memory_space<vmem>>
    %dma_start3A_256 = arith.constant 0 : i32
    %dma_start3A_257 = arith.constant 0 : i32
    %dma_start3A_258 = tpu.memref_slice %arg6[%dma_start3A_256, %dma_start3A_257] : memref<1000000x32xf32, #tpu.memory_space<hbm>> -> memref<1000000x32xf32, #tpu.memory_space<hbm>>
    tpu.enqueue_indirect_dma source(%dma_start3A_258 : memref<1000000x32xf32, #tpu.memory_space<hbm>>) target(%dma_start3A_252 : memref<128x32xf32, #tpu.memory_space<vmem>>) offsets(%dma_start3A_255 : memref<128xi32, #tpu.memory_space<vmem>>) semaphore(%arg23 : memref<!tpu.dma_semaphore, #tpu.memory_space<semaphore_mem>>)
    %dma_start3A_259 = arith.constant 15 : i32
    %dma_start3A_260 = arith.constant 1920 : i32
    %dma_start3A_261 = arith.constant 0 : i32
    %dma_start3A_262 = tpu.memref_slice %arg17[%dma_start3A_260, %dma_start3A_261] : memref<2048x32xf32, #tpu.memory_space<vmem>> -> memref<128x32xf32, #tpu.memory_space<vmem>>
    %dma_start3A_263 = arith.constant 0 : i32
    %dma_start3A_264 = tpu.memref_slice %arg14[%dma_start3A_259, %dma_start3A_263] : memref<16x128xi32, #tpu.memory_space<vmem>> -> memref<1x128xi32, #tpu.memory_space<vmem>>
    %dma_start3A_265 = tpu.memref_squeeze %dma_start3A_264 : memref<1x128xi32, #tpu.memory_space<vmem>> -> memref<128xi32, #tpu.memory_space<vmem>>
    %dma_start3A_266 = arith.constant 0 : i32
    %dma_start3A_267 = arith.constant 0 : i32
    %dma_start3A_268 = tpu.memref_slice %arg6[%dma_start3A_266, %dma_start3A_267] : memref<1000000x32xf32, #tpu.memory_space<hbm>> -> memref<1000000x32xf32, #tpu.memory_space<hbm>>
    tpu.enqueue_indirect_dma source(%dma_start3A_268 : memref<1000000x32xf32, #tpu.memory_space<hbm>>) target(%dma_start3A_262 : memref<128x32xf32, #tpu.memory_space<vmem>>) offsets(%dma_start3A_265 : memref<128xi32, #tpu.memory_space<vmem>>) semaphore(%arg23 : memref<!tpu.dma_semaphore, #tpu.memory_space<semaphore_mem>>)
    %dma_wait3A_269 = arith.constant 0 : i32
    %dma_wait3A_270 = arith.constant 0 : i32
    %dma_wait3A_271 = arith.constant 0 : i32
    %dma_wait3A_272 = tpu.memref_slice %arg15[%dma_wait3A_270, %dma_wait3A_271] : memref<512x32xf32, #tpu.memory_space<vmem>> -> memref<128x32xf32, #tpu.memory_space<vmem>>
    %dma_wait3A_273 = arith.constant 0 : i32
    %dma_wait3A_274 = tpu.memref_slice %arg12[%dma_wait3A_269, %dma_wait3A_273] : memref<4x128xi32, #tpu.memory_space<vmem>> -> memref<1x128xi32, #tpu.memory_space<vmem>>
    %dma_wait3A_275 = tpu.memref_squeeze %dma_wait3A_274 : memref<1x128xi32, #tpu.memory_space<vmem>> -> memref<128xi32, #tpu.memory_space<vmem>>
    %dma_wait3A_276 = arith.constant 0 : i32
    %dma_wait3A_277 = arith.constant 0 : i32
    %dma_wait3A_278 = tpu.memref_slice %arg5[%dma_wait3A_276, %dma_wait3A_277] : memref<1000000x32xf32, #tpu.memory_space<hbm>> -> memref<1000000x32xf32, #tpu.memory_space<hbm>>
    tpu.wait_indirect_dma semaphore(%arg23 : memref<!tpu.dma_semaphore, #tpu.memory_space<semaphore_mem>>) src(%dma_wait3A_278 : memref<1000000x32xf32, #tpu.memory_space<hbm>>) dst(%dma_wait3A_272 : memref<128x32xf32, #tpu.memory_space<vmem>>)
    %dma_wait3A_279 = arith.constant 0 : i32
    %dma_wait3A_280 = arith.constant 0 : i32
    %dma_wait3A_281 = arith.constant 0 : i32
    %dma_wait3A_282 = tpu.memref_slice %arg16[%dma_wait3A_280, %dma_wait3A_281] : memref<512x32xf32, #tpu.memory_space<vmem>> -> memref<128x32xf32, #tpu.memory_space<vmem>>
    %dma_wait3A_283 = arith.constant 0 : i32
    %dma_wait3A_284 = tpu.memref_slice %arg13[%dma_wait3A_279, %dma_wait3A_283] : memref<4x128xi32, #tpu.memory_space<vmem>> -> memref<1x128xi32, #tpu.memory_space<vmem>>
    %dma_wait3A_285 = tpu.memref_squeeze %dma_wait3A_284 : memref<1x128xi32, #tpu.memory_space<vmem>> -> memref<128xi32, #tpu.memory_space<vmem>>
    %dma_wait3A_286 = arith.constant 0 : i32
    %dma_wait3A_287 = arith.constant 0 : i32
    %dma_wait3A_288 = tpu.memref_slice %arg6[%dma_wait3A_286, %dma_wait3A_287] : memref<1000000x32xf32, #tpu.memory_space<hbm>> -> memref<1000000x32xf32, #tpu.memory_space<hbm>>
    tpu.wait_indirect_dma semaphore(%arg23 : memref<!tpu.dma_semaphore, #tpu.memory_space<semaphore_mem>>) src(%dma_wait3A_288 : memref<1000000x32xf32, #tpu.memory_space<hbm>>) dst(%dma_wait3A_282 : memref<128x32xf32, #tpu.memory_space<vmem>>)
    %dma_wait3A_289 = arith.constant 1 : i32
    %dma_wait3A_290 = arith.constant 128 : i32
    %dma_wait3A_291 = arith.constant 0 : i32
    %dma_wait3A_292 = tpu.memref_slice %arg15[%dma_wait3A_290, %dma_wait3A_291] : memref<512x32xf32, #tpu.memory_space<vmem>> -> memref<128x32xf32, #tpu.memory_space<vmem>>
    %dma_wait3A_293 = arith.constant 0 : i32
    %dma_wait3A_294 = tpu.memref_slice %arg12[%dma_wait3A_289, %dma_wait3A_293] : memref<4x128xi32, #tpu.memory_space<vmem>> -> memref<1x128xi32, #tpu.memory_space<vmem>>
    %dma_wait3A_295 = tpu.memref_squeeze %dma_wait3A_294 : memref<1x128xi32, #tpu.memory_space<vmem>> -> memref<128xi32, #tpu.memory_space<vmem>>
    %dma_wait3A_296 = arith.constant 0 : i32
    %dma_wait3A_297 = arith.constant 0 : i32
    %dma_wait3A_298 = tpu.memref_slice %arg5[%dma_wait3A_296, %dma_wait3A_297] : memref<1000000x32xf32, #tpu.memory_space<hbm>> -> memref<1000000x32xf32, #tpu.memory_space<hbm>>
    tpu.wait_indirect_dma semaphore(%arg23 : memref<!tpu.dma_semaphore, #tpu.memory_space<semaphore_mem>>) src(%dma_wait3A_298 : memref<1000000x32xf32, #tpu.memory_space<hbm>>) dst(%dma_wait3A_292 : memref<128x32xf32, #tpu.memory_space<vmem>>)
    %dma_wait3A_299 = arith.constant 1 : i32
    %dma_wait3A_300 = arith.constant 128 : i32
    %dma_wait3A_301 = arith.constant 0 : i32
    %dma_wait3A_302 = tpu.memref_slice %arg16[%dma_wait3A_300, %dma_wait3A_301] : memref<512x32xf32, #tpu.memory_space<vmem>> -> memref<128x32xf32, #tpu.memory_space<vmem>>
    %dma_wait3A_303 = arith.constant 0 : i32
    %dma_wait3A_304 = tpu.memref_slice %arg13[%dma_wait3A_299, %dma_wait3A_303] : memref<4x128xi32, #tpu.memory_space<vmem>> -> memref<1x128xi32, #tpu.memory_space<vmem>>
    %dma_wait3A_305 = tpu.memref_squeeze %dma_wait3A_304 : memref<1x128xi32, #tpu.memory_space<vmem>> -> memref<128xi32, #tpu.memory_space<vmem>>
    %dma_wait3A_306 = arith.constant 0 : i32
    %dma_wait3A_307 = arith.constant 0 : i32
    %dma_wait3A_308 = tpu.memref_slice %arg6[%dma_wait3A_306, %dma_wait3A_307] : memref<1000000x32xf32, #tpu.memory_space<hbm>> -> memref<1000000x32xf32, #tpu.memory_space<hbm>>
    tpu.wait_indirect_dma semaphore(%arg23 : memref<!tpu.dma_semaphore, #tpu.memory_space<semaphore_mem>>) src(%dma_wait3A_308 : memref<1000000x32xf32, #tpu.memory_space<hbm>>) dst(%dma_wait3A_302 : memref<128x32xf32, #tpu.memory_space<vmem>>)
    %dma_wait3A_309 = arith.constant 2 : i32
    %dma_wait3A_310 = arith.constant 256 : i32
    %dma_wait3A_311 = arith.constant 0 : i32
    %dma_wait3A_312 = tpu.memref_slice %arg15[%dma_wait3A_310, %dma_wait3A_311] : memref<512x32xf32, #tpu.memory_space<vmem>> -> memref<128x32xf32, #tpu.memory_space<vmem>>
    %dma_wait3A_313 = arith.constant 0 : i32
    %dma_wait3A_314 = tpu.memref_slice %arg12[%dma_wait3A_309, %dma_wait3A_313] : memref<4x128xi32, #tpu.memory_space<vmem>> -> memref<1x128xi32, #tpu.memory_space<vmem>>
    %dma_wait3A_315 = tpu.memref_squeeze %dma_wait3A_314 : memref<1x128xi32, #tpu.memory_space<vmem>> -> memref<128xi32, #tpu.memory_space<vmem>>
    %dma_wait3A_316 = arith.constant 0 : i32
    %dma_wait3A_317 = arith.constant 0 : i32
    %dma_wait3A_318 = tpu.memref_slice %arg5[%dma_wait3A_316, %dma_wait3A_317] : memref<1000000x32xf32, #tpu.memory_space<hbm>> -> memref<1000000x32xf32, #tpu.memory_space<hbm>>
    tpu.wait_indirect_dma semaphore(%arg23 : memref<!tpu.dma_semaphore, #tpu.memory_space<semaphore_mem>>) src(%dma_wait3A_318 : memref<1000000x32xf32, #tpu.memory_space<hbm>>) dst(%dma_wait3A_312 : memref<128x32xf32, #tpu.memory_space<vmem>>)
    %dma_wait3A_319 = arith.constant 2 : i32
    %dma_wait3A_320 = arith.constant 256 : i32
    %dma_wait3A_321 = arith.constant 0 : i32
    %dma_wait3A_322 = tpu.memref_slice %arg16[%dma_wait3A_320, %dma_wait3A_321] : memref<512x32xf32, #tpu.memory_space<vmem>> -> memref<128x32xf32, #tpu.memory_space<vmem>>
    %dma_wait3A_323 = arith.constant 0 : i32
    %dma_wait3A_324 = tpu.memref_slice %arg13[%dma_wait3A_319, %dma_wait3A_323] : memref<4x128xi32, #tpu.memory_space<vmem>> -> memref<1x128xi32, #tpu.memory_space<vmem>>
    %dma_wait3A_325 = tpu.memref_squeeze %dma_wait3A_324 : memref<1x128xi32, #tpu.memory_space<vmem>> -> memref<128xi32, #tpu.memory_space<vmem>>
    %dma_wait3A_326 = arith.constant 0 : i32
    %dma_wait3A_327 = arith.constant 0 : i32
    %dma_wait3A_328 = tpu.memref_slice %arg6[%dma_wait3A_326, %dma_wait3A_327] : memref<1000000x32xf32, #tpu.memory_space<hbm>> -> memref<1000000x32xf32, #tpu.memory_space<hbm>>
    tpu.wait_indirect_dma semaphore(%arg23 : memref<!tpu.dma_semaphore, #tpu.memory_space<semaphore_mem>>) src(%dma_wait3A_328 : memref<1000000x32xf32, #tpu.memory_space<hbm>>) dst(%dma_wait3A_322 : memref<128x32xf32, #tpu.memory_space<vmem>>)
    %dma_wait3A_329 = arith.constant 3 : i32
    %dma_wait3A_330 = arith.constant 384 : i32
    %dma_wait3A_331 = arith.constant 0 : i32
    %dma_wait3A_332 = tpu.memref_slice %arg15[%dma_wait3A_330, %dma_wait3A_331] : memref<512x32xf32, #tpu.memory_space<vmem>> -> memref<128x32xf32, #tpu.memory_space<vmem>>
    %dma_wait3A_333 = arith.constant 0 : i32
    %dma_wait3A_334 = tpu.memref_slice %arg12[%dma_wait3A_329, %dma_wait3A_333] : memref<4x128xi32, #tpu.memory_space<vmem>> -> memref<1x128xi32, #tpu.memory_space<vmem>>
    %dma_wait3A_335 = tpu.memref_squeeze %dma_wait3A_334 : memref<1x128xi32, #tpu.memory_space<vmem>> -> memref<128xi32, #tpu.memory_space<vmem>>
    %dma_wait3A_336 = arith.constant 0 : i32
    %dma_wait3A_337 = arith.constant 0 : i32
    %dma_wait3A_338 = tpu.memref_slice %arg5[%dma_wait3A_336, %dma_wait3A_337] : memref<1000000x32xf32, #tpu.memory_space<hbm>> -> memref<1000000x32xf32, #tpu.memory_space<hbm>>
    tpu.wait_indirect_dma semaphore(%arg23 : memref<!tpu.dma_semaphore, #tpu.memory_space<semaphore_mem>>) src(%dma_wait3A_338 : memref<1000000x32xf32, #tpu.memory_space<hbm>>) dst(%dma_wait3A_332 : memref<128x32xf32, #tpu.memory_space<vmem>>)
    %dma_wait3A_339 = arith.constant 3 : i32
    %dma_wait3A_340 = arith.constant 384 : i32
    %dma_wait3A_341 = arith.constant 0 : i32
    %dma_wait3A_342 = tpu.memref_slice %arg16[%dma_wait3A_340, %dma_wait3A_341] : memref<512x32xf32, #tpu.memory_space<vmem>> -> memref<128x32xf32, #tpu.memory_space<vmem>>
    %dma_wait3A_343 = arith.constant 0 : i32
    %dma_wait3A_344 = tpu.memref_slice %arg13[%dma_wait3A_339, %dma_wait3A_343] : memref<4x128xi32, #tpu.memory_space<vmem>> -> memref<1x128xi32, #tpu.memory_space<vmem>>
    %dma_wait3A_345 = tpu.memref_squeeze %dma_wait3A_344 : memref<1x128xi32, #tpu.memory_space<vmem>> -> memref<128xi32, #tpu.memory_space<vmem>>
    %dma_wait3A_346 = arith.constant 0 : i32
    %dma_wait3A_347 = arith.constant 0 : i32
    %dma_wait3A_348 = tpu.memref_slice %arg6[%dma_wait3A_346, %dma_wait3A_347] : memref<1000000x32xf32, #tpu.memory_space<hbm>> -> memref<1000000x32xf32, #tpu.memory_space<hbm>>
    tpu.wait_indirect_dma semaphore(%arg23 : memref<!tpu.dma_semaphore, #tpu.memory_space<semaphore_mem>>) src(%dma_wait3A_348 : memref<1000000x32xf32, #tpu.memory_space<hbm>>) dst(%dma_wait3A_342 : memref<128x32xf32, #tpu.memory_space<vmem>>)
    %dma_wait3A_349 = arith.constant 0 : i32
    %dma_wait3A_350 = arith.constant 0 : i32
    %dma_wait3A_351 = arith.constant 0 : i32
    %dma_wait3A_352 = tpu.memref_slice %arg17[%dma_wait3A_350, %dma_wait3A_351] : memref<2048x32xf32, #tpu.memory_space<vmem>> -> memref<128x32xf32, #tpu.memory_space<vmem>>
    %dma_wait3A_353 = arith.constant 0 : i32
    %dma_wait3A_354 = tpu.memref_slice %arg14[%dma_wait3A_349, %dma_wait3A_353] : memref<16x128xi32, #tpu.memory_space<vmem>> -> memref<1x128xi32, #tpu.memory_space<vmem>>
    %dma_wait3A_355 = tpu.memref_squeeze %dma_wait3A_354 : memref<1x128xi32, #tpu.memory_space<vmem>> -> memref<128xi32, #tpu.memory_space<vmem>>
    %dma_wait3A_356 = arith.constant 0 : i32
    %dma_wait3A_357 = arith.constant 0 : i32
    %dma_wait3A_358 = tpu.memref_slice %arg6[%dma_wait3A_356, %dma_wait3A_357] : memref<1000000x32xf32, #tpu.memory_space<hbm>> -> memref<1000000x32xf32, #tpu.memory_space<hbm>>
    tpu.wait_indirect_dma semaphore(%arg23 : memref<!tpu.dma_semaphore, #tpu.memory_space<semaphore_mem>>) src(%dma_wait3A_358 : memref<1000000x32xf32, #tpu.memory_space<hbm>>) dst(%dma_wait3A_352 : memref<128x32xf32, #tpu.memory_space<vmem>>)
    %dma_wait3A_359 = arith.constant 1 : i32
    %dma_wait3A_360 = arith.constant 128 : i32
    %dma_wait3A_361 = arith.constant 0 : i32
    %dma_wait3A_362 = tpu.memref_slice %arg17[%dma_wait3A_360, %dma_wait3A_361] : memref<2048x32xf32, #tpu.memory_space<vmem>> -> memref<128x32xf32, #tpu.memory_space<vmem>>
    %dma_wait3A_363 = arith.constant 0 : i32
    %dma_wait3A_364 = tpu.memref_slice %arg14[%dma_wait3A_359, %dma_wait3A_363] : memref<16x128xi32, #tpu.memory_space<vmem>> -> memref<1x128xi32, #tpu.memory_space<vmem>>
    %dma_wait3A_365 = tpu.memref_squeeze %dma_wait3A_364 : memref<1x128xi32, #tpu.memory_space<vmem>> -> memref<128xi32, #tpu.memory_space<vmem>>
    %dma_wait3A_366 = arith.constant 0 : i32
    %dma_wait3A_367 = arith.constant 0 : i32
    %dma_wait3A_368 = tpu.memref_slice %arg6[%dma_wait3A_366, %dma_wait3A_367] : memref<1000000x32xf32, #tpu.memory_space<hbm>> -> memref<1000000x32xf32, #tpu.memory_space<hbm>>
    tpu.wait_indirect_dma semaphore(%arg23 : memref<!tpu.dma_semaphore, #tpu.memory_space<semaphore_mem>>) src(%dma_wait3A_368 : memref<1000000x32xf32, #tpu.memory_space<hbm>>) dst(%dma_wait3A_362 : memref<128x32xf32, #tpu.memory_space<vmem>>)
    %dma_wait3A_369 = arith.constant 2 : i32
    %dma_wait3A_370 = arith.constant 256 : i32
    %dma_wait3A_371 = arith.constant 0 : i32
    %dma_wait3A_372 = tpu.memref_slice %arg17[%dma_wait3A_370, %dma_wait3A_371] : memref<2048x32xf32, #tpu.memory_space<vmem>> -> memref<128x32xf32, #tpu.memory_space<vmem>>
    %dma_wait3A_373 = arith.constant 0 : i32
    %dma_wait3A_374 = tpu.memref_slice %arg14[%dma_wait3A_369, %dma_wait3A_373] : memref<16x128xi32, #tpu.memory_space<vmem>> -> memref<1x128xi32, #tpu.memory_space<vmem>>
    %dma_wait3A_375 = tpu.memref_squeeze %dma_wait3A_374 : memref<1x128xi32, #tpu.memory_space<vmem>> -> memref<128xi32, #tpu.memory_space<vmem>>
    %dma_wait3A_376 = arith.constant 0 : i32
    %dma_wait3A_377 = arith.constant 0 : i32
    %dma_wait3A_378 = tpu.memref_slice %arg6[%dma_wait3A_376, %dma_wait3A_377] : memref<1000000x32xf32, #tpu.memory_space<hbm>> -> memref<1000000x32xf32, #tpu.memory_space<hbm>>
    tpu.wait_indirect_dma semaphore(%arg23 : memref<!tpu.dma_semaphore, #tpu.memory_space<semaphore_mem>>) src(%dma_wait3A_378 : memref<1000000x32xf32, #tpu.memory_space<hbm>>) dst(%dma_wait3A_372 : memref<128x32xf32, #tpu.memory_space<vmem>>)
    %dma_wait3A_379 = arith.constant 3 : i32
    %dma_wait3A_380 = arith.constant 384 : i32
    %dma_wait3A_381 = arith.constant 0 : i32
    %dma_wait3A_382 = tpu.memref_slice %arg17[%dma_wait3A_380, %dma_wait3A_381] : memref<2048x32xf32, #tpu.memory_space<vmem>> -> memref<128x32xf32, #tpu.memory_space<vmem>>
    %dma_wait3A_383 = arith.constant 0 : i32
    %dma_wait3A_384 = tpu.memref_slice %arg14[%dma_wait3A_379, %dma_wait3A_383] : memref<16x128xi32, #tpu.memory_space<vmem>> -> memref<1x128xi32, #tpu.memory_space<vmem>>
    %dma_wait3A_385 = tpu.memref_squeeze %dma_wait3A_384 : memref<1x128xi32, #tpu.memory_space<vmem>> -> memref<128xi32, #tpu.memory_space<vmem>>
    %dma_wait3A_386 = arith.constant 0 : i32
    %dma_wait3A_387 = arith.constant 0 : i32
    %dma_wait3A_388 = tpu.memref_slice %arg6[%dma_wait3A_386, %dma_wait3A_387] : memref<1000000x32xf32, #tpu.memory_space<hbm>> -> memref<1000000x32xf32, #tpu.memory_space<hbm>>
    tpu.wait_indirect_dma semaphore(%arg23 : memref<!tpu.dma_semaphore, #tpu.memory_space<semaphore_mem>>) src(%dma_wait3A_388 : memref<1000000x32xf32, #tpu.memory_space<hbm>>) dst(%dma_wait3A_382 : memref<128x32xf32, #tpu.memory_space<vmem>>)
    %dma_wait3A_389 = arith.constant 4 : i32
    %dma_wait3A_390 = arith.constant 512 : i32
    %dma_wait3A_391 = arith.constant 0 : i32
    %dma_wait3A_392 = tpu.memref_slice %arg17[%dma_wait3A_390, %dma_wait3A_391] : memref<2048x32xf32, #tpu.memory_space<vmem>> -> memref<128x32xf32, #tpu.memory_space<vmem>>
    %dma_wait3A_393 = arith.constant 0 : i32
    %dma_wait3A_394 = tpu.memref_slice %arg14[%dma_wait3A_389, %dma_wait3A_393] : memref<16x128xi32, #tpu.memory_space<vmem>> -> memref<1x128xi32, #tpu.memory_space<vmem>>
    %dma_wait3A_395 = tpu.memref_squeeze %dma_wait3A_394 : memref<1x128xi32, #tpu.memory_space<vmem>> -> memref<128xi32, #tpu.memory_space<vmem>>
    %dma_wait3A_396 = arith.constant 0 : i32
    %dma_wait3A_397 = arith.constant 0 : i32
    %dma_wait3A_398 = tpu.memref_slice %arg6[%dma_wait3A_396, %dma_wait3A_397] : memref<1000000x32xf32, #tpu.memory_space<hbm>> -> memref<1000000x32xf32, #tpu.memory_space<hbm>>
    tpu.wait_indirect_dma semaphore(%arg23 : memref<!tpu.dma_semaphore, #tpu.memory_space<semaphore_mem>>) src(%dma_wait3A_398 : memref<1000000x32xf32, #tpu.memory_space<hbm>>) dst(%dma_wait3A_392 : memref<128x32xf32, #tpu.memory_space<vmem>>)
    %dma_wait3A_399 = arith.constant 5 : i32
    %dma_wait3A_400 = arith.constant 640 : i32
    %dma_wait3A_401 = arith.constant 0 : i32
    %dma_wait3A_402 = tpu.memref_slice %arg17[%dma_wait3A_400, %dma_wait3A_401] : memref<2048x32xf32, #tpu.memory_space<vmem>> -> memref<128x32xf32, #tpu.memory_space<vmem>>
    %dma_wait3A_403 = arith.constant 0 : i32
    %dma_wait3A_404 = tpu.memref_slice %arg14[%dma_wait3A_399, %dma_wait3A_403] : memref<16x128xi32, #tpu.memory_space<vmem>> -> memref<1x128xi32, #tpu.memory_space<vmem>>
    %dma_wait3A_405 = tpu.memref_squeeze %dma_wait3A_404 : memref<1x128xi32, #tpu.memory_space<vmem>> -> memref<128xi32, #tpu.memory_space<vmem>>
    %dma_wait3A_406 = arith.constant 0 : i32
    %dma_wait3A_407 = arith.constant 0 : i32
    %dma_wait3A_408 = tpu.memref_slice %arg6[%dma_wait3A_406, %dma_wait3A_407] : memref<1000000x32xf32, #tpu.memory_space<hbm>> -> memref<1000000x32xf32, #tpu.memory_space<hbm>>
    tpu.wait_indirect_dma semaphore(%arg23 : memref<!tpu.dma_semaphore, #tpu.memory_space<semaphore_mem>>) src(%dma_wait3A_408 : memref<1000000x32xf32, #tpu.memory_space<hbm>>) dst(%dma_wait3A_402 : memref<128x32xf32, #tpu.memory_space<vmem>>)
    %dma_wait3A_409 = arith.constant 6 : i32
    %dma_wait3A_410 = arith.constant 768 : i32
    %dma_wait3A_411 = arith.constant 0 : i32
    %dma_wait3A_412 = tpu.memref_slice %arg17[%dma_wait3A_410, %dma_wait3A_411] : memref<2048x32xf32, #tpu.memory_space<vmem>> -> memref<128x32xf32, #tpu.memory_space<vmem>>
    %dma_wait3A_413 = arith.constant 0 : i32
    %dma_wait3A_414 = tpu.memref_slice %arg14[%dma_wait3A_409, %dma_wait3A_413] : memref<16x128xi32, #tpu.memory_space<vmem>> -> memref<1x128xi32, #tpu.memory_space<vmem>>
    %dma_wait3A_415 = tpu.memref_squeeze %dma_wait3A_414 : memref<1x128xi32, #tpu.memory_space<vmem>> -> memref<128xi32, #tpu.memory_space<vmem>>
    %dma_wait3A_416 = arith.constant 0 : i32
    %dma_wait3A_417 = arith.constant 0 : i32
    %dma_wait3A_418 = tpu.memref_slice %arg6[%dma_wait3A_416, %dma_wait3A_417] : memref<1000000x32xf32, #tpu.memory_space<hbm>> -> memref<1000000x32xf32, #tpu.memory_space<hbm>>
    tpu.wait_indirect_dma semaphore(%arg23 : memref<!tpu.dma_semaphore, #tpu.memory_space<semaphore_mem>>) src(%dma_wait3A_418 : memref<1000000x32xf32, #tpu.memory_space<hbm>>) dst(%dma_wait3A_412 : memref<128x32xf32, #tpu.memory_space<vmem>>)
    %dma_wait3A_419 = arith.constant 7 : i32
    %dma_wait3A_420 = arith.constant 896 : i32
    %dma_wait3A_421 = arith.constant 0 : i32
    %dma_wait3A_422 = tpu.memref_slice %arg17[%dma_wait3A_420, %dma_wait3A_421] : memref<2048x32xf32, #tpu.memory_space<vmem>> -> memref<128x32xf32, #tpu.memory_space<vmem>>
    %dma_wait3A_423 = arith.constant 0 : i32
    %dma_wait3A_424 = tpu.memref_slice %arg14[%dma_wait3A_419, %dma_wait3A_423] : memref<16x128xi32, #tpu.memory_space<vmem>> -> memref<1x128xi32, #tpu.memory_space<vmem>>
    %dma_wait3A_425 = tpu.memref_squeeze %dma_wait3A_424 : memref<1x128xi32, #tpu.memory_space<vmem>> -> memref<128xi32, #tpu.memory_space<vmem>>
    %dma_wait3A_426 = arith.constant 0 : i32
    %dma_wait3A_427 = arith.constant 0 : i32
    %dma_wait3A_428 = tpu.memref_slice %arg6[%dma_wait3A_426, %dma_wait3A_427] : memref<1000000x32xf32, #tpu.memory_space<hbm>> -> memref<1000000x32xf32, #tpu.memory_space<hbm>>
    tpu.wait_indirect_dma semaphore(%arg23 : memref<!tpu.dma_semaphore, #tpu.memory_space<semaphore_mem>>) src(%dma_wait3A_428 : memref<1000000x32xf32, #tpu.memory_space<hbm>>) dst(%dma_wait3A_422 : memref<128x32xf32, #tpu.memory_space<vmem>>)
    %dma_wait3A_429 = arith.constant 8 : i32
    %dma_wait3A_430 = arith.constant 1024 : i32
    %dma_wait3A_431 = arith.constant 0 : i32
    %dma_wait3A_432 = tpu.memref_slice %arg17[%dma_wait3A_430, %dma_wait3A_431] : memref<2048x32xf32, #tpu.memory_space<vmem>> -> memref<128x32xf32, #tpu.memory_space<vmem>>
    %dma_wait3A_433 = arith.constant 0 : i32
    %dma_wait3A_434 = tpu.memref_slice %arg14[%dma_wait3A_429, %dma_wait3A_433] : memref<16x128xi32, #tpu.memory_space<vmem>> -> memref<1x128xi32, #tpu.memory_space<vmem>>
    %dma_wait3A_435 = tpu.memref_squeeze %dma_wait3A_434 : memref<1x128xi32, #tpu.memory_space<vmem>> -> memref<128xi32, #tpu.memory_space<vmem>>
    %dma_wait3A_436 = arith.constant 0 : i32
    %dma_wait3A_437 = arith.constant 0 : i32
    %dma_wait3A_438 = tpu.memref_slice %arg6[%dma_wait3A_436, %dma_wait3A_437] : memref<1000000x32xf32, #tpu.memory_space<hbm>> -> memref<1000000x32xf32, #tpu.memory_space<hbm>>
    tpu.wait_indirect_dma semaphore(%arg23 : memref<!tpu.dma_semaphore, #tpu.memory_space<semaphore_mem>>) src(%dma_wait3A_438 : memref<1000000x32xf32, #tpu.memory_space<hbm>>) dst(%dma_wait3A_432 : memref<128x32xf32, #tpu.memory_space<vmem>>)
    %dma_wait3A_439 = arith.constant 9 : i32
    %dma_wait3A_440 = arith.constant 1152 : i32
    %dma_wait3A_441 = arith.constant 0 : i32
    %dma_wait3A_442 = tpu.memref_slice %arg17[%dma_wait3A_440, %dma_wait3A_441] : memref<2048x32xf32, #tpu.memory_space<vmem>> -> memref<128x32xf32, #tpu.memory_space<vmem>>
    %dma_wait3A_443 = arith.constant 0 : i32
    %dma_wait3A_444 = tpu.memref_slice %arg14[%dma_wait3A_439, %dma_wait3A_443] : memref<16x128xi32, #tpu.memory_space<vmem>> -> memref<1x128xi32, #tpu.memory_space<vmem>>
    %dma_wait3A_445 = tpu.memref_squeeze %dma_wait3A_444 : memref<1x128xi32, #tpu.memory_space<vmem>> -> memref<128xi32, #tpu.memory_space<vmem>>
    %dma_wait3A_446 = arith.constant 0 : i32
    %dma_wait3A_447 = arith.constant 0 : i32
    %dma_wait3A_448 = tpu.memref_slice %arg6[%dma_wait3A_446, %dma_wait3A_447] : memref<1000000x32xf32, #tpu.memory_space<hbm>> -> memref<1000000x32xf32, #tpu.memory_space<hbm>>
    tpu.wait_indirect_dma semaphore(%arg23 : memref<!tpu.dma_semaphore, #tpu.memory_space<semaphore_mem>>) src(%dma_wait3A_448 : memref<1000000x32xf32, #tpu.memory_space<hbm>>) dst(%dma_wait3A_442 : memref<128x32xf32, #tpu.memory_space<vmem>>)
    %dma_wait3A_449 = arith.constant 10 : i32
    %dma_wait3A_450 = arith.constant 1280 : i32
    %dma_wait3A_451 = arith.constant 0 : i32
    %dma_wait3A_452 = tpu.memref_slice %arg17[%dma_wait3A_450, %dma_wait3A_451] : memref<2048x32xf32, #tpu.memory_space<vmem>> -> memref<128x32xf32, #tpu.memory_space<vmem>>
    %dma_wait3A_453 = arith.constant 0 : i32
    %dma_wait3A_454 = tpu.memref_slice %arg14[%dma_wait3A_449, %dma_wait3A_453] : memref<16x128xi32, #tpu.memory_space<vmem>> -> memref<1x128xi32, #tpu.memory_space<vmem>>
    %dma_wait3A_455 = tpu.memref_squeeze %dma_wait3A_454 : memref<1x128xi32, #tpu.memory_space<vmem>> -> memref<128xi32, #tpu.memory_space<vmem>>
    %dma_wait3A_456 = arith.constant 0 : i32
    %dma_wait3A_457 = arith.constant 0 : i32
    %dma_wait3A_458 = tpu.memref_slice %arg6[%dma_wait3A_456, %dma_wait3A_457] : memref<1000000x32xf32, #tpu.memory_space<hbm>> -> memref<1000000x32xf32, #tpu.memory_space<hbm>>
    tpu.wait_indirect_dma semaphore(%arg23 : memref<!tpu.dma_semaphore, #tpu.memory_space<semaphore_mem>>) src(%dma_wait3A_458 : memref<1000000x32xf32, #tpu.memory_space<hbm>>) dst(%dma_wait3A_452 : memref<128x32xf32, #tpu.memory_space<vmem>>)
    %dma_wait3A_459 = arith.constant 11 : i32
    %dma_wait3A_460 = arith.constant 1408 : i32
    %dma_wait3A_461 = arith.constant 0 : i32
    %dma_wait3A_462 = tpu.memref_slice %arg17[%dma_wait3A_460, %dma_wait3A_461] : memref<2048x32xf32, #tpu.memory_space<vmem>> -> memref<128x32xf32, #tpu.memory_space<vmem>>
    %dma_wait3A_463 = arith.constant 0 : i32
    %dma_wait3A_464 = tpu.memref_slice %arg14[%dma_wait3A_459, %dma_wait3A_463] : memref<16x128xi32, #tpu.memory_space<vmem>> -> memref<1x128xi32, #tpu.memory_space<vmem>>
    %dma_wait3A_465 = tpu.memref_squeeze %dma_wait3A_464 : memref<1x128xi32, #tpu.memory_space<vmem>> -> memref<128xi32, #tpu.memory_space<vmem>>
    %dma_wait3A_466 = arith.constant 0 : i32
    %dma_wait3A_467 = arith.constant 0 : i32
    %dma_wait3A_468 = tpu.memref_slice %arg6[%dma_wait3A_466, %dma_wait3A_467] : memref<1000000x32xf32, #tpu.memory_space<hbm>> -> memref<1000000x32xf32, #tpu.memory_space<hbm>>
    tpu.wait_indirect_dma semaphore(%arg23 : memref<!tpu.dma_semaphore, #tpu.memory_space<semaphore_mem>>) src(%dma_wait3A_468 : memref<1000000x32xf32, #tpu.memory_space<hbm>>) dst(%dma_wait3A_462 : memref<128x32xf32, #tpu.memory_space<vmem>>)
    %dma_wait3A_469 = arith.constant 12 : i32
    %dma_wait3A_470 = arith.constant 1536 : i32
    %dma_wait3A_471 = arith.constant 0 : i32
    %dma_wait3A_472 = tpu.memref_slice %arg17[%dma_wait3A_470, %dma_wait3A_471] : memref<2048x32xf32, #tpu.memory_space<vmem>> -> memref<128x32xf32, #tpu.memory_space<vmem>>
    %dma_wait3A_473 = arith.constant 0 : i32
    %dma_wait3A_474 = tpu.memref_slice %arg14[%dma_wait3A_469, %dma_wait3A_473] : memref<16x128xi32, #tpu.memory_space<vmem>> -> memref<1x128xi32, #tpu.memory_space<vmem>>
    %dma_wait3A_475 = tpu.memref_squeeze %dma_wait3A_474 : memref<1x128xi32, #tpu.memory_space<vmem>> -> memref<128xi32, #tpu.memory_space<vmem>>
    %dma_wait3A_476 = arith.constant 0 : i32
    %dma_wait3A_477 = arith.constant 0 : i32
    %dma_wait3A_478 = tpu.memref_slice %arg6[%dma_wait3A_476, %dma_wait3A_477] : memref<1000000x32xf32, #tpu.memory_space<hbm>> -> memref<1000000x32xf32, #tpu.memory_space<hbm>>
    tpu.wait_indirect_dma semaphore(%arg23 : memref<!tpu.dma_semaphore, #tpu.memory_space<semaphore_mem>>) src(%dma_wait3A_478 : memref<1000000x32xf32, #tpu.memory_space<hbm>>) dst(%dma_wait3A_472 : memref<128x32xf32, #tpu.memory_space<vmem>>)
    %dma_wait3A_479 = arith.constant 13 : i32
    %dma_wait3A_480 = arith.constant 1664 : i32
    %dma_wait3A_481 = arith.constant 0 : i32
    %dma_wait3A_482 = tpu.memref_slice %arg17[%dma_wait3A_480, %dma_wait3A_481] : memref<2048x32xf32, #tpu.memory_space<vmem>> -> memref<128x32xf32, #tpu.memory_space<vmem>>
    %dma_wait3A_483 = arith.constant 0 : i32
    %dma_wait3A_484 = tpu.memref_slice %arg14[%dma_wait3A_479, %dma_wait3A_483] : memref<16x128xi32, #tpu.memory_space<vmem>> -> memref<1x128xi32, #tpu.memory_space<vmem>>
    %dma_wait3A_485 = tpu.memref_squeeze %dma_wait3A_484 : memref<1x128xi32, #tpu.memory_space<vmem>> -> memref<128xi32, #tpu.memory_space<vmem>>
    %dma_wait3A_486 = arith.constant 0 : i32
    %dma_wait3A_487 = arith.constant 0 : i32
    %dma_wait3A_488 = tpu.memref_slice %arg6[%dma_wait3A_486, %dma_wait3A_487] : memref<1000000x32xf32, #tpu.memory_space<hbm>> -> memref<1000000x32xf32, #tpu.memory_space<hbm>>
    tpu.wait_indirect_dma semaphore(%arg23 : memref<!tpu.dma_semaphore, #tpu.memory_space<semaphore_mem>>) src(%dma_wait3A_488 : memref<1000000x32xf32, #tpu.memory_space<hbm>>) dst(%dma_wait3A_482 : memref<128x32xf32, #tpu.memory_space<vmem>>)
    %dma_wait3A_489 = arith.constant 14 : i32
    %dma_wait3A_490 = arith.constant 1792 : i32
    %dma_wait3A_491 = arith.constant 0 : i32
    %dma_wait3A_492 = tpu.memref_slice %arg17[%dma_wait3A_490, %dma_wait3A_491] : memref<2048x32xf32, #tpu.memory_space<vmem>> -> memref<128x32xf32, #tpu.memory_space<vmem>>
    %dma_wait3A_493 = arith.constant 0 : i32
    %dma_wait3A_494 = tpu.memref_slice %arg14[%dma_wait3A_489, %dma_wait3A_493] : memref<16x128xi32, #tpu.memory_space<vmem>> -> memref<1x128xi32, #tpu.memory_space<vmem>>
    %dma_wait3A_495 = tpu.memref_squeeze %dma_wait3A_494 : memref<1x128xi32, #tpu.memory_space<vmem>> -> memref<128xi32, #tpu.memory_space<vmem>>
    %dma_wait3A_496 = arith.constant 0 : i32
    %dma_wait3A_497 = arith.constant 0 : i32
    %dma_wait3A_498 = tpu.memref_slice %arg6[%dma_wait3A_496, %dma_wait3A_497] : memref<1000000x32xf32, #tpu.memory_space<hbm>> -> memref<1000000x32xf32, #tpu.memory_space<hbm>>
    tpu.wait_indirect_dma semaphore(%arg23 : memref<!tpu.dma_semaphore, #tpu.memory_space<semaphore_mem>>) src(%dma_wait3A_498 : memref<1000000x32xf32, #tpu.memory_space<hbm>>) dst(%dma_wait3A_492 : memref<128x32xf32, #tpu.memory_space<vmem>>)
    %dma_wait3A_499 = arith.constant 15 : i32
    %dma_wait3A_500 = arith.constant 1920 : i32
    %dma_wait3A_501 = arith.constant 0 : i32
    %dma_wait3A_502 = tpu.memref_slice %arg17[%dma_wait3A_500, %dma_wait3A_501] : memref<2048x32xf32, #tpu.memory_space<vmem>> -> memref<128x32xf32, #tpu.memory_space<vmem>>
    %dma_wait3A_503 = arith.constant 0 : i32
    %dma_wait3A_504 = tpu.memref_slice %arg14[%dma_wait3A_499, %dma_wait3A_503] : memref<16x128xi32, #tpu.memory_space<vmem>> -> memref<1x128xi32, #tpu.memory_space<vmem>>
    %dma_wait3A_505 = tpu.memref_squeeze %dma_wait3A_504 : memref<1x128xi32, #tpu.memory_space<vmem>> -> memref<128xi32, #tpu.memory_space<vmem>>
    %dma_wait3A_506 = arith.constant 0 : i32
    %dma_wait3A_507 = arith.constant 0 : i32
    %dma_wait3A_508 = tpu.memref_slice %arg6[%dma_wait3A_506, %dma_wait3A_507] : memref<1000000x32xf32, #tpu.memory_space<hbm>> -> memref<1000000x32xf32, #tpu.memory_space<hbm>>
    tpu.wait_indirect_dma semaphore(%arg23 : memref<!tpu.dma_semaphore, #tpu.memory_space<semaphore_mem>>) src(%dma_wait3A_508 : memref<1000000x32xf32, #tpu.memory_space<hbm>>) dst(%dma_wait3A_502 : memref<128x32xf32, #tpu.memory_space<vmem>>)
    %iota3A = tpu.iota {dimensions = array<i32: 0>} : vector<16xi32>
    %broadcast_in_dim3A = arith.constant 0.000000e+00 : f32
    %broadcast_in_dim3A_509 = vector.broadcast %broadcast_in_dim3A : f32 to vector<16xf32>
    %scan3A = arith.constant 0 : i32
    %scan3A_510 = arith.constant 0 : i32
    %scan3A_511 = arith.constant 32 : i32
    %scan3A_512 = arith.addi %scan3A_510, %scan3A_511 : i32
    %scan3A_513 = arith.constant 1 : i32
    scf.for %scan3A_526 = %scan3A_510 to %scan3A_512 step %scan3A_513  : i32 {
      %mul3A_527 = arith.constant 16 : i32
      %mul3A_528 = arith.muli %scan3A_526, %mul3A_527 : i32
      %add3A_529 = vector.broadcast %mul3A_528 : i32 to vector<16xi32>
      %add3A_530 = arith.addi %add3A_529, %iota3A : vector<16xi32>
      %mul3A_531 = arith.constant 4 : i32
      %mul3A_532 = vector.broadcast %mul3A_531 : i32 to vector<16xi32>
      %mul3A_533 = arith.muli %add3A_530, %mul3A_532 : vector<16xi32>
      %broadcast_in_dim3A_534 = arith.constant 0 : i32
      %broadcast_in_dim3A_535 = vector.broadcast %broadcast_in_dim3A_534 : i32 to vector<16xi32>
      %gather3A = tpu.vector_load_idx %arg15[%add3A_530, %broadcast_in_dim3A_535] : memref<512x32xf32, #tpu.memory_space<vmem>>[vector<16xi32>, vector<16xi32>], vector<16xf32>,
      %gather3A_536 = tpu.vector_load_idx %arg16[%add3A_530, %broadcast_in_dim3A_535] : memref<512x32xf32, #tpu.memory_space<vmem>>[vector<16xi32>, vector<16xi32>], vector<16xf32>,
      %mul3A_537 = arith.mulf %gather3A, %gather3A_536 : vector<16xf32>
      %add3A_538 = arith.addf %broadcast_in_dim3A_509, %mul3A_537 : vector<16xf32>
      %mul3A_539 = arith.mulf %gather3A, %gather3A : vector<16xf32>
      %add3A_540 = arith.addf %broadcast_in_dim3A_509, %mul3A_539 : vector<16xf32>
      %mul3A_541 = arith.mulf %gather3A_536, %gather3A_536 : vector<16xf32>
      %add3A_542 = arith.addf %broadcast_in_dim3A_509, %mul3A_541 : vector<16xf32>
      %add3A_543 = arith.constant 0 : i32
      %add3A_544 = vector.broadcast %add3A_543 : i32 to vector<16xi32>
      %add3A_545 = arith.addi %mul3A_533, %add3A_544 : vector<16xi32>
      %gather3A_546 = tpu.vector_load_idx %arg17[%add3A_545, %broadcast_in_dim3A_535] : memref<2048x32xf32, #tpu.memory_space<vmem>>[vector<16xi32>, vector<16xi32>], vector<16xf32>,
      %mul3A_547 = arith.mulf %gather3A, %gather3A_546 : vector<16xf32>
      %add3A_548 = arith.addf %broadcast_in_dim3A_509, %mul3A_547 : vector<16xf32>
      %add3A_549 = arith.constant 1 : i32
      %add3A_550 = vector.broadcast %add3A_549 : i32 to vector<16xi32>
      %add3A_551 = arith.addi %mul3A_533, %add3A_550 : vector<16xi32>
      %gather3A_552 = tpu.vector_load_idx %arg17[%add3A_551, %broadcast_in_dim3A_535] : memref<2048x32xf32, #tpu.memory_space<vmem>>[vector<16xi32>, vector<16xi32>], vector<16xf32>,
      %mul3A_553 = arith.mulf %gather3A, %gather3A_552 : vector<16xf32>
      %add3A_554 = arith.addf %broadcast_in_dim3A_509, %mul3A_553 : vector<16xf32>
      %add3A_555 = arith.constant 2 : i32
      %add3A_556 = vector.broadcast %add3A_555 : i32 to vector<16xi32>
      %add3A_557 = arith.addi %mul3A_533, %add3A_556 : vector<16xi32>
      %gather3A_558 = tpu.vector_load_idx %arg17[%add3A_557, %broadcast_in_dim3A_535] : memref<2048x32xf32, #tpu.memory_space<vmem>>[vector<16xi32>, vector<16xi32>], vector<16xf32>,
      %mul3A_559 = arith.mulf %gather3A, %gather3A_558 : vector<16xf32>
      %add3A_560 = arith.addf %broadcast_in_dim3A_509, %mul3A_559 : vector<16xf32>
      %add3A_561 = arith.constant 3 : i32
      %add3A_562 = vector.broadcast %add3A_561 : i32 to vector<16xi32>
      %add3A_563 = arith.addi %mul3A_533, %add3A_562 : vector<16xi32>
      %gather3A_564 = tpu.vector_load_idx %arg17[%add3A_563, %broadcast_in_dim3A_535] : memref<2048x32xf32, #tpu.memory_space<vmem>>[vector<16xi32>, vector<16xi32>], vector<16xf32>,
      %mul3A_565 = arith.mulf %gather3A, %gather3A_564 : vector<16xf32>
      %add3A_566 = arith.addf %broadcast_in_dim3A_509, %mul3A_565 : vector<16xf32>
      %mul3A_567 = arith.mulf %gather3A_564, %gather3A_564 : vector<16xf32>
      %add3A_568 = arith.addf %broadcast_in_dim3A_509, %mul3A_567 : vector<16xf32>
      %broadcast_in_dim3A_569 = arith.constant 1 : i32
      %broadcast_in_dim3A_570 = vector.broadcast %broadcast_in_dim3A_569 : i32 to vector<16xi32>
      %gather3A_571 = tpu.vector_load_idx %arg15[%add3A_530, %broadcast_in_dim3A_570] : memref<512x32xf32, #tpu.memory_space<vmem>>[vector<16xi32>, vector<16xi32>], vector<16xf32>,
      %gather3A_572 = tpu.vector_load_idx %arg16[%add3A_530, %broadcast_in_dim3A_570] : memref<512x32xf32, #tpu.memory_space<vmem>>[vector<16xi32>, vector<16xi32>], vector<16xf32>,
      %mul3A_573 = arith.mulf %gather3A_571, %gather3A_572 : vector<16xf32>
      %add3A_574 = arith.addf %add3A_538, %mul3A_573 : vector<16xf32>
      %mul3A_575 = arith.mulf %gather3A_571, %gather3A_571 : vector<16xf32>
      %add3A_576 = arith.addf %add3A_540, %mul3A_575 : vector<16xf32>
      %mul3A_577 = arith.mulf %gather3A_572, %gather3A_572 : vector<16xf32>
      %add3A_578 = arith.addf %add3A_542, %mul3A_577 : vector<16xf32>
      %add3A_579 = arith.constant 0 : i32
      %add3A_580 = vector.broadcast %add3A_579 : i32 to vector<16xi32>
      %add3A_581 = arith.addi %mul3A_533, %add3A_580 : vector<16xi32>
      %gather3A_582 = tpu.vector_load_idx %arg17[%add3A_581, %broadcast_in_dim3A_570] : memref<2048x32xf32, #tpu.memory_space<vmem>>[vector<16xi32>, vector<16xi32>], vector<16xf32>,
      %mul3A_583 = arith.mulf %gather3A_571, %gather3A_582 : vector<16xf32>
      %add3A_584 = arith.addf %add3A_548, %mul3A_583 : vector<16xf32>
      %add3A_585 = arith.constant 1 : i32
      %add3A_586 = vector.broadcast %add3A_585 : i32 to vector<16xi32>
      %add3A_587 = arith.addi %mul3A_533, %add3A_586 : vector<16xi32>
      %gather3A_588 = tpu.vector_load_idx %arg17[%add3A_587, %broadcast_in_dim3A_570] : memref<2048x32xf32, #tpu.memory_space<vmem>>[vector<16xi32>, vector<16xi32>], vector<16xf32>,
      %mul3A_589 = arith.mulf %gather3A_571, %gather3A_588 : vector<16xf32>
      %add3A_590 = arith.addf %add3A_554, %mul3A_589 : vector<16xf32>
      %add3A_591 = arith.constant 2 : i32
      %add3A_592 = vector.broadcast %add3A_591 : i32 to vector<16xi32>
      %add3A_593 = arith.addi %mul3A_533, %add3A_592 : vector<16xi32>
      %gather3A_594 = tpu.vector_load_idx %arg17[%add3A_593, %broadcast_in_dim3A_570] : memref<2048x32xf32, #tpu.memory_space<vmem>>[vector<16xi32>, vector<16xi32>], vector<16xf32>,
      %mul3A_595 = arith.mulf %gather3A_571, %gather3A_594 : vector<16xf32>
      %add3A_596 = arith.addf %add3A_560, %mul3A_595 : vector<16xf32>
      %add3A_597 = arith.constant 3 : i32
      %add3A_598 = vector.broadcast %add3A_597 : i32 to vector<16xi32>
      %add3A_599 = arith.addi %mul3A_533, %add3A_598 : vector<16xi32>
      %gather3A_600 = tpu.vector_load_idx %arg17[%add3A_599, %broadcast_in_dim3A_570] : memref<2048x32xf32, #tpu.memory_space<vmem>>[vector<16xi32>, vector<16xi32>], vector<16xf32>,
      %mul3A_601 = arith.mulf %gather3A_571, %gather3A_600 : vector<16xf32>
      %add3A_602 = arith.addf %add3A_566, %mul3A_601 : vector<16xf32>
      %mul3A_603 = arith.mulf %gather3A_600, %gather3A_600 : vector<16xf32>
      %add3A_604 = arith.addf %add3A_568, %mul3A_603 : vector<16xf32>
      %broadcast_in_dim3A_605 = arith.constant 2 : i32
      %broadcast_in_dim3A_606 = vector.broadcast %broadcast_in_dim3A_605 : i32 to vector<16xi32>
      %gather3A_607 = tpu.vector_load_idx %arg15[%add3A_530, %broadcast_in_dim3A_606] : memref<512x32xf32, #tpu.memory_space<vmem>>[vector<16xi32>, vector<16xi32>], vector<16xf32>,
      %gather3A_608 = tpu.vector_load_idx %arg16[%add3A_530, %broadcast_in_dim3A_606] : memref<512x32xf32, #tpu.memory_space<vmem>>[vector<16xi32>, vector<16xi32>], vector<16xf32>,
      %mul3A_609 = arith.mulf %gather3A_607, %gather3A_608 : vector<16xf32>
      %add3A_610 = arith.addf %add3A_574, %mul3A_609 : vector<16xf32>
      %mul3A_611 = arith.mulf %gather3A_607, %gather3A_607 : vector<16xf32>
      %add3A_612 = arith.addf %add3A_576, %mul3A_611 : vector<16xf32>
      %mul3A_613 = arith.mulf %gather3A_608, %gather3A_608 : vector<16xf32>
      %add3A_614 = arith.addf %add3A_578, %mul3A_613 : vector<16xf32>
      %add3A_615 = arith.constant 0 : i32
      %add3A_616 = vector.broadcast %add3A_615 : i32 to vector<16xi32>
      %add3A_617 = arith.addi %mul3A_533, %add3A_616 : vector<16xi32>
      %gather3A_618 = tpu.vector_load_idx %arg17[%add3A_617, %broadcast_in_dim3A_606] : memref<2048x32xf32, #tpu.memory_space<vmem>>[vector<16xi32>, vector<16xi32>], vector<16xf32>,
      %mul3A_619 = arith.mulf %gather3A_607, %gather3A_618 : vector<16xf32>
      %add3A_620 = arith.addf %add3A_584, %mul3A_619 : vector<16xf32>
      %add3A_621 = arith.constant 1 : i32
      %add3A_622 = vector.broadcast %add3A_621 : i32 to vector<16xi32>
      %add3A_623 = arith.addi %mul3A_533, %add3A_622 : vector<16xi32>
      %gather3A_624 = tpu.vector_load_idx %arg17[%add3A_623, %broadcast_in_dim3A_606] : memref<2048x32xf32, #tpu.memory_space<vmem>>[vector<16xi32>, vector<16xi32>], vector<16xf32>,
      %mul3A_625 = arith.mulf %gather3A_607, %gather3A_624 : vector<16xf32>
      %add3A_626 = arith.addf %add3A_590, %mul3A_625 : vector<16xf32>
      %add3A_627 = arith.constant 2 : i32
      %add3A_628 = vector.broadcast %add3A_627 : i32 to vector<16xi32>
      %add3A_629 = arith.addi %mul3A_533, %add3A_628 : vector<16xi32>
      %gather3A_630 = tpu.vector_load_idx %arg17[%add3A_629, %broadcast_in_dim3A_606] : memref<2048x32xf32, #tpu.memory_space<vmem>>[vector<16xi32>, vector<16xi32>], vector<16xf32>,
      %mul3A_631 = arith.mulf %gather3A_607, %gather3A_630 : vector<16xf32>
      %add3A_632 = arith.addf %add3A_596, %mul3A_631 : vector<16xf32>
      %add3A_633 = arith.constant 3 : i32
      %add3A_634 = vector.broadcast %add3A_633 : i32 to vector<16xi32>
      %add3A_635 = arith.addi %mul3A_533, %add3A_634 : vector<16xi32>
      %gather3A_636 = tpu.vector_load_idx %arg17[%add3A_635, %broadcast_in_dim3A_606] : memref<2048x32xf32, #tpu.memory_space<vmem>>[vector<16xi32>, vector<16xi32>], vector<16xf32>,
      %mul3A_637 = arith.mulf %gather3A_607, %gather3A_636 : vector<16xf32>
      %add3A_638 = arith.addf %add3A_602, %mul3A_637 : vector<16xf32>
      %mul3A_639 = arith.mulf %gather3A_636, %gather3A_636 : vector<16xf32>
      %add3A_640 = arith.addf %add3A_604, %mul3A_639 : vector<16xf32>
      %broadcast_in_dim3A_641 = arith.constant 3 : i32
      %broadcast_in_dim3A_642 = vector.broadcast %broadcast_in_dim3A_641 : i32 to vector<16xi32>
      %gather3A_643 = tpu.vector_load_idx %arg15[%add3A_530, %broadcast_in_dim3A_642] : memref<512x32xf32, #tpu.memory_space<vmem>>[vector<16xi32>, vector<16xi32>], vector<16xf32>,
      %gather3A_644 = tpu.vector_load_idx %arg16[%add3A_530, %broadcast_in_dim3A_642] : memref<512x32xf32, #tpu.memory_space<vmem>>[vector<16xi32>, vector<16xi32>], vector<16xf32>,
      %mul3A_645 = arith.mulf %gather3A_643, %gather3A_644 : vector<16xf32>
      %add3A_646 = arith.addf %add3A_610, %mul3A_645 : vector<16xf32>
      %mul3A_647 = arith.mulf %gather3A_643, %gather3A_643 : vector<16xf32>
      %add3A_648 = arith.addf %add3A_612, %mul3A_647 : vector<16xf32>
      %mul3A_649 = arith.mulf %gather3A_644, %gather3A_644 : vector<16xf32>
      %add3A_650 = arith.addf %add3A_614, %mul3A_649 : vector<16xf32>
      %add3A_651 = arith.constant 0 : i32
      %add3A_652 = vector.broadcast %add3A_651 : i32 to vector<16xi32>
      %add3A_653 = arith.addi %mul3A_533, %add3A_652 : vector<16xi32>
      %gather3A_654 = tpu.vector_load_idx %arg17[%add3A_653, %broadcast_in_dim3A_642] : memref<2048x32xf32, #tpu.memory_space<vmem>>[vector<16xi32>, vector<16xi32>], vector<16xf32>,
      %mul3A_655 = arith.mulf %gather3A_643, %gather3A_654 : vector<16xf32>
      %add3A_656 = arith.addf %add3A_620, %mul3A_655 : vector<16xf32>
      %add3A_657 = arith.constant 1 : i32
      %add3A_658 = vector.broadcast %add3A_657 : i32 to vector<16xi32>
      %add3A_659 = arith.addi %mul3A_533, %add3A_658 : vector<16xi32>
      %gather3A_660 = tpu.vector_load_idx %arg17[%add3A_659, %broadcast_in_dim3A_642] : memref<2048x32xf32, #tpu.memory_space<vmem>>[vector<16xi32>, vector<16xi32>], vector<16xf32>,
      %mul3A_661 = arith.mulf %gather3A_643, %gather3A_660 : vector<16xf32>
      %add3A_662 = arith.addf %add3A_626, %mul3A_661 : vector<16xf32>
      %add3A_663 = arith.constant 2 : i32
      %add3A_664 = vector.broadcast %add3A_663 : i32 to vector<16xi32>
      %add3A_665 = arith.addi %mul3A_533, %add3A_664 : vector<16xi32>
      %gather3A_666 = tpu.vector_load_idx %arg17[%add3A_665, %broadcast_in_dim3A_642] : memref<2048x32xf32, #tpu.memory_space<vmem>>[vector<16xi32>, vector<16xi32>], vector<16xf32>,
      %mul3A_667 = arith.mulf %gather3A_643, %gather3A_666 : vector<16xf32>
      %add3A_668 = arith.addf %add3A_632, %mul3A_667 : vector<16xf32>
      %add3A_669 = arith.constant 3 : i32
      %add3A_670 = vector.broadcast %add3A_669 : i32 to vector<16xi32>
      %add3A_671 = arith.addi %mul3A_533, %add3A_670 : vector<16xi32>
      %gather3A_672 = tpu.vector_load_idx %arg17[%add3A_671, %broadcast_in_dim3A_642] : memref<2048x32xf32, #tpu.memory_space<vmem>>[vector<16xi32>, vector<16xi32>], vector<16xf32>,
      %mul3A_673 = arith.mulf %gather3A_643, %gather3A_672 : vector<16xf32>
      %add3A_674 = arith.addf %add3A_638, %mul3A_673 : vector<16xf32>
      %mul3A_675 = arith.mulf %gather3A_672, %gather3A_672 : vector<16xf32>
      %add3A_676 = arith.addf %add3A_640, %mul3A_675 : vector<16xf32>
      %broadcast_in_dim3A_677 = arith.constant 4 : i32
      %broadcast_in_dim3A_678 = vector.broadcast %broadcast_in_dim3A_677 : i32 to vector<16xi32>
      %gather3A_679 = tpu.vector_load_idx %arg15[%add3A_530, %broadcast_in_dim3A_678] : memref<512x32xf32, #tpu.memory_space<vmem>>[vector<16xi32>, vector<16xi32>], vector<16xf32>,
      %gather3A_680 = tpu.vector_load_idx %arg16[%add3A_530, %broadcast_in_dim3A_678] : memref<512x32xf32, #tpu.memory_space<vmem>>[vector<16xi32>, vector<16xi32>], vector<16xf32>,
      %mul3A_681 = arith.mulf %gather3A_679, %gather3A_680 : vector<16xf32>
      %add3A_682 = arith.addf %add3A_646, %mul3A_681 : vector<16xf32>
      %mul3A_683 = arith.mulf %gather3A_679, %gather3A_679 : vector<16xf32>
      %add3A_684 = arith.addf %add3A_648, %mul3A_683 : vector<16xf32>
      %mul3A_685 = arith.mulf %gather3A_680, %gather3A_680 : vector<16xf32>
      %add3A_686 = arith.addf %add3A_650, %mul3A_685 : vector<16xf32>
      %add3A_687 = arith.constant 0 : i32
      %add3A_688 = vector.broadcast %add3A_687 : i32 to vector<16xi32>
      %add3A_689 = arith.addi %mul3A_533, %add3A_688 : vector<16xi32>
      %gather3A_690 = tpu.vector_load_idx %arg17[%add3A_689, %broadcast_in_dim3A_678] : memref<2048x32xf32, #tpu.memory_space<vmem>>[vector<16xi32>, vector<16xi32>], vector<16xf32>,
      %mul3A_691 = arith.mulf %gather3A_679, %gather3A_690 : vector<16xf32>
      %add3A_692 = arith.addf %add3A_656, %mul3A_691 : vector<16xf32>
      %add3A_693 = arith.constant 1 : i32
      %add3A_694 = vector.broadcast %add3A_693 : i32 to vector<16xi32>
      %add3A_695 = arith.addi %mul3A_533, %add3A_694 : vector<16xi32>
      %gather3A_696 = tpu.vector_load_idx %arg17[%add3A_695, %broadcast_in_dim3A_678] : memref<2048x32xf32, #tpu.memory_space<vmem>>[vector<16xi32>, vector<16xi32>], vector<16xf32>,
      %mul3A_697 = arith.mulf %gather3A_679, %gather3A_696 : vector<16xf32>
      %add3A_698 = arith.addf %add3A_662, %mul3A_697 : vector<16xf32>
      %add3A_699 = arith.constant 2 : i32
      %add3A_700 = vector.broadcast %add3A_699 : i32 to vector<16xi32>
      %add3A_701 = arith.addi %mul3A_533, %add3A_700 : vector<16xi32>
      %gather3A_702 = tpu.vector_load_idx %arg17[%add3A_701, %broadcast_in_dim3A_678] : memref<2048x32xf32, #tpu.memory_space<vmem>>[vector<16xi32>, vector<16xi32>], vector<16xf32>,
      %mul3A_703 = arith.mulf %gather3A_679, %gather3A_702 : vector<16xf32>
      %add3A_704 = arith.addf %add3A_668, %mul3A_703 : vector<16xf32>
      %add3A_705 = arith.constant 3 : i32
      %add3A_706 = vector.broadcast %add3A_705 : i32 to vector<16xi32>
      %add3A_707 = arith.addi %mul3A_533, %add3A_706 : vector<16xi32>
      %gather3A_708 = tpu.vector_load_idx %arg17[%add3A_707, %broadcast_in_dim3A_678] : memref<2048x32xf32, #tpu.memory_space<vmem>>[vector<16xi32>, vector<16xi32>], vector<16xf32>,
      %mul3A_709 = arith.mulf %gather3A_679, %gather3A_708 : vector<16xf32>
      %add3A_710 = arith.addf %add3A_674, %mul3A_709 : vector<16xf32>
      %mul3A_711 = arith.mulf %gather3A_708, %gather3A_708 : vector<16xf32>
      %add3A_712 = arith.addf %add3A_676, %mul3A_711 : vector<16xf32>
      %broadcast_in_dim3A_713 = arith.constant 5 : i32
      %broadcast_in_dim3A_714 = vector.broadcast %broadcast_in_dim3A_713 : i32 to vector<16xi32>
      %gather3A_715 = tpu.vector_load_idx %arg15[%add3A_530, %broadcast_in_dim3A_714] : memref<512x32xf32, #tpu.memory_space<vmem>>[vector<16xi32>, vector<16xi32>], vector<16xf32>,
      %gather3A_716 = tpu.vector_load_idx %arg16[%add3A_530, %broadcast_in_dim3A_714] : memref<512x32xf32, #tpu.memory_space<vmem>>[vector<16xi32>, vector<16xi32>], vector<16xf32>,
      %mul3A_717 = arith.mulf %gather3A_715, %gather3A_716 : vector<16xf32>
      %add3A_718 = arith.addf %add3A_682, %mul3A_717 : vector<16xf32>
      %mul3A_719 = arith.mulf %gather3A_715, %gather3A_715 : vector<16xf32>
      %add3A_720 = arith.addf %add3A_684, %mul3A_719 : vector<16xf32>
      %mul3A_721 = arith.mulf %gather3A_716, %gather3A_716 : vector<16xf32>
      %add3A_722 = arith.addf %add3A_686, %mul3A_721 : vector<16xf32>
      %add3A_723 = arith.constant 0 : i32
      %add3A_724 = vector.broadcast %add3A_723 : i32 to vector<16xi32>
      %add3A_725 = arith.addi %mul3A_533, %add3A_724 : vector<16xi32>
      %gather3A_726 = tpu.vector_load_idx %arg17[%add3A_725, %broadcast_in_dim3A_714] : memref<2048x32xf32, #tpu.memory_space<vmem>>[vector<16xi32>, vector<16xi32>], vector<16xf32>,
      %mul3A_727 = arith.mulf %gather3A_715, %gather3A_726 : vector<16xf32>
      %add3A_728 = arith.addf %add3A_692, %mul3A_727 : vector<16xf32>
      %add3A_729 = arith.constant 1 : i32
      %add3A_730 = vector.broadcast %add3A_729 : i32 to vector<16xi32>
      %add3A_731 = arith.addi %mul3A_533, %add3A_730 : vector<16xi32>
      %gather3A_732 = tpu.vector_load_idx %arg17[%add3A_731, %broadcast_in_dim3A_714] : memref<2048x32xf32, #tpu.memory_space<vmem>>[vector<16xi32>, vector<16xi32>], vector<16xf32>,
      %mul3A_733 = arith.mulf %gather3A_715, %gather3A_732 : vector<16xf32>
      %add3A_734 = arith.addf %add3A_698, %mul3A_733 : vector<16xf32>
      %add3A_735 = arith.constant 2 : i32
      %add3A_736 = vector.broadcast %add3A_735 : i32 to vector<16xi32>
      %add3A_737 = arith.addi %mul3A_533, %add3A_736 : vector<16xi32>
      %gather3A_738 = tpu.vector_load_idx %arg17[%add3A_737, %broadcast_in_dim3A_714] : memref<2048x32xf32, #tpu.memory_space<vmem>>[vector<16xi32>, vector<16xi32>], vector<16xf32>,
      %mul3A_739 = arith.mulf %gather3A_715, %gather3A_738 : vector<16xf32>
      %add3A_740 = arith.addf %add3A_704, %mul3A_739 : vector<16xf32>
      %add3A_741 = arith.constant 3 : i32
      %add3A_742 = vector.broadcast %add3A_741 : i32 to vector<16xi32>
      %add3A_743 = arith.addi %mul3A_533, %add3A_742 : vector<16xi32>
      %gather3A_744 = tpu.vector_load_idx %arg17[%add3A_743, %broadcast_in_dim3A_714] : memref<2048x32xf32, #tpu.memory_space<vmem>>[vector<16xi32>, vector<16xi32>], vector<16xf32>,
      %mul3A_745 = arith.mulf %gather3A_715, %gather3A_744 : vector<16xf32>
      %add3A_746 = arith.addf %add3A_710, %mul3A_745 : vector<16xf32>
      %mul3A_747 = arith.mulf %gather3A_744, %gather3A_744 : vector<16xf32>
      %add3A_748 = arith.addf %add3A_712, %mul3A_747 : vector<16xf32>
      %broadcast_in_dim3A_749 = arith.constant 6 : i32
      %broadcast_in_dim3A_750 = vector.broadcast %broadcast_in_dim3A_749 : i32 to vector<16xi32>
      %gather3A_751 = tpu.vector_load_idx %arg15[%add3A_530, %broadcast_in_dim3A_750] : memref<512x32xf32, #tpu.memory_space<vmem>>[vector<16xi32>, vector<16xi32>], vector<16xf32>,
      %gather3A_752 = tpu.vector_load_idx %arg16[%add3A_530, %broadcast_in_dim3A_750] : memref<512x32xf32, #tpu.memory_space<vmem>>[vector<16xi32>, vector<16xi32>], vector<16xf32>,
      %mul3A_753 = arith.mulf %gather3A_751, %gather3A_752 : vector<16xf32>
      %add3A_754 = arith.addf %add3A_718, %mul3A_753 : vector<16xf32>
      %mul3A_755 = arith.mulf %gather3A_751, %gather3A_751 : vector<16xf32>
      %add3A_756 = arith.addf %add3A_720, %mul3A_755 : vector<16xf32>
      %mul3A_757 = arith.mulf %gather3A_752, %gather3A_752 : vector<16xf32>
      %add3A_758 = arith.addf %add3A_722, %mul3A_757 : vector<16xf32>
      %add3A_759 = arith.constant 0 : i32
      %add3A_760 = vector.broadcast %add3A_759 : i32 to vector<16xi32>
      %add3A_761 = arith.addi %mul3A_533, %add3A_760 : vector<16xi32>
      %gather3A_762 = tpu.vector_load_idx %arg17[%add3A_761, %broadcast_in_dim3A_750] : memref<2048x32xf32, #tpu.memory_space<vmem>>[vector<16xi32>, vector<16xi32>], vector<16xf32>,
      %mul3A_763 = arith.mulf %gather3A_751, %gather3A_762 : vector<16xf32>
      %add3A_764 = arith.addf %add3A_728, %mul3A_763 : vector<16xf32>
      %add3A_765 = arith.constant 1 : i32
      %add3A_766 = vector.broadcast %add3A_765 : i32 to vector<16xi32>
      %add3A_767 = arith.addi %mul3A_533, %add3A_766 : vector<16xi32>
      %gather3A_768 = tpu.vector_load_idx %arg17[%add3A_767, %broadcast_in_dim3A_750] : memref<2048x32xf32, #tpu.memory_space<vmem>>[vector<16xi32>, vector<16xi32>], vector<16xf32>,
      %mul3A_769 = arith.mulf %gather3A_751, %gather3A_768 : vector<16xf32>
      %add3A_770 = arith.addf %add3A_734, %mul3A_769 : vector<16xf32>
      %add3A_771 = arith.constant 2 : i32
      %add3A_772 = vector.broadcast %add3A_771 : i32 to vector<16xi32>
      %add3A_773 = arith.addi %mul3A_533, %add3A_772 : vector<16xi32>
      %gather3A_774 = tpu.vector_load_idx %arg17[%add3A_773, %broadcast_in_dim3A_750] : memref<2048x32xf32, #tpu.memory_space<vmem>>[vector<16xi32>, vector<16xi32>], vector<16xf32>,
      %mul3A_775 = arith.mulf %gather3A_751, %gather3A_774 : vector<16xf32>
      %add3A_776 = arith.addf %add3A_740, %mul3A_775 : vector<16xf32>
      %add3A_777 = arith.constant 3 : i32
      %add3A_778 = vector.broadcast %add3A_777 : i32 to vector<16xi32>
      %add3A_779 = arith.addi %mul3A_533, %add3A_778 : vector<16xi32>
      %gather3A_780 = tpu.vector_load_idx %arg17[%add3A_779, %broadcast_in_dim3A_750] : memref<2048x32xf32, #tpu.memory_space<vmem>>[vector<16xi32>, vector<16xi32>], vector<16xf32>,
      %mul3A_781 = arith.mulf %gather3A_751, %gather3A_780 : vector<16xf32>
      %add3A_782 = arith.addf %add3A_746, %mul3A_781 : vector<16xf32>
      %mul3A_783 = arith.mulf %gather3A_780, %gather3A_780 : vector<16xf32>
      %add3A_784 = arith.addf %add3A_748, %mul3A_783 : vector<16xf32>
      %broadcast_in_dim3A_785 = arith.constant 7 : i32
      %broadcast_in_dim3A_786 = vector.broadcast %broadcast_in_dim3A_785 : i32 to vector<16xi32>
      %gather3A_787 = tpu.vector_load_idx %arg15[%add3A_530, %broadcast_in_dim3A_786] : memref<512x32xf32, #tpu.memory_space<vmem>>[vector<16xi32>, vector<16xi32>], vector<16xf32>,
      %gather3A_788 = tpu.vector_load_idx %arg16[%add3A_530, %broadcast_in_dim3A_786] : memref<512x32xf32, #tpu.memory_space<vmem>>[vector<16xi32>, vector<16xi32>], vector<16xf32>,
      %mul3A_789 = arith.mulf %gather3A_787, %gather3A_788 : vector<16xf32>
      %add3A_790 = arith.addf %add3A_754, %mul3A_789 : vector<16xf32>
      %mul3A_791 = arith.mulf %gather3A_787, %gather3A_787 : vector<16xf32>
      %add3A_792 = arith.addf %add3A_756, %mul3A_791 : vector<16xf32>
      %mul3A_793 = arith.mulf %gather3A_788, %gather3A_788 : vector<16xf32>
      %add3A_794 = arith.addf %add3A_758, %mul3A_793 : vector<16xf32>
      %add3A_795 = arith.constant 0 : i32
      %add3A_796 = vector.broadcast %add3A_795 : i32 to vector<16xi32>
      %add3A_797 = arith.addi %mul3A_533, %add3A_796 : vector<16xi32>
      %gather3A_798 = tpu.vector_load_idx %arg17[%add3A_797, %broadcast_in_dim3A_786] : memref<2048x32xf32, #tpu.memory_space<vmem>>[vector<16xi32>, vector<16xi32>], vector<16xf32>,
      %mul3A_799 = arith.mulf %gather3A_787, %gather3A_798 : vector<16xf32>
      %add3A_800 = arith.addf %add3A_764, %mul3A_799 : vector<16xf32>
      %add3A_801 = arith.constant 1 : i32
      %add3A_802 = vector.broadcast %add3A_801 : i32 to vector<16xi32>
      %add3A_803 = arith.addi %mul3A_533, %add3A_802 : vector<16xi32>
      %gather3A_804 = tpu.vector_load_idx %arg17[%add3A_803, %broadcast_in_dim3A_786] : memref<2048x32xf32, #tpu.memory_space<vmem>>[vector<16xi32>, vector<16xi32>], vector<16xf32>,
      %mul3A_805 = arith.mulf %gather3A_787, %gather3A_804 : vector<16xf32>
      %add3A_806 = arith.addf %add3A_770, %mul3A_805 : vector<16xf32>
      %add3A_807 = arith.constant 2 : i32
      %add3A_808 = vector.broadcast %add3A_807 : i32 to vector<16xi32>
      %add3A_809 = arith.addi %mul3A_533, %add3A_808 : vector<16xi32>
      %gather3A_810 = tpu.vector_load_idx %arg17[%add3A_809, %broadcast_in_dim3A_786] : memref<2048x32xf32, #tpu.memory_space<vmem>>[vector<16xi32>, vector<16xi32>], vector<16xf32>,
      %mul3A_811 = arith.mulf %gather3A_787, %gather3A_810 : vector<16xf32>
      %add3A_812 = arith.addf %add3A_776, %mul3A_811 : vector<16xf32>
      %add3A_813 = arith.constant 3 : i32
      %add3A_814 = vector.broadcast %add3A_813 : i32 to vector<16xi32>
      %add3A_815 = arith.addi %mul3A_533, %add3A_814 : vector<16xi32>
      %gather3A_816 = tpu.vector_load_idx %arg17[%add3A_815, %broadcast_in_dim3A_786] : memref<2048x32xf32, #tpu.memory_space<vmem>>[vector<16xi32>, vector<16xi32>], vector<16xf32>,
      %mul3A_817 = arith.mulf %gather3A_787, %gather3A_816 : vector<16xf32>
      %add3A_818 = arith.addf %add3A_782, %mul3A_817 : vector<16xf32>
      %mul3A_819 = arith.mulf %gather3A_816, %gather3A_816 : vector<16xf32>
      %add3A_820 = arith.addf %add3A_784, %mul3A_819 : vector<16xf32>
      %broadcast_in_dim3A_821 = arith.constant 8 : i32
      %broadcast_in_dim3A_822 = vector.broadcast %broadcast_in_dim3A_821 : i32 to vector<16xi32>
      %gather3A_823 = tpu.vector_load_idx %arg15[%add3A_530, %broadcast_in_dim3A_822] : memref<512x32xf32, #tpu.memory_space<vmem>>[vector<16xi32>, vector<16xi32>], vector<16xf32>,
      %gather3A_824 = tpu.vector_load_idx %arg16[%add3A_530, %broadcast_in_dim3A_822] : memref<512x32xf32, #tpu.memory_space<vmem>>[vector<16xi32>, vector<16xi32>], vector<16xf32>,
      %mul3A_825 = arith.mulf %gather3A_823, %gather3A_824 : vector<16xf32>
      %add3A_826 = arith.addf %add3A_790, %mul3A_825 : vector<16xf32>
      %mul3A_827 = arith.mulf %gather3A_823, %gather3A_823 : vector<16xf32>
      %add3A_828 = arith.addf %add3A_792, %mul3A_827 : vector<16xf32>
      %mul3A_829 = arith.mulf %gather3A_824, %gather3A_824 : vector<16xf32>
      %add3A_830 = arith.addf %add3A_794, %mul3A_829 : vector<16xf32>
      %add3A_831 = arith.constant 0 : i32
      %add3A_832 = vector.broadcast %add3A_831 : i32 to vector<16xi32>
      %add3A_833 = arith.addi %mul3A_533, %add3A_832 : vector<16xi32>
      %gather3A_834 = tpu.vector_load_idx %arg17[%add3A_833, %broadcast_in_dim3A_822] : memref<2048x32xf32, #tpu.memory_space<vmem>>[vector<16xi32>, vector<16xi32>], vector<16xf32>,
      %mul3A_835 = arith.mulf %gather3A_823, %gather3A_834 : vector<16xf32>
      %add3A_836 = arith.addf %add3A_800, %mul3A_835 : vector<16xf32>
      %add3A_837 = arith.constant 1 : i32
      %add3A_838 = vector.broadcast %add3A_837 : i32 to vector<16xi32>
      %add3A_839 = arith.addi %mul3A_533, %add3A_838 : vector<16xi32>
      %gather3A_840 = tpu.vector_load_idx %arg17[%add3A_839, %broadcast_in_dim3A_822] : memref<2048x32xf32, #tpu.memory_space<vmem>>[vector<16xi32>, vector<16xi32>], vector<16xf32>,
      %mul3A_841 = arith.mulf %gather3A_823, %gather3A_840 : vector<16xf32>
      %add3A_842 = arith.addf %add3A_806, %mul3A_841 : vector<16xf32>
      %add3A_843 = arith.constant 2 : i32
      %add3A_844 = vector.broadcast %add3A_843 : i32 to vector<16xi32>
      %add3A_845 = arith.addi %mul3A_533, %add3A_844 : vector<16xi32>
      %gather3A_846 = tpu.vector_load_idx %arg17[%add3A_845, %broadcast_in_dim3A_822] : memref<2048x32xf32, #tpu.memory_space<vmem>>[vector<16xi32>, vector<16xi32>], vector<16xf32>,
      %mul3A_847 = arith.mulf %gather3A_823, %gather3A_846 : vector<16xf32>
      %add3A_848 = arith.addf %add3A_812, %mul3A_847 : vector<16xf32>
      %add3A_849 = arith.constant 3 : i32
      %add3A_850 = vector.broadcast %add3A_849 : i32 to vector<16xi32>
      %add3A_851 = arith.addi %mul3A_533, %add3A_850 : vector<16xi32>
      %gather3A_852 = tpu.vector_load_idx %arg17[%add3A_851, %broadcast_in_dim3A_822] : memref<2048x32xf32, #tpu.memory_space<vmem>>[vector<16xi32>, vector<16xi32>], vector<16xf32>,
      %mul3A_853 = arith.mulf %gather3A_823, %gather3A_852 : vector<16xf32>
      %add3A_854 = arith.addf %add3A_818, %mul3A_853 : vector<16xf32>
      %mul3A_855 = arith.mulf %gather3A_852, %gather3A_852 : vector<16xf32>
      %add3A_856 = arith.addf %add3A_820, %mul3A_855 : vector<16xf32>
      %broadcast_in_dim3A_857 = arith.constant 9 : i32
      %broadcast_in_dim3A_858 = vector.broadcast %broadcast_in_dim3A_857 : i32 to vector<16xi32>
      %gather3A_859 = tpu.vector_load_idx %arg15[%add3A_530, %broadcast_in_dim3A_858] : memref<512x32xf32, #tpu.memory_space<vmem>>[vector<16xi32>, vector<16xi32>], vector<16xf32>,
      %gather3A_860 = tpu.vector_load_idx %arg16[%add3A_530, %broadcast_in_dim3A_858] : memref<512x32xf32, #tpu.memory_space<vmem>>[vector<16xi32>, vector<16xi32>], vector<16xf32>,
      %mul3A_861 = arith.mulf %gather3A_859, %gather3A_860 : vector<16xf32>
      %add3A_862 = arith.addf %add3A_826, %mul3A_861 : vector<16xf32>
      %mul3A_863 = arith.mulf %gather3A_859, %gather3A_859 : vector<16xf32>
      %add3A_864 = arith.addf %add3A_828, %mul3A_863 : vector<16xf32>
      %mul3A_865 = arith.mulf %gather3A_860, %gather3A_860 : vector<16xf32>
      %add3A_866 = arith.addf %add3A_830, %mul3A_865 : vector<16xf32>
      %add3A_867 = arith.constant 0 : i32
      %add3A_868 = vector.broadcast %add3A_867 : i32 to vector<16xi32>
      %add3A_869 = arith.addi %mul3A_533, %add3A_868 : vector<16xi32>
      %gather3A_870 = tpu.vector_load_idx %arg17[%add3A_869, %broadcast_in_dim3A_858] : memref<2048x32xf32, #tpu.memory_space<vmem>>[vector<16xi32>, vector<16xi32>], vector<16xf32>,
      %mul3A_871 = arith.mulf %gather3A_859, %gather3A_870 : vector<16xf32>
      %add3A_872 = arith.addf %add3A_836, %mul3A_871 : vector<16xf32>
      %add3A_873 = arith.constant 1 : i32
      %add3A_874 = vector.broadcast %add3A_873 : i32 to vector<16xi32>
      %add3A_875 = arith.addi %mul3A_533, %add3A_874 : vector<16xi32>
      %gather3A_876 = tpu.vector_load_idx %arg17[%add3A_875, %broadcast_in_dim3A_858] : memref<2048x32xf32, #tpu.memory_space<vmem>>[vector<16xi32>, vector<16xi32>], vector<16xf32>,
      %mul3A_877 = arith.mulf %gather3A_859, %gather3A_876 : vector<16xf32>
      %add3A_878 = arith.addf %add3A_842, %mul3A_877 : vector<16xf32>
      %add3A_879 = arith.constant 2 : i32
      %add3A_880 = vector.broadcast %add3A_879 : i32 to vector<16xi32>
      %add3A_881 = arith.addi %mul3A_533, %add3A_880 : vector<16xi32>
      %gather3A_882 = tpu.vector_load_idx %arg17[%add3A_881, %broadcast_in_dim3A_858] : memref<2048x32xf32, #tpu.memory_space<vmem>>[vector<16xi32>, vector<16xi32>], vector<16xf32>,
      %mul3A_883 = arith.mulf %gather3A_859, %gather3A_882 : vector<16xf32>
      %add3A_884 = arith.addf %add3A_848, %mul3A_883 : vector<16xf32>
      %add3A_885 = arith.constant 3 : i32
      %add3A_886 = vector.broadcast %add3A_885 : i32 to vector<16xi32>
      %add3A_887 = arith.addi %mul3A_533, %add3A_886 : vector<16xi32>
      %gather3A_888 = tpu.vector_load_idx %arg17[%add3A_887, %broadcast_in_dim3A_858] : memref<2048x32xf32, #tpu.memory_space<vmem>>[vector<16xi32>, vector<16xi32>], vector<16xf32>,
      %mul3A_889 = arith.mulf %gather3A_859, %gather3A_888 : vector<16xf32>
      %add3A_890 = arith.addf %add3A_854, %mul3A_889 : vector<16xf32>
      %mul3A_891 = arith.mulf %gather3A_888, %gather3A_888 : vector<16xf32>
      %add3A_892 = arith.addf %add3A_856, %mul3A_891 : vector<16xf32>
      %broadcast_in_dim3A_893 = arith.constant 10 : i32
      %broadcast_in_dim3A_894 = vector.broadcast %broadcast_in_dim3A_893 : i32 to vector<16xi32>
      %gather3A_895 = tpu.vector_load_idx %arg15[%add3A_530, %broadcast_in_dim3A_894] : memref<512x32xf32, #tpu.memory_space<vmem>>[vector<16xi32>, vector<16xi32>], vector<16xf32>,
      %gather3A_896 = tpu.vector_load_idx %arg16[%add3A_530, %broadcast_in_dim3A_894] : memref<512x32xf32, #tpu.memory_space<vmem>>[vector<16xi32>, vector<16xi32>], vector<16xf32>,
      %mul3A_897 = arith.mulf %gather3A_895, %gather3A_896 : vector<16xf32>
      %add3A_898 = arith.addf %add3A_862, %mul3A_897 : vector<16xf32>
      %mul3A_899 = arith.mulf %gather3A_895, %gather3A_895 : vector<16xf32>
      %add3A_900 = arith.addf %add3A_864, %mul3A_899 : vector<16xf32>
      %mul3A_901 = arith.mulf %gather3A_896, %gather3A_896 : vector<16xf32>
      %add3A_902 = arith.addf %add3A_866, %mul3A_901 : vector<16xf32>
      %add3A_903 = arith.constant 0 : i32
      %add3A_904 = vector.broadcast %add3A_903 : i32 to vector<16xi32>
      %add3A_905 = arith.addi %mul3A_533, %add3A_904 : vector<16xi32>
      %gather3A_906 = tpu.vector_load_idx %arg17[%add3A_905, %broadcast_in_dim3A_894] : memref<2048x32xf32, #tpu.memory_space<vmem>>[vector<16xi32>, vector<16xi32>], vector<16xf32>,
      %mul3A_907 = arith.mulf %gather3A_895, %gather3A_906 : vector<16xf32>
      %add3A_908 = arith.addf %add3A_872, %mul3A_907 : vector<16xf32>
      %add3A_909 = arith.constant 1 : i32
      %add3A_910 = vector.broadcast %add3A_909 : i32 to vector<16xi32>
      %add3A_911 = arith.addi %mul3A_533, %add3A_910 : vector<16xi32>
      %gather3A_912 = tpu.vector_load_idx %arg17[%add3A_911, %broadcast_in_dim3A_894] : memref<2048x32xf32, #tpu.memory_space<vmem>>[vector<16xi32>, vector<16xi32>], vector<16xf32>,
      %mul3A_913 = arith.mulf %gather3A_895, %gather3A_912 : vector<16xf32>
      %add3A_914 = arith.addf %add3A_878, %mul3A_913 : vector<16xf32>
      %add3A_915 = arith.constant 2 : i32
      %add3A_916 = vector.broadcast %add3A_915 : i32 to vector<16xi32>
      %add3A_917 = arith.addi %mul3A_533, %add3A_916 : vector<16xi32>
      %gather3A_918 = tpu.vector_load_idx %arg17[%add3A_917, %broadcast_in_dim3A_894] : memref<2048x32xf32, #tpu.memory_space<vmem>>[vector<16xi32>, vector<16xi32>], vector<16xf32>,
      %mul3A_919 = arith.mulf %gather3A_895, %gather3A_918 : vector<16xf32>
      %add3A_920 = arith.addf %add3A_884, %mul3A_919 : vector<16xf32>
      %add3A_921 = arith.constant 3 : i32
      %add3A_922 = vector.broadcast %add3A_921 : i32 to vector<16xi32>
      %add3A_923 = arith.addi %mul3A_533, %add3A_922 : vector<16xi32>
      %gather3A_924 = tpu.vector_load_idx %arg17[%add3A_923, %broadcast_in_dim3A_894] : memref<2048x32xf32, #tpu.memory_space<vmem>>[vector<16xi32>, vector<16xi32>], vector<16xf32>,
      %mul3A_925 = arith.mulf %gather3A_895, %gather3A_924 : vector<16xf32>
      %add3A_926 = arith.addf %add3A_890, %mul3A_925 : vector<16xf32>
      %mul3A_927 = arith.mulf %gather3A_924, %gather3A_924 : vector<16xf32>
      %add3A_928 = arith.addf %add3A_892, %mul3A_927 : vector<16xf32>
      %broadcast_in_dim3A_929 = arith.constant 11 : i32
      %broadcast_in_dim3A_930 = vector.broadcast %broadcast_in_dim3A_929 : i32 to vector<16xi32>
      %gather3A_931 = tpu.vector_load_idx %arg15[%add3A_530, %broadcast_in_dim3A_930] : memref<512x32xf32, #tpu.memory_space<vmem>>[vector<16xi32>, vector<16xi32>], vector<16xf32>,
      %gather3A_932 = tpu.vector_load_idx %arg16[%add3A_530, %broadcast_in_dim3A_930] : memref<512x32xf32, #tpu.memory_space<vmem>>[vector<16xi32>, vector<16xi32>], vector<16xf32>,
      %mul3A_933 = arith.mulf %gather3A_931, %gather3A_932 : vector<16xf32>
      %add3A_934 = arith.addf %add3A_898, %mul3A_933 : vector<16xf32>
      %mul3A_935 = arith.mulf %gather3A_931, %gather3A_931 : vector<16xf32>
      %add3A_936 = arith.addf %add3A_900, %mul3A_935 : vector<16xf32>
      %mul3A_937 = arith.mulf %gather3A_932, %gather3A_932 : vector<16xf32>
      %add3A_938 = arith.addf %add3A_902, %mul3A_937 : vector<16xf32>
      %add3A_939 = arith.constant 0 : i32
      %add3A_940 = vector.broadcast %add3A_939 : i32 to vector<16xi32>
      %add3A_941 = arith.addi %mul3A_533, %add3A_940 : vector<16xi32>
      %gather3A_942 = tpu.vector_load_idx %arg17[%add3A_941, %broadcast_in_dim3A_930] : memref<2048x32xf32, #tpu.memory_space<vmem>>[vector<16xi32>, vector<16xi32>], vector<16xf32>,
      %mul3A_943 = arith.mulf %gather3A_931, %gather3A_942 : vector<16xf32>
      %add3A_944 = arith.addf %add3A_908, %mul3A_943 : vector<16xf32>
      %add3A_945 = arith.constant 1 : i32
      %add3A_946 = vector.broadcast %add3A_945 : i32 to vector<16xi32>
      %add3A_947 = arith.addi %mul3A_533, %add3A_946 : vector<16xi32>
      %gather3A_948 = tpu.vector_load_idx %arg17[%add3A_947, %broadcast_in_dim3A_930] : memref<2048x32xf32, #tpu.memory_space<vmem>>[vector<16xi32>, vector<16xi32>], vector<16xf32>,
      %mul3A_949 = arith.mulf %gather3A_931, %gather3A_948 : vector<16xf32>
      %add3A_950 = arith.addf %add3A_914, %mul3A_949 : vector<16xf32>
      %add3A_951 = arith.constant 2 : i32
      %add3A_952 = vector.broadcast %add3A_951 : i32 to vector<16xi32>
      %add3A_953 = arith.addi %mul3A_533, %add3A_952 : vector<16xi32>
      %gather3A_954 = tpu.vector_load_idx %arg17[%add3A_953, %broadcast_in_dim3A_930] : memref<2048x32xf32, #tpu.memory_space<vmem>>[vector<16xi32>, vector<16xi32>], vector<16xf32>,
      %mul3A_955 = arith.mulf %gather3A_931, %gather3A_954 : vector<16xf32>
      %add3A_956 = arith.addf %add3A_920, %mul3A_955 : vector<16xf32>
      %add3A_957 = arith.constant 3 : i32
      %add3A_958 = vector.broadcast %add3A_957 : i32 to vector<16xi32>
      %add3A_959 = arith.addi %mul3A_533, %add3A_958 : vector<16xi32>
      %gather3A_960 = tpu.vector_load_idx %arg17[%add3A_959, %broadcast_in_dim3A_930] : memref<2048x32xf32, #tpu.memory_space<vmem>>[vector<16xi32>, vector<16xi32>], vector<16xf32>,
      %mul3A_961 = arith.mulf %gather3A_931, %gather3A_960 : vector<16xf32>
      %add3A_962 = arith.addf %add3A_926, %mul3A_961 : vector<16xf32>
      %mul3A_963 = arith.mulf %gather3A_960, %gather3A_960 : vector<16xf32>
      %add3A_964 = arith.addf %add3A_928, %mul3A_963 : vector<16xf32>
      %broadcast_in_dim3A_965 = arith.constant 12 : i32
      %broadcast_in_dim3A_966 = vector.broadcast %broadcast_in_dim3A_965 : i32 to vector<16xi32>
      %gather3A_967 = tpu.vector_load_idx %arg15[%add3A_530, %broadcast_in_dim3A_966] : memref<512x32xf32, #tpu.memory_space<vmem>>[vector<16xi32>, vector<16xi32>], vector<16xf32>,
      %gather3A_968 = tpu.vector_load_idx %arg16[%add3A_530, %broadcast_in_dim3A_966] : memref<512x32xf32, #tpu.memory_space<vmem>>[vector<16xi32>, vector<16xi32>], vector<16xf32>,
      %mul3A_969 = arith.mulf %gather3A_967, %gather3A_968 : vector<16xf32>
      %add3A_970 = arith.addf %add3A_934, %mul3A_969 : vector<16xf32>
      %mul3A_971 = arith.mulf %gather3A_967, %gather3A_967 : vector<16xf32>
      %add3A_972 = arith.addf %add3A_936, %mul3A_971 : vector<16xf32>
      %mul3A_973 = arith.mulf %gather3A_968, %gather3A_968 : vector<16xf32>
      %add3A_974 = arith.addf %add3A_938, %mul3A_973 : vector<16xf32>
      %add3A_975 = arith.constant 0 : i32
      %add3A_976 = vector.broadcast %add3A_975 : i32 to vector<16xi32>
      %add3A_977 = arith.addi %mul3A_533, %add3A_976 : vector<16xi32>
      %gather3A_978 = tpu.vector_load_idx %arg17[%add3A_977, %broadcast_in_dim3A_966] : memref<2048x32xf32, #tpu.memory_space<vmem>>[vector<16xi32>, vector<16xi32>], vector<16xf32>,
      %mul3A_979 = arith.mulf %gather3A_967, %gather3A_978 : vector<16xf32>
      %add3A_980 = arith.addf %add3A_944, %mul3A_979 : vector<16xf32>
      %add3A_981 = arith.constant 1 : i32
      %add3A_982 = vector.broadcast %add3A_981 : i32 to vector<16xi32>
      %add3A_983 = arith.addi %mul3A_533, %add3A_982 : vector<16xi32>
      %gather3A_984 = tpu.vector_load_idx %arg17[%add3A_983, %broadcast_in_dim3A_966] : memref<2048x32xf32, #tpu.memory_space<vmem>>[vector<16xi32>, vector<16xi32>], vector<16xf32>,
      %mul3A_985 = arith.mulf %gather3A_967, %gather3A_984 : vector<16xf32>
      %add3A_986 = arith.addf %add3A_950, %mul3A_985 : vector<16xf32>
      %add3A_987 = arith.constant 2 : i32
      %add3A_988 = vector.broadcast %add3A_987 : i32 to vector<16xi32>
      %add3A_989 = arith.addi %mul3A_533, %add3A_988 : vector<16xi32>
      %gather3A_990 = tpu.vector_load_idx %arg17[%add3A_989, %broadcast_in_dim3A_966] : memref<2048x32xf32, #tpu.memory_space<vmem>>[vector<16xi32>, vector<16xi32>], vector<16xf32>,
      %mul3A_991 = arith.mulf %gather3A_967, %gather3A_990 : vector<16xf32>
      %add3A_992 = arith.addf %add3A_956, %mul3A_991 : vector<16xf32>
      %add3A_993 = arith.constant 3 : i32
      %add3A_994 = vector.broadcast %add3A_993 : i32 to vector<16xi32>
      %add3A_995 = arith.addi %mul3A_533, %add3A_994 : vector<16xi32>
      %gather3A_996 = tpu.vector_load_idx %arg17[%add3A_995, %broadcast_in_dim3A_966] : memref<2048x32xf32, #tpu.memory_space<vmem>>[vector<16xi32>, vector<16xi32>], vector<16xf32>,
      %mul3A_997 = arith.mulf %gather3A_967, %gather3A_996 : vector<16xf32>
      %add3A_998 = arith.addf %add3A_962, %mul3A_997 : vector<16xf32>
      %mul3A_999 = arith.mulf %gather3A_996, %gather3A_996 : vector<16xf32>
      %add3A_1000 = arith.addf %add3A_964, %mul3A_999 : vector<16xf32>
      %broadcast_in_dim3A_1001 = arith.constant 13 : i32
      %broadcast_in_dim3A_1002 = vector.broadcast %broadcast_in_dim3A_1001 : i32 to vector<16xi32>
      %gather3A_1003 = tpu.vector_load_idx %arg15[%add3A_530, %broadcast_in_dim3A_1002] : memref<512x32xf32, #tpu.memory_space<vmem>>[vector<16xi32>, vector<16xi32>], vector<16xf32>,
      %gather3A_1004 = tpu.vector_load_idx %arg16[%add3A_530, %broadcast_in_dim3A_1002] : memref<512x32xf32, #tpu.memory_space<vmem>>[vector<16xi32>, vector<16xi32>], vector<16xf32>,
      %mul3A_1005 = arith.mulf %gather3A_1003, %gather3A_1004 : vector<16xf32>
      %add3A_1006 = arith.addf %add3A_970, %mul3A_1005 : vector<16xf32>
      %mul3A_1007 = arith.mulf %gather3A_1003, %gather3A_1003 : vector<16xf32>
      %add3A_1008 = arith.addf %add3A_972, %mul3A_1007 : vector<16xf32>
      %mul3A_1009 = arith.mulf %gather3A_1004, %gather3A_1004 : vector<16xf32>
      %add3A_1010 = arith.addf %add3A_974, %mul3A_1009 : vector<16xf32>
      %add3A_1011 = arith.constant 0 : i32
      %add3A_1012 = vector.broadcast %add3A_1011 : i32 to vector<16xi32>
      %add3A_1013 = arith.addi %mul3A_533, %add3A_1012 : vector<16xi32>
      %gather3A_1014 = tpu.vector_load_idx %arg17[%add3A_1013, %broadcast_in_dim3A_1002] : memref<2048x32xf32, #tpu.memory_space<vmem>>[vector<16xi32>, vector<16xi32>], vector<16xf32>,
      %mul3A_1015 = arith.mulf %gather3A_1003, %gather3A_1014 : vector<16xf32>
      %add3A_1016 = arith.addf %add3A_980, %mul3A_1015 : vector<16xf32>
      %add3A_1017 = arith.constant 1 : i32
      %add3A_1018 = vector.broadcast %add3A_1017 : i32 to vector<16xi32>
      %add3A_1019 = arith.addi %mul3A_533, %add3A_1018 : vector<16xi32>
      %gather3A_1020 = tpu.vector_load_idx %arg17[%add3A_1019, %broadcast_in_dim3A_1002] : memref<2048x32xf32, #tpu.memory_space<vmem>>[vector<16xi32>, vector<16xi32>], vector<16xf32>,
      %mul3A_1021 = arith.mulf %gather3A_1003, %gather3A_1020 : vector<16xf32>
      %add3A_1022 = arith.addf %add3A_986, %mul3A_1021 : vector<16xf32>
      %add3A_1023 = arith.constant 2 : i32
      %add3A_1024 = vector.broadcast %add3A_1023 : i32 to vector<16xi32>
      %add3A_1025 = arith.addi %mul3A_533, %add3A_1024 : vector<16xi32>
      %gather3A_1026 = tpu.vector_load_idx %arg17[%add3A_1025, %broadcast_in_dim3A_1002] : memref<2048x32xf32, #tpu.memory_space<vmem>>[vector<16xi32>, vector<16xi32>], vector<16xf32>,
      %mul3A_1027 = arith.mulf %gather3A_1003, %gather3A_1026 : vector<16xf32>
      %add3A_1028 = arith.addf %add3A_992, %mul3A_1027 : vector<16xf32>
      %add3A_1029 = arith.constant 3 : i32
      %add3A_1030 = vector.broadcast %add3A_1029 : i32 to vector<16xi32>
      %add3A_1031 = arith.addi %mul3A_533, %add3A_1030 : vector<16xi32>
      %gather3A_1032 = tpu.vector_load_idx %arg17[%add3A_1031, %broadcast_in_dim3A_1002] : memref<2048x32xf32, #tpu.memory_space<vmem>>[vector<16xi32>, vector<16xi32>], vector<16xf32>,
      %mul3A_1033 = arith.mulf %gather3A_1003, %gather3A_1032 : vector<16xf32>
      %add3A_1034 = arith.addf %add3A_998, %mul3A_1033 : vector<16xf32>
      %mul3A_1035 = arith.mulf %gather3A_1032, %gather3A_1032 : vector<16xf32>
      %add3A_1036 = arith.addf %add3A_1000, %mul3A_1035 : vector<16xf32>
      %broadcast_in_dim3A_1037 = arith.constant 14 : i32
      %broadcast_in_dim3A_1038 = vector.broadcast %broadcast_in_dim3A_1037 : i32 to vector<16xi32>
      %gather3A_1039 = tpu.vector_load_idx %arg15[%add3A_530, %broadcast_in_dim3A_1038] : memref<512x32xf32, #tpu.memory_space<vmem>>[vector<16xi32>, vector<16xi32>], vector<16xf32>,
      %gather3A_1040 = tpu.vector_load_idx %arg16[%add3A_530, %broadcast_in_dim3A_1038] : memref<512x32xf32, #tpu.memory_space<vmem>>[vector<16xi32>, vector<16xi32>], vector<16xf32>,
      %mul3A_1041 = arith.mulf %gather3A_1039, %gather3A_1040 : vector<16xf32>
      %add3A_1042 = arith.addf %add3A_1006, %mul3A_1041 : vector<16xf32>
      %mul3A_1043 = arith.mulf %gather3A_1039, %gather3A_1039 : vector<16xf32>
      %add3A_1044 = arith.addf %add3A_1008, %mul3A_1043 : vector<16xf32>
      %mul3A_1045 = arith.mulf %gather3A_1040, %gather3A_1040 : vector<16xf32>
      %add3A_1046 = arith.addf %add3A_1010, %mul3A_1045 : vector<16xf32>
      %add3A_1047 = arith.constant 0 : i32
      %add3A_1048 = vector.broadcast %add3A_1047 : i32 to vector<16xi32>
      %add3A_1049 = arith.addi %mul3A_533, %add3A_1048 : vector<16xi32>
      %gather3A_1050 = tpu.vector_load_idx %arg17[%add3A_1049, %broadcast_in_dim3A_1038] : memref<2048x32xf32, #tpu.memory_space<vmem>>[vector<16xi32>, vector<16xi32>], vector<16xf32>,
      %mul3A_1051 = arith.mulf %gather3A_1039, %gather3A_1050 : vector<16xf32>
      %add3A_1052 = arith.addf %add3A_1016, %mul3A_1051 : vector<16xf32>
      %add3A_1053 = arith.constant 1 : i32
      %add3A_1054 = vector.broadcast %add3A_1053 : i32 to vector<16xi32>
      %add3A_1055 = arith.addi %mul3A_533, %add3A_1054 : vector<16xi32>
      %gather3A_1056 = tpu.vector_load_idx %arg17[%add3A_1055, %broadcast_in_dim3A_1038] : memref<2048x32xf32, #tpu.memory_space<vmem>>[vector<16xi32>, vector<16xi32>], vector<16xf32>,
      %mul3A_1057 = arith.mulf %gather3A_1039, %gather3A_1056 : vector<16xf32>
      %add3A_1058 = arith.addf %add3A_1022, %mul3A_1057 : vector<16xf32>
      %add3A_1059 = arith.constant 2 : i32
      %add3A_1060 = vector.broadcast %add3A_1059 : i32 to vector<16xi32>
      %add3A_1061 = arith.addi %mul3A_533, %add3A_1060 : vector<16xi32>
      %gather3A_1062 = tpu.vector_load_idx %arg17[%add3A_1061, %broadcast_in_dim3A_1038] : memref<2048x32xf32, #tpu.memory_space<vmem>>[vector<16xi32>, vector<16xi32>], vector<16xf32>,
      %mul3A_1063 = arith.mulf %gather3A_1039, %gather3A_1062 : vector<16xf32>
      %add3A_1064 = arith.addf %add3A_1028, %mul3A_1063 : vector<16xf32>
      %add3A_1065 = arith.constant 3 : i32
      %add3A_1066 = vector.broadcast %add3A_1065 : i32 to vector<16xi32>
      %add3A_1067 = arith.addi %mul3A_533, %add3A_1066 : vector<16xi32>
      %gather3A_1068 = tpu.vector_load_idx %arg17[%add3A_1067, %broadcast_in_dim3A_1038] : memref<2048x32xf32, #tpu.memory_space<vmem>>[vector<16xi32>, vector<16xi32>], vector<16xf32>,
      %mul3A_1069 = arith.mulf %gather3A_1039, %gather3A_1068 : vector<16xf32>
      %add3A_1070 = arith.addf %add3A_1034, %mul3A_1069 : vector<16xf32>
      %mul3A_1071 = arith.mulf %gather3A_1068, %gather3A_1068 : vector<16xf32>
      %add3A_1072 = arith.addf %add3A_1036, %mul3A_1071 : vector<16xf32>
      %broadcast_in_dim3A_1073 = arith.constant 15 : i32
      %broadcast_in_dim3A_1074 = vector.broadcast %broadcast_in_dim3A_1073 : i32 to vector<16xi32>
      %gather3A_1075 = tpu.vector_load_idx %arg15[%add3A_530, %broadcast_in_dim3A_1074] : memref<512x32xf32, #tpu.memory_space<vmem>>[vector<16xi32>, vector<16xi32>], vector<16xf32>,
      %gather3A_1076 = tpu.vector_load_idx %arg16[%add3A_530, %broadcast_in_dim3A_1074] : memref<512x32xf32, #tpu.memory_space<vmem>>[vector<16xi32>, vector<16xi32>], vector<16xf32>,
      %mul3A_1077 = arith.mulf %gather3A_1075, %gather3A_1076 : vector<16xf32>
      %add3A_1078 = arith.addf %add3A_1042, %mul3A_1077 : vector<16xf32>
      %mul3A_1079 = arith.mulf %gather3A_1075, %gather3A_1075 : vector<16xf32>
      %add3A_1080 = arith.addf %add3A_1044, %mul3A_1079 : vector<16xf32>
      %mul3A_1081 = arith.mulf %gather3A_1076, %gather3A_1076 : vector<16xf32>
      %add3A_1082 = arith.addf %add3A_1046, %mul3A_1081 : vector<16xf32>
      %add3A_1083 = arith.constant 0 : i32
      %add3A_1084 = vector.broadcast %add3A_1083 : i32 to vector<16xi32>
      %add3A_1085 = arith.addi %mul3A_533, %add3A_1084 : vector<16xi32>
      %gather3A_1086 = tpu.vector_load_idx %arg17[%add3A_1085, %broadcast_in_dim3A_1074] : memref<2048x32xf32, #tpu.memory_space<vmem>>[vector<16xi32>, vector<16xi32>], vector<16xf32>,
      %mul3A_1087 = arith.mulf %gather3A_1075, %gather3A_1086 : vector<16xf32>
      %add3A_1088 = arith.addf %add3A_1052, %mul3A_1087 : vector<16xf32>
      %add3A_1089 = arith.constant 1 : i32
      %add3A_1090 = vector.broadcast %add3A_1089 : i32 to vector<16xi32>
      %add3A_1091 = arith.addi %mul3A_533, %add3A_1090 : vector<16xi32>
      %gather3A_1092 = tpu.vector_load_idx %arg17[%add3A_1091, %broadcast_in_dim3A_1074] : memref<2048x32xf32, #tpu.memory_space<vmem>>[vector<16xi32>, vector<16xi32>], vector<16xf32>,
      %mul3A_1093 = arith.mulf %gather3A_1075, %gather3A_1092 : vector<16xf32>
      %add3A_1094 = arith.addf %add3A_1058, %mul3A_1093 : vector<16xf32>
      %add3A_1095 = arith.constant 2 : i32
      %add3A_1096 = vector.broadcast %add3A_1095 : i32 to vector<16xi32>
      %add3A_1097 = arith.addi %mul3A_533, %add3A_1096 : vector<16xi32>
      %gather3A_1098 = tpu.vector_load_idx %arg17[%add3A_1097, %broadcast_in_dim3A_1074] : memref<2048x32xf32, #tpu.memory_space<vmem>>[vector<16xi32>, vector<16xi32>], vector<16xf32>,
      %mul3A_1099 = arith.mulf %gather3A_1075, %gather3A_1098 : vector<16xf32>
      %add3A_1100 = arith.addf %add3A_1064, %mul3A_1099 : vector<16xf32>
      %add3A_1101 = arith.constant 3 : i32
      %add3A_1102 = vector.broadcast %add3A_1101 : i32 to vector<16xi32>
      %add3A_1103 = arith.addi %mul3A_533, %add3A_1102 : vector<16xi32>
      %gather3A_1104 = tpu.vector_load_idx %arg17[%add3A_1103, %broadcast_in_dim3A_1074] : memref<2048x32xf32, #tpu.memory_space<vmem>>[vector<16xi32>, vector<16xi32>], vector<16xf32>,
      %mul3A_1105 = arith.mulf %gather3A_1075, %gather3A_1104 : vector<16xf32>
      %add3A_1106 = arith.addf %add3A_1070, %mul3A_1105 : vector<16xf32>
      %mul3A_1107 = arith.mulf %gather3A_1104, %gather3A_1104 : vector<16xf32>
      %add3A_1108 = arith.addf %add3A_1072, %mul3A_1107 : vector<16xf32>
      %broadcast_in_dim3A_1109 = arith.constant 16 : i32
      %broadcast_in_dim3A_1110 = vector.broadcast %broadcast_in_dim3A_1109 : i32 to vector<16xi32>
      %gather3A_1111 = tpu.vector_load_idx %arg15[%add3A_530, %broadcast_in_dim3A_1110] : memref<512x32xf32, #tpu.memory_space<vmem>>[vector<16xi32>, vector<16xi32>], vector<16xf32>,
      %gather3A_1112 = tpu.vector_load_idx %arg16[%add3A_530, %broadcast_in_dim3A_1110] : memref<512x32xf32, #tpu.memory_space<vmem>>[vector<16xi32>, vector<16xi32>], vector<16xf32>,
      %mul3A_1113 = arith.mulf %gather3A_1111, %gather3A_1112 : vector<16xf32>
      %add3A_1114 = arith.addf %add3A_1078, %mul3A_1113 : vector<16xf32>
      %mul3A_1115 = arith.mulf %gather3A_1111, %gather3A_1111 : vector<16xf32>
      %add3A_1116 = arith.addf %add3A_1080, %mul3A_1115 : vector<16xf32>
      %mul3A_1117 = arith.mulf %gather3A_1112, %gather3A_1112 : vector<16xf32>
      %add3A_1118 = arith.addf %add3A_1082, %mul3A_1117 : vector<16xf32>
      %add3A_1119 = arith.constant 0 : i32
      %add3A_1120 = vector.broadcast %add3A_1119 : i32 to vector<16xi32>
      %add3A_1121 = arith.addi %mul3A_533, %add3A_1120 : vector<16xi32>
      %gather3A_1122 = tpu.vector_load_idx %arg17[%add3A_1121, %broadcast_in_dim3A_1110] : memref<2048x32xf32, #tpu.memory_space<vmem>>[vector<16xi32>, vector<16xi32>], vector<16xf32>,
      %mul3A_1123 = arith.mulf %gather3A_1111, %gather3A_1122 : vector<16xf32>
      %add3A_1124 = arith.addf %add3A_1088, %mul3A_1123 : vector<16xf32>
      %add3A_1125 = arith.constant 1 : i32
      %add3A_1126 = vector.broadcast %add3A_1125 : i32 to vector<16xi32>
      %add3A_1127 = arith.addi %mul3A_533, %add3A_1126 : vector<16xi32>
      %gather3A_1128 = tpu.vector_load_idx %arg17[%add3A_1127, %broadcast_in_dim3A_1110] : memref<2048x32xf32, #tpu.memory_space<vmem>>[vector<16xi32>, vector<16xi32>], vector<16xf32>,
      %mul3A_1129 = arith.mulf %gather3A_1111, %gather3A_1128 : vector<16xf32>
      %add3A_1130 = arith.addf %add3A_1094, %mul3A_1129 : vector<16xf32>
      %add3A_1131 = arith.constant 2 : i32
      %add3A_1132 = vector.broadcast %add3A_1131 : i32 to vector<16xi32>
      %add3A_1133 = arith.addi %mul3A_533, %add3A_1132 : vector<16xi32>
      %gather3A_1134 = tpu.vector_load_idx %arg17[%add3A_1133, %broadcast_in_dim3A_1110] : memref<2048x32xf32, #tpu.memory_space<vmem>>[vector<16xi32>, vector<16xi32>], vector<16xf32>,
      %mul3A_1135 = arith.mulf %gather3A_1111, %gather3A_1134 : vector<16xf32>
      %add3A_1136 = arith.addf %add3A_1100, %mul3A_1135 : vector<16xf32>
      %add3A_1137 = arith.constant 3 : i32
      %add3A_1138 = vector.broadcast %add3A_1137 : i32 to vector<16xi32>
      %add3A_1139 = arith.addi %mul3A_533, %add3A_1138 : vector<16xi32>
      %gather3A_1140 = tpu.vector_load_idx %arg17[%add3A_1139, %broadcast_in_dim3A_1110] : memref<2048x32xf32, #tpu.memory_space<vmem>>[vector<16xi32>, vector<16xi32>], vector<16xf32>,
      %mul3A_1141 = arith.mulf %gather3A_1111, %gather3A_1140 : vector<16xf32>
      %add3A_1142 = arith.addf %add3A_1106, %mul3A_1141 : vector<16xf32>
      %mul3A_1143 = arith.mulf %gather3A_1140, %gather3A_1140 : vector<16xf32>
      %add3A_1144 = arith.addf %add3A_1108, %mul3A_1143 : vector<16xf32>
      %broadcast_in_dim3A_1145 = arith.constant 17 : i32
      %broadcast_in_dim3A_1146 = vector.broadcast %broadcast_in_dim3A_1145 : i32 to vector<16xi32>
      %gather3A_1147 = tpu.vector_load_idx %arg15[%add3A_530, %broadcast_in_dim3A_1146] : memref<512x32xf32, #tpu.memory_space<vmem>>[vector<16xi32>, vector<16xi32>], vector<16xf32>,
      %gather3A_1148 = tpu.vector_load_idx %arg16[%add3A_530, %broadcast_in_dim3A_1146] : memref<512x32xf32, #tpu.memory_space<vmem>>[vector<16xi32>, vector<16xi32>], vector<16xf32>,
      %mul3A_1149 = arith.mulf %gather3A_1147, %gather3A_1148 : vector<16xf32>
      %add3A_1150 = arith.addf %add3A_1114, %mul3A_1149 : vector<16xf32>
      %mul3A_1151 = arith.mulf %gather3A_1147, %gather3A_1147 : vector<16xf32>
      %add3A_1152 = arith.addf %add3A_1116, %mul3A_1151 : vector<16xf32>
      %mul3A_1153 = arith.mulf %gather3A_1148, %gather3A_1148 : vector<16xf32>
      %add3A_1154 = arith.addf %add3A_1118, %mul3A_1153 : vector<16xf32>
      %add3A_1155 = arith.constant 0 : i32
      %add3A_1156 = vector.broadcast %add3A_1155 : i32 to vector<16xi32>
      %add3A_1157 = arith.addi %mul3A_533, %add3A_1156 : vector<16xi32>
      %gather3A_1158 = tpu.vector_load_idx %arg17[%add3A_1157, %broadcast_in_dim3A_1146] : memref<2048x32xf32, #tpu.memory_space<vmem>>[vector<16xi32>, vector<16xi32>], vector<16xf32>,
      %mul3A_1159 = arith.mulf %gather3A_1147, %gather3A_1158 : vector<16xf32>
      %add3A_1160 = arith.addf %add3A_1124, %mul3A_1159 : vector<16xf32>
      %add3A_1161 = arith.constant 1 : i32
      %add3A_1162 = vector.broadcast %add3A_1161 : i32 to vector<16xi32>
      %add3A_1163 = arith.addi %mul3A_533, %add3A_1162 : vector<16xi32>
      %gather3A_1164 = tpu.vector_load_idx %arg17[%add3A_1163, %broadcast_in_dim3A_1146] : memref<2048x32xf32, #tpu.memory_space<vmem>>[vector<16xi32>, vector<16xi32>], vector<16xf32>,
      %mul3A_1165 = arith.mulf %gather3A_1147, %gather3A_1164 : vector<16xf32>
      %add3A_1166 = arith.addf %add3A_1130, %mul3A_1165 : vector<16xf32>
      %add3A_1167 = arith.constant 2 : i32
      %add3A_1168 = vector.broadcast %add3A_1167 : i32 to vector<16xi32>
      %add3A_1169 = arith.addi %mul3A_533, %add3A_1168 : vector<16xi32>
      %gather3A_1170 = tpu.vector_load_idx %arg17[%add3A_1169, %broadcast_in_dim3A_1146] : memref<2048x32xf32, #tpu.memory_space<vmem>>[vector<16xi32>, vector<16xi32>], vector<16xf32>,
      %mul3A_1171 = arith.mulf %gather3A_1147, %gather3A_1170 : vector<16xf32>
      %add3A_1172 = arith.addf %add3A_1136, %mul3A_1171 : vector<16xf32>
      %add3A_1173 = arith.constant 3 : i32
      %add3A_1174 = vector.broadcast %add3A_1173 : i32 to vector<16xi32>
      %add3A_1175 = arith.addi %mul3A_533, %add3A_1174 : vector<16xi32>
      %gather3A_1176 = tpu.vector_load_idx %arg17[%add3A_1175, %broadcast_in_dim3A_1146] : memref<2048x32xf32, #tpu.memory_space<vmem>>[vector<16xi32>, vector<16xi32>], vector<16xf32>,
      %mul3A_1177 = arith.mulf %gather3A_1147, %gather3A_1176 : vector<16xf32>
      %add3A_1178 = arith.addf %add3A_1142, %mul3A_1177 : vector<16xf32>
      %mul3A_1179 = arith.mulf %gather3A_1176, %gather3A_1176 : vector<16xf32>
      %add3A_1180 = arith.addf %add3A_1144, %mul3A_1179 : vector<16xf32>
      %broadcast_in_dim3A_1181 = arith.constant 18 : i32
      %broadcast_in_dim3A_1182 = vector.broadcast %broadcast_in_dim3A_1181 : i32 to vector<16xi32>
      %gather3A_1183 = tpu.vector_load_idx %arg15[%add3A_530, %broadcast_in_dim3A_1182] : memref<512x32xf32, #tpu.memory_space<vmem>>[vector<16xi32>, vector<16xi32>], vector<16xf32>,
      %gather3A_1184 = tpu.vector_load_idx %arg16[%add3A_530, %broadcast_in_dim3A_1182] : memref<512x32xf32, #tpu.memory_space<vmem>>[vector<16xi32>, vector<16xi32>], vector<16xf32>,
      %mul3A_1185 = arith.mulf %gather3A_1183, %gather3A_1184 : vector<16xf32>
      %add3A_1186 = arith.addf %add3A_1150, %mul3A_1185 : vector<16xf32>
      %mul3A_1187 = arith.mulf %gather3A_1183, %gather3A_1183 : vector<16xf32>
      %add3A_1188 = arith.addf %add3A_1152, %mul3A_1187 : vector<16xf32>
      %mul3A_1189 = arith.mulf %gather3A_1184, %gather3A_1184 : vector<16xf32>
      %add3A_1190 = arith.addf %add3A_1154, %mul3A_1189 : vector<16xf32>
      %add3A_1191 = arith.constant 0 : i32
      %add3A_1192 = vector.broadcast %add3A_1191 : i32 to vector<16xi32>
      %add3A_1193 = arith.addi %mul3A_533, %add3A_1192 : vector<16xi32>
      %gather3A_1194 = tpu.vector_load_idx %arg17[%add3A_1193, %broadcast_in_dim3A_1182] : memref<2048x32xf32, #tpu.memory_space<vmem>>[vector<16xi32>, vector<16xi32>], vector<16xf32>,
      %mul3A_1195 = arith.mulf %gather3A_1183, %gather3A_1194 : vector<16xf32>
      %add3A_1196 = arith.addf %add3A_1160, %mul3A_1195 : vector<16xf32>
      %add3A_1197 = arith.constant 1 : i32
      %add3A_1198 = vector.broadcast %add3A_1197 : i32 to vector<16xi32>
      %add3A_1199 = arith.addi %mul3A_533, %add3A_1198 : vector<16xi32>
      %gather3A_1200 = tpu.vector_load_idx %arg17[%add3A_1199, %broadcast_in_dim3A_1182] : memref<2048x32xf32, #tpu.memory_space<vmem>>[vector<16xi32>, vector<16xi32>], vector<16xf32>,
      %mul3A_1201 = arith.mulf %gather3A_1183, %gather3A_1200 : vector<16xf32>
      %add3A_1202 = arith.addf %add3A_1166, %mul3A_1201 : vector<16xf32>
      %add3A_1203 = arith.constant 2 : i32
      %add3A_1204 = vector.broadcast %add3A_1203 : i32 to vector<16xi32>
      %add3A_1205 = arith.addi %mul3A_533, %add3A_1204 : vector<16xi32>
      %gather3A_1206 = tpu.vector_load_idx %arg17[%add3A_1205, %broadcast_in_dim3A_1182] : memref<2048x32xf32, #tpu.memory_space<vmem>>[vector<16xi32>, vector<16xi32>], vector<16xf32>,
      %mul3A_1207 = arith.mulf %gather3A_1183, %gather3A_1206 : vector<16xf32>
      %add3A_1208 = arith.addf %add3A_1172, %mul3A_1207 : vector<16xf32>
      %add3A_1209 = arith.constant 3 : i32
      %add3A_1210 = vector.broadcast %add3A_1209 : i32 to vector<16xi32>
      %add3A_1211 = arith.addi %mul3A_533, %add3A_1210 : vector<16xi32>
      %gather3A_1212 = tpu.vector_load_idx %arg17[%add3A_1211, %broadcast_in_dim3A_1182] : memref<2048x32xf32, #tpu.memory_space<vmem>>[vector<16xi32>, vector<16xi32>], vector<16xf32>,
      %mul3A_1213 = arith.mulf %gather3A_1183, %gather3A_1212 : vector<16xf32>
      %add3A_1214 = arith.addf %add3A_1178, %mul3A_1213 : vector<16xf32>
      %mul3A_1215 = arith.mulf %gather3A_1212, %gather3A_1212 : vector<16xf32>
      %add3A_1216 = arith.addf %add3A_1180, %mul3A_1215 : vector<16xf32>
      %broadcast_in_dim3A_1217 = arith.constant 19 : i32
      %broadcast_in_dim3A_1218 = vector.broadcast %broadcast_in_dim3A_1217 : i32 to vector<16xi32>
      %gather3A_1219 = tpu.vector_load_idx %arg15[%add3A_530, %broadcast_in_dim3A_1218] : memref<512x32xf32, #tpu.memory_space<vmem>>[vector<16xi32>, vector<16xi32>], vector<16xf32>,
      %gather3A_1220 = tpu.vector_load_idx %arg16[%add3A_530, %broadcast_in_dim3A_1218] : memref<512x32xf32, #tpu.memory_space<vmem>>[vector<16xi32>, vector<16xi32>], vector<16xf32>,
      %mul3A_1221 = arith.mulf %gather3A_1219, %gather3A_1220 : vector<16xf32>
      %add3A_1222 = arith.addf %add3A_1186, %mul3A_1221 : vector<16xf32>
      %mul3A_1223 = arith.mulf %gather3A_1219, %gather3A_1219 : vector<16xf32>
      %add3A_1224 = arith.addf %add3A_1188, %mul3A_1223 : vector<16xf32>
      %mul3A_1225 = arith.mulf %gather3A_1220, %gather3A_1220 : vector<16xf32>
      %add3A_1226 = arith.addf %add3A_1190, %mul3A_1225 : vector<16xf32>
      %add3A_1227 = arith.constant 0 : i32
      %add3A_1228 = vector.broadcast %add3A_1227 : i32 to vector<16xi32>
      %add3A_1229 = arith.addi %mul3A_533, %add3A_1228 : vector<16xi32>
      %gather3A_1230 = tpu.vector_load_idx %arg17[%add3A_1229, %broadcast_in_dim3A_1218] : memref<2048x32xf32, #tpu.memory_space<vmem>>[vector<16xi32>, vector<16xi32>], vector<16xf32>,
      %mul3A_1231 = arith.mulf %gather3A_1219, %gather3A_1230 : vector<16xf32>
      %add3A_1232 = arith.addf %add3A_1196, %mul3A_1231 : vector<16xf32>
      %add3A_1233 = arith.constant 1 : i32
      %add3A_1234 = vector.broadcast %add3A_1233 : i32 to vector<16xi32>
      %add3A_1235 = arith.addi %mul3A_533, %add3A_1234 : vector<16xi32>
      %gather3A_1236 = tpu.vector_load_idx %arg17[%add3A_1235, %broadcast_in_dim3A_1218] : memref<2048x32xf32, #tpu.memory_space<vmem>>[vector<16xi32>, vector<16xi32>], vector<16xf32>,
      %mul3A_1237 = arith.mulf %gather3A_1219, %gather3A_1236 : vector<16xf32>
      %add3A_1238 = arith.addf %add3A_1202, %mul3A_1237 : vector<16xf32>
      %add3A_1239 = arith.constant 2 : i32
      %add3A_1240 = vector.broadcast %add3A_1239 : i32 to vector<16xi32>
      %add3A_1241 = arith.addi %mul3A_533, %add3A_1240 : vector<16xi32>
      %gather3A_1242 = tpu.vector_load_idx %arg17[%add3A_1241, %broadcast_in_dim3A_1218] : memref<2048x32xf32, #tpu.memory_space<vmem>>[vector<16xi32>, vector<16xi32>], vector<16xf32>,
      %mul3A_1243 = arith.mulf %gather3A_1219, %gather3A_1242 : vector<16xf32>
      %add3A_1244 = arith.addf %add3A_1208, %mul3A_1243 : vector<16xf32>
      %add3A_1245 = arith.constant 3 : i32
      %add3A_1246 = vector.broadcast %add3A_1245 : i32 to vector<16xi32>
      %add3A_1247 = arith.addi %mul3A_533, %add3A_1246 : vector<16xi32>
      %gather3A_1248 = tpu.vector_load_idx %arg17[%add3A_1247, %broadcast_in_dim3A_1218] : memref<2048x32xf32, #tpu.memory_space<vmem>>[vector<16xi32>, vector<16xi32>], vector<16xf32>,
      %mul3A_1249 = arith.mulf %gather3A_1219, %gather3A_1248 : vector<16xf32>
      %add3A_1250 = arith.addf %add3A_1214, %mul3A_1249 : vector<16xf32>
      %mul3A_1251 = arith.mulf %gather3A_1248, %gather3A_1248 : vector<16xf32>
      %add3A_1252 = arith.addf %add3A_1216, %mul3A_1251 : vector<16xf32>
      %broadcast_in_dim3A_1253 = arith.constant 20 : i32
      %broadcast_in_dim3A_1254 = vector.broadcast %broadcast_in_dim3A_1253 : i32 to vector<16xi32>
      %gather3A_1255 = tpu.vector_load_idx %arg15[%add3A_530, %broadcast_in_dim3A_1254] : memref<512x32xf32, #tpu.memory_space<vmem>>[vector<16xi32>, vector<16xi32>], vector<16xf32>,
      %gather3A_1256 = tpu.vector_load_idx %arg16[%add3A_530, %broadcast_in_dim3A_1254] : memref<512x32xf32, #tpu.memory_space<vmem>>[vector<16xi32>, vector<16xi32>], vector<16xf32>,
      %mul3A_1257 = arith.mulf %gather3A_1255, %gather3A_1256 : vector<16xf32>
      %add3A_1258 = arith.addf %add3A_1222, %mul3A_1257 : vector<16xf32>
      %mul3A_1259 = arith.mulf %gather3A_1255, %gather3A_1255 : vector<16xf32>
      %add3A_1260 = arith.addf %add3A_1224, %mul3A_1259 : vector<16xf32>
      %mul3A_1261 = arith.mulf %gather3A_1256, %gather3A_1256 : vector<16xf32>
      %add3A_1262 = arith.addf %add3A_1226, %mul3A_1261 : vector<16xf32>
      %add3A_1263 = arith.constant 0 : i32
      %add3A_1264 = vector.broadcast %add3A_1263 : i32 to vector<16xi32>
      %add3A_1265 = arith.addi %mul3A_533, %add3A_1264 : vector<16xi32>
      %gather3A_1266 = tpu.vector_load_idx %arg17[%add3A_1265, %broadcast_in_dim3A_1254] : memref<2048x32xf32, #tpu.memory_space<vmem>>[vector<16xi32>, vector<16xi32>], vector<16xf32>,
      %mul3A_1267 = arith.mulf %gather3A_1255, %gather3A_1266 : vector<16xf32>
      %add3A_1268 = arith.addf %add3A_1232, %mul3A_1267 : vector<16xf32>
      %add3A_1269 = arith.constant 1 : i32
      %add3A_1270 = vector.broadcast %add3A_1269 : i32 to vector<16xi32>
      %add3A_1271 = arith.addi %mul3A_533, %add3A_1270 : vector<16xi32>
      %gather3A_1272 = tpu.vector_load_idx %arg17[%add3A_1271, %broadcast_in_dim3A_1254] : memref<2048x32xf32, #tpu.memory_space<vmem>>[vector<16xi32>, vector<16xi32>], vector<16xf32>,
      %mul3A_1273 = arith.mulf %gather3A_1255, %gather3A_1272 : vector<16xf32>
      %add3A_1274 = arith.addf %add3A_1238, %mul3A_1273 : vector<16xf32>
      %add3A_1275 = arith.constant 2 : i32
      %add3A_1276 = vector.broadcast %add3A_1275 : i32 to vector<16xi32>
      %add3A_1277 = arith.addi %mul3A_533, %add3A_1276 : vector<16xi32>
      %gather3A_1278 = tpu.vector_load_idx %arg17[%add3A_1277, %broadcast_in_dim3A_1254] : memref<2048x32xf32, #tpu.memory_space<vmem>>[vector<16xi32>, vector<16xi32>], vector<16xf32>,
      %mul3A_1279 = arith.mulf %gather3A_1255, %gather3A_1278 : vector<16xf32>
      %add3A_1280 = arith.addf %add3A_1244, %mul3A_1279 : vector<16xf32>
      %add3A_1281 = arith.constant 3 : i32
      %add3A_1282 = vector.broadcast %add3A_1281 : i32 to vector<16xi32>
      %add3A_1283 = arith.addi %mul3A_533, %add3A_1282 : vector<16xi32>
      %gather3A_1284 = tpu.vector_load_idx %arg17[%add3A_1283, %broadcast_in_dim3A_1254] : memref<2048x32xf32, #tpu.memory_space<vmem>>[vector<16xi32>, vector<16xi32>], vector<16xf32>,
      %mul3A_1285 = arith.mulf %gather3A_1255, %gather3A_1284 : vector<16xf32>
      %add3A_1286 = arith.addf %add3A_1250, %mul3A_1285 : vector<16xf32>
      %mul3A_1287 = arith.mulf %gather3A_1284, %gather3A_1284 : vector<16xf32>
      %add3A_1288 = arith.addf %add3A_1252, %mul3A_1287 : vector<16xf32>
      %broadcast_in_dim3A_1289 = arith.constant 21 : i32
      %broadcast_in_dim3A_1290 = vector.broadcast %broadcast_in_dim3A_1289 : i32 to vector<16xi32>
      %gather3A_1291 = tpu.vector_load_idx %arg15[%add3A_530, %broadcast_in_dim3A_1290] : memref<512x32xf32, #tpu.memory_space<vmem>>[vector<16xi32>, vector<16xi32>], vector<16xf32>,
      %gather3A_1292 = tpu.vector_load_idx %arg16[%add3A_530, %broadcast_in_dim3A_1290] : memref<512x32xf32, #tpu.memory_space<vmem>>[vector<16xi32>, vector<16xi32>], vector<16xf32>,
      %mul3A_1293 = arith.mulf %gather3A_1291, %gather3A_1292 : vector<16xf32>
      %add3A_1294 = arith.addf %add3A_1258, %mul3A_1293 : vector<16xf32>
      %mul3A_1295 = arith.mulf %gather3A_1291, %gather3A_1291 : vector<16xf32>
      %add3A_1296 = arith.addf %add3A_1260, %mul3A_1295 : vector<16xf32>
      %mul3A_1297 = arith.mulf %gather3A_1292, %gather3A_1292 : vector<16xf32>
      %add3A_1298 = arith.addf %add3A_1262, %mul3A_1297 : vector<16xf32>
      %add3A_1299 = arith.constant 0 : i32
      %add3A_1300 = vector.broadcast %add3A_1299 : i32 to vector<16xi32>
      %add3A_1301 = arith.addi %mul3A_533, %add3A_1300 : vector<16xi32>
      %gather3A_1302 = tpu.vector_load_idx %arg17[%add3A_1301, %broadcast_in_dim3A_1290] : memref<2048x32xf32, #tpu.memory_space<vmem>>[vector<16xi32>, vector<16xi32>], vector<16xf32>,
      %mul3A_1303 = arith.mulf %gather3A_1291, %gather3A_1302 : vector<16xf32>
      %add3A_1304 = arith.addf %add3A_1268, %mul3A_1303 : vector<16xf32>
      %add3A_1305 = arith.constant 1 : i32
      %add3A_1306 = vector.broadcast %add3A_1305 : i32 to vector<16xi32>
      %add3A_1307 = arith.addi %mul3A_533, %add3A_1306 : vector<16xi32>
      %gather3A_1308 = tpu.vector_load_idx %arg17[%add3A_1307, %broadcast_in_dim3A_1290] : memref<2048x32xf32, #tpu.memory_space<vmem>>[vector<16xi32>, vector<16xi32>], vector<16xf32>,
      %mul3A_1309 = arith.mulf %gather3A_1291, %gather3A_1308 : vector<16xf32>
      %add3A_1310 = arith.addf %add3A_1274, %mul3A_1309 : vector<16xf32>
      %add3A_1311 = arith.constant 2 : i32
      %add3A_1312 = vector.broadcast %add3A_1311 : i32 to vector<16xi32>
      %add3A_1313 = arith.addi %mul3A_533, %add3A_1312 : vector<16xi32>
      %gather3A_1314 = tpu.vector_load_idx %arg17[%add3A_1313, %broadcast_in_dim3A_1290] : memref<2048x32xf32, #tpu.memory_space<vmem>>[vector<16xi32>, vector<16xi32>], vector<16xf32>,
      %mul3A_1315 = arith.mulf %gather3A_1291, %gather3A_1314 : vector<16xf32>
      %add3A_1316 = arith.addf %add3A_1280, %mul3A_1315 : vector<16xf32>
      %add3A_1317 = arith.constant 3 : i32
      %add3A_1318 = vector.broadcast %add3A_1317 : i32 to vector<16xi32>
      %add3A_1319 = arith.addi %mul3A_533, %add3A_1318 : vector<16xi32>
      %gather3A_1320 = tpu.vector_load_idx %arg17[%add3A_1319, %broadcast_in_dim3A_1290] : memref<2048x32xf32, #tpu.memory_space<vmem>>[vector<16xi32>, vector<16xi32>], vector<16xf32>,
      %mul3A_1321 = arith.mulf %gather3A_1291, %gather3A_1320 : vector<16xf32>
      %add3A_1322 = arith.addf %add3A_1286, %mul3A_1321 : vector<16xf32>
      %mul3A_1323 = arith.mulf %gather3A_1320, %gather3A_1320 : vector<16xf32>
      %add3A_1324 = arith.addf %add3A_1288, %mul3A_1323 : vector<16xf32>
      %broadcast_in_dim3A_1325 = arith.constant 22 : i32
      %broadcast_in_dim3A_1326 = vector.broadcast %broadcast_in_dim3A_1325 : i32 to vector<16xi32>
      %gather3A_1327 = tpu.vector_load_idx %arg15[%add3A_530, %broadcast_in_dim3A_1326] : memref<512x32xf32, #tpu.memory_space<vmem>>[vector<16xi32>, vector<16xi32>], vector<16xf32>,
      %gather3A_1328 = tpu.vector_load_idx %arg16[%add3A_530, %broadcast_in_dim3A_1326] : memref<512x32xf32, #tpu.memory_space<vmem>>[vector<16xi32>, vector<16xi32>], vector<16xf32>,
      %mul3A_1329 = arith.mulf %gather3A_1327, %gather3A_1328 : vector<16xf32>
      %add3A_1330 = arith.addf %add3A_1294, %mul3A_1329 : vector<16xf32>
      %mul3A_1331 = arith.mulf %gather3A_1327, %gather3A_1327 : vector<16xf32>
      %add3A_1332 = arith.addf %add3A_1296, %mul3A_1331 : vector<16xf32>
      %mul3A_1333 = arith.mulf %gather3A_1328, %gather3A_1328 : vector<16xf32>
      %add3A_1334 = arith.addf %add3A_1298, %mul3A_1333 : vector<16xf32>
      %add3A_1335 = arith.constant 0 : i32
      %add3A_1336 = vector.broadcast %add3A_1335 : i32 to vector<16xi32>
      %add3A_1337 = arith.addi %mul3A_533, %add3A_1336 : vector<16xi32>
      %gather3A_1338 = tpu.vector_load_idx %arg17[%add3A_1337, %broadcast_in_dim3A_1326] : memref<2048x32xf32, #tpu.memory_space<vmem>>[vector<16xi32>, vector<16xi32>], vector<16xf32>,
      %mul3A_1339 = arith.mulf %gather3A_1327, %gather3A_1338 : vector<16xf32>
      %add3A_1340 = arith.addf %add3A_1304, %mul3A_1339 : vector<16xf32>
      %add3A_1341 = arith.constant 1 : i32
      %add3A_1342 = vector.broadcast %add3A_1341 : i32 to vector<16xi32>
      %add3A_1343 = arith.addi %mul3A_533, %add3A_1342 : vector<16xi32>
      %gather3A_1344 = tpu.vector_load_idx %arg17[%add3A_1343, %broadcast_in_dim3A_1326] : memref<2048x32xf32, #tpu.memory_space<vmem>>[vector<16xi32>, vector<16xi32>], vector<16xf32>,
      %mul3A_1345 = arith.mulf %gather3A_1327, %gather3A_1344 : vector<16xf32>
      %add3A_1346 = arith.addf %add3A_1310, %mul3A_1345 : vector<16xf32>
      %add3A_1347 = arith.constant 2 : i32
      %add3A_1348 = vector.broadcast %add3A_1347 : i32 to vector<16xi32>
      %add3A_1349 = arith.addi %mul3A_533, %add3A_1348 : vector<16xi32>
      %gather3A_1350 = tpu.vector_load_idx %arg17[%add3A_1349, %broadcast_in_dim3A_1326] : memref<2048x32xf32, #tpu.memory_space<vmem>>[vector<16xi32>, vector<16xi32>], vector<16xf32>,
      %mul3A_1351 = arith.mulf %gather3A_1327, %gather3A_1350 : vector<16xf32>
      %add3A_1352 = arith.addf %add3A_1316, %mul3A_1351 : vector<16xf32>
      %add3A_1353 = arith.constant 3 : i32
      %add3A_1354 = vector.broadcast %add3A_1353 : i32 to vector<16xi32>
      %add3A_1355 = arith.addi %mul3A_533, %add3A_1354 : vector<16xi32>
      %gather3A_1356 = tpu.vector_load_idx %arg17[%add3A_1355, %broadcast_in_dim3A_1326] : memref<2048x32xf32, #tpu.memory_space<vmem>>[vector<16xi32>, vector<16xi32>], vector<16xf32>,
      %mul3A_1357 = arith.mulf %gather3A_1327, %gather3A_1356 : vector<16xf32>
      %add3A_1358 = arith.addf %add3A_1322, %mul3A_1357 : vector<16xf32>
      %mul3A_1359 = arith.mulf %gather3A_1356, %gather3A_1356 : vector<16xf32>
      %add3A_1360 = arith.addf %add3A_1324, %mul3A_1359 : vector<16xf32>
      %broadcast_in_dim3A_1361 = arith.constant 23 : i32
      %broadcast_in_dim3A_1362 = vector.broadcast %broadcast_in_dim3A_1361 : i32 to vector<16xi32>
      %gather3A_1363 = tpu.vector_load_idx %arg15[%add3A_530, %broadcast_in_dim3A_1362] : memref<512x32xf32, #tpu.memory_space<vmem>>[vector<16xi32>, vector<16xi32>], vector<16xf32>,
      %gather3A_1364 = tpu.vector_load_idx %arg16[%add3A_530, %broadcast_in_dim3A_1362] : memref<512x32xf32, #tpu.memory_space<vmem>>[vector<16xi32>, vector<16xi32>], vector<16xf32>,
      %mul3A_1365 = arith.mulf %gather3A_1363, %gather3A_1364 : vector<16xf32>
      %add3A_1366 = arith.addf %add3A_1330, %mul3A_1365 : vector<16xf32>
      %mul3A_1367 = arith.mulf %gather3A_1363, %gather3A_1363 : vector<16xf32>
      %add3A_1368 = arith.addf %add3A_1332, %mul3A_1367 : vector<16xf32>
      %mul3A_1369 = arith.mulf %gather3A_1364, %gather3A_1364 : vector<16xf32>
      %add3A_1370 = arith.addf %add3A_1334, %mul3A_1369 : vector<16xf32>
      %add3A_1371 = arith.constant 0 : i32
      %add3A_1372 = vector.broadcast %add3A_1371 : i32 to vector<16xi32>
      %add3A_1373 = arith.addi %mul3A_533, %add3A_1372 : vector<16xi32>
      %gather3A_1374 = tpu.vector_load_idx %arg17[%add3A_1373, %broadcast_in_dim3A_1362] : memref<2048x32xf32, #tpu.memory_space<vmem>>[vector<16xi32>, vector<16xi32>], vector<16xf32>,
      %mul3A_1375 = arith.mulf %gather3A_1363, %gather3A_1374 : vector<16xf32>
      %add3A_1376 = arith.addf %add3A_1340, %mul3A_1375 : vector<16xf32>
      %add3A_1377 = arith.constant 1 : i32
      %add3A_1378 = vector.broadcast %add3A_1377 : i32 to vector<16xi32>
      %add3A_1379 = arith.addi %mul3A_533, %add3A_1378 : vector<16xi32>
      %gather3A_1380 = tpu.vector_load_idx %arg17[%add3A_1379, %broadcast_in_dim3A_1362] : memref<2048x32xf32, #tpu.memory_space<vmem>>[vector<16xi32>, vector<16xi32>], vector<16xf32>,
      %mul3A_1381 = arith.mulf %gather3A_1363, %gather3A_1380 : vector<16xf32>
      %add3A_1382 = arith.addf %add3A_1346, %mul3A_1381 : vector<16xf32>
      %add3A_1383 = arith.constant 2 : i32
      %add3A_1384 = vector.broadcast %add3A_1383 : i32 to vector<16xi32>
      %add3A_1385 = arith.addi %mul3A_533, %add3A_1384 : vector<16xi32>
      %gather3A_1386 = tpu.vector_load_idx %arg17[%add3A_1385, %broadcast_in_dim3A_1362] : memref<2048x32xf32, #tpu.memory_space<vmem>>[vector<16xi32>, vector<16xi32>], vector<16xf32>,
      %mul3A_1387 = arith.mulf %gather3A_1363, %gather3A_1386 : vector<16xf32>
      %add3A_1388 = arith.addf %add3A_1352, %mul3A_1387 : vector<16xf32>
      %add3A_1389 = arith.constant 3 : i32
      %add3A_1390 = vector.broadcast %add3A_1389 : i32 to vector<16xi32>
      %add3A_1391 = arith.addi %mul3A_533, %add3A_1390 : vector<16xi32>
      %gather3A_1392 = tpu.vector_load_idx %arg17[%add3A_1391, %broadcast_in_dim3A_1362] : memref<2048x32xf32, #tpu.memory_space<vmem>>[vector<16xi32>, vector<16xi32>], vector<16xf32>,
      %mul3A_1393 = arith.mulf %gather3A_1363, %gather3A_1392 : vector<16xf32>
      %add3A_1394 = arith.addf %add3A_1358, %mul3A_1393 : vector<16xf32>
      %mul3A_1395 = arith.mulf %gather3A_1392, %gather3A_1392 : vector<16xf32>
      %add3A_1396 = arith.addf %add3A_1360, %mul3A_1395 : vector<16xf32>
      %broadcast_in_dim3A_1397 = arith.constant 24 : i32
      %broadcast_in_dim3A_1398 = vector.broadcast %broadcast_in_dim3A_1397 : i32 to vector<16xi32>
      %gather3A_1399 = tpu.vector_load_idx %arg15[%add3A_530, %broadcast_in_dim3A_1398] : memref<512x32xf32, #tpu.memory_space<vmem>>[vector<16xi32>, vector<16xi32>], vector<16xf32>,
      %gather3A_1400 = tpu.vector_load_idx %arg16[%add3A_530, %broadcast_in_dim3A_1398] : memref<512x32xf32, #tpu.memory_space<vmem>>[vector<16xi32>, vector<16xi32>], vector<16xf32>,
      %mul3A_1401 = arith.mulf %gather3A_1399, %gather3A_1400 : vector<16xf32>
      %add3A_1402 = arith.addf %add3A_1366, %mul3A_1401 : vector<16xf32>
      %mul3A_1403 = arith.mulf %gather3A_1399, %gather3A_1399 : vector<16xf32>
      %add3A_1404 = arith.addf %add3A_1368, %mul3A_1403 : vector<16xf32>
      %mul3A_1405 = arith.mulf %gather3A_1400, %gather3A_1400 : vector<16xf32>
      %add3A_1406 = arith.addf %add3A_1370, %mul3A_1405 : vector<16xf32>
      %add3A_1407 = arith.constant 0 : i32
      %add3A_1408 = vector.broadcast %add3A_1407 : i32 to vector<16xi32>
      %add3A_1409 = arith.addi %mul3A_533, %add3A_1408 : vector<16xi32>
      %gather3A_1410 = tpu.vector_load_idx %arg17[%add3A_1409, %broadcast_in_dim3A_1398] : memref<2048x32xf32, #tpu.memory_space<vmem>>[vector<16xi32>, vector<16xi32>], vector<16xf32>,
      %mul3A_1411 = arith.mulf %gather3A_1399, %gather3A_1410 : vector<16xf32>
      %add3A_1412 = arith.addf %add3A_1376, %mul3A_1411 : vector<16xf32>
      %add3A_1413 = arith.constant 1 : i32
      %add3A_1414 = vector.broadcast %add3A_1413 : i32 to vector<16xi32>
      %add3A_1415 = arith.addi %mul3A_533, %add3A_1414 : vector<16xi32>
      %gather3A_1416 = tpu.vector_load_idx %arg17[%add3A_1415, %broadcast_in_dim3A_1398] : memref<2048x32xf32, #tpu.memory_space<vmem>>[vector<16xi32>, vector<16xi32>], vector<16xf32>,
      %mul3A_1417 = arith.mulf %gather3A_1399, %gather3A_1416 : vector<16xf32>
      %add3A_1418 = arith.addf %add3A_1382, %mul3A_1417 : vector<16xf32>
      %add3A_1419 = arith.constant 2 : i32
      %add3A_1420 = vector.broadcast %add3A_1419 : i32 to vector<16xi32>
      %add3A_1421 = arith.addi %mul3A_533, %add3A_1420 : vector<16xi32>
      %gather3A_1422 = tpu.vector_load_idx %arg17[%add3A_1421, %broadcast_in_dim3A_1398] : memref<2048x32xf32, #tpu.memory_space<vmem>>[vector<16xi32>, vector<16xi32>], vector<16xf32>,
      %mul3A_1423 = arith.mulf %gather3A_1399, %gather3A_1422 : vector<16xf32>
      %add3A_1424 = arith.addf %add3A_1388, %mul3A_1423 : vector<16xf32>
      %add3A_1425 = arith.constant 3 : i32
      %add3A_1426 = vector.broadcast %add3A_1425 : i32 to vector<16xi32>
      %add3A_1427 = arith.addi %mul3A_533, %add3A_1426 : vector<16xi32>
      %gather3A_1428 = tpu.vector_load_idx %arg17[%add3A_1427, %broadcast_in_dim3A_1398] : memref<2048x32xf32, #tpu.memory_space<vmem>>[vector<16xi32>, vector<16xi32>], vector<16xf32>,
      %mul3A_1429 = arith.mulf %gather3A_1399, %gather3A_1428 : vector<16xf32>
      %add3A_1430 = arith.addf %add3A_1394, %mul3A_1429 : vector<16xf32>
      %mul3A_1431 = arith.mulf %gather3A_1428, %gather3A_1428 : vector<16xf32>
      %add3A_1432 = arith.addf %add3A_1396, %mul3A_1431 : vector<16xf32>
      %broadcast_in_dim3A_1433 = arith.constant 25 : i32
      %broadcast_in_dim3A_1434 = vector.broadcast %broadcast_in_dim3A_1433 : i32 to vector<16xi32>
      %gather3A_1435 = tpu.vector_load_idx %arg15[%add3A_530, %broadcast_in_dim3A_1434] : memref<512x32xf32, #tpu.memory_space<vmem>>[vector<16xi32>, vector<16xi32>], vector<16xf32>,
      %gather3A_1436 = tpu.vector_load_idx %arg16[%add3A_530, %broadcast_in_dim3A_1434] : memref<512x32xf32, #tpu.memory_space<vmem>>[vector<16xi32>, vector<16xi32>], vector<16xf32>,
      %mul3A_1437 = arith.mulf %gather3A_1435, %gather3A_1436 : vector<16xf32>
      %add3A_1438 = arith.addf %add3A_1402, %mul3A_1437 : vector<16xf32>
      %mul3A_1439 = arith.mulf %gather3A_1435, %gather3A_1435 : vector<16xf32>
      %add3A_1440 = arith.addf %add3A_1404, %mul3A_1439 : vector<16xf32>
      %mul3A_1441 = arith.mulf %gather3A_1436, %gather3A_1436 : vector<16xf32>
      %add3A_1442 = arith.addf %add3A_1406, %mul3A_1441 : vector<16xf32>
      %add3A_1443 = arith.constant 0 : i32
      %add3A_1444 = vector.broadcast %add3A_1443 : i32 to vector<16xi32>
      %add3A_1445 = arith.addi %mul3A_533, %add3A_1444 : vector<16xi32>
      %gather3A_1446 = tpu.vector_load_idx %arg17[%add3A_1445, %broadcast_in_dim3A_1434] : memref<2048x32xf32, #tpu.memory_space<vmem>>[vector<16xi32>, vector<16xi32>], vector<16xf32>,
      %mul3A_1447 = arith.mulf %gather3A_1435, %gather3A_1446 : vector<16xf32>
      %add3A_1448 = arith.addf %add3A_1412, %mul3A_1447 : vector<16xf32>
      %add3A_1449 = arith.constant 1 : i32
      %add3A_1450 = vector.broadcast %add3A_1449 : i32 to vector<16xi32>
      %add3A_1451 = arith.addi %mul3A_533, %add3A_1450 : vector<16xi32>
      %gather3A_1452 = tpu.vector_load_idx %arg17[%add3A_1451, %broadcast_in_dim3A_1434] : memref<2048x32xf32, #tpu.memory_space<vmem>>[vector<16xi32>, vector<16xi32>], vector<16xf32>,
      %mul3A_1453 = arith.mulf %gather3A_1435, %gather3A_1452 : vector<16xf32>
      %add3A_1454 = arith.addf %add3A_1418, %mul3A_1453 : vector<16xf32>
      %add3A_1455 = arith.constant 2 : i32
      %add3A_1456 = vector.broadcast %add3A_1455 : i32 to vector<16xi32>
      %add3A_1457 = arith.addi %mul3A_533, %add3A_1456 : vector<16xi32>
      %gather3A_1458 = tpu.vector_load_idx %arg17[%add3A_1457, %broadcast_in_dim3A_1434] : memref<2048x32xf32, #tpu.memory_space<vmem>>[vector<16xi32>, vector<16xi32>], vector<16xf32>,
      %mul3A_1459 = arith.mulf %gather3A_1435, %gather3A_1458 : vector<16xf32>
      %add3A_1460 = arith.addf %add3A_1424, %mul3A_1459 : vector<16xf32>
      %add3A_1461 = arith.constant 3 : i32
      %add3A_1462 = vector.broadcast %add3A_1461 : i32 to vector<16xi32>
      %add3A_1463 = arith.addi %mul3A_533, %add3A_1462 : vector<16xi32>
      %gather3A_1464 = tpu.vector_load_idx %arg17[%add3A_1463, %broadcast_in_dim3A_1434] : memref<2048x32xf32, #tpu.memory_space<vmem>>[vector<16xi32>, vector<16xi32>], vector<16xf32>,
      %mul3A_1465 = arith.mulf %gather3A_1435, %gather3A_1464 : vector<16xf32>
      %add3A_1466 = arith.addf %add3A_1430, %mul3A_1465 : vector<16xf32>
      %mul3A_1467 = arith.mulf %gather3A_1464, %gather3A_1464 : vector<16xf32>
      %add3A_1468 = arith.addf %add3A_1432, %mul3A_1467 : vector<16xf32>
      %broadcast_in_dim3A_1469 = arith.constant 26 : i32
      %broadcast_in_dim3A_1470 = vector.broadcast %broadcast_in_dim3A_1469 : i32 to vector<16xi32>
      %gather3A_1471 = tpu.vector_load_idx %arg15[%add3A_530, %broadcast_in_dim3A_1470] : memref<512x32xf32, #tpu.memory_space<vmem>>[vector<16xi32>, vector<16xi32>], vector<16xf32>,
      %gather3A_1472 = tpu.vector_load_idx %arg16[%add3A_530, %broadcast_in_dim3A_1470] : memref<512x32xf32, #tpu.memory_space<vmem>>[vector<16xi32>, vector<16xi32>], vector<16xf32>,
      %mul3A_1473 = arith.mulf %gather3A_1471, %gather3A_1472 : vector<16xf32>
      %add3A_1474 = arith.addf %add3A_1438, %mul3A_1473 : vector<16xf32>
      %mul3A_1475 = arith.mulf %gather3A_1471, %gather3A_1471 : vector<16xf32>
      %add3A_1476 = arith.addf %add3A_1440, %mul3A_1475 : vector<16xf32>
      %mul3A_1477 = arith.mulf %gather3A_1472, %gather3A_1472 : vector<16xf32>
      %add3A_1478 = arith.addf %add3A_1442, %mul3A_1477 : vector<16xf32>
      %add3A_1479 = arith.constant 0 : i32
      %add3A_1480 = vector.broadcast %add3A_1479 : i32 to vector<16xi32>
      %add3A_1481 = arith.addi %mul3A_533, %add3A_1480 : vector<16xi32>
      %gather3A_1482 = tpu.vector_load_idx %arg17[%add3A_1481, %broadcast_in_dim3A_1470] : memref<2048x32xf32, #tpu.memory_space<vmem>>[vector<16xi32>, vector<16xi32>], vector<16xf32>,
      %mul3A_1483 = arith.mulf %gather3A_1471, %gather3A_1482 : vector<16xf32>
      %add3A_1484 = arith.addf %add3A_1448, %mul3A_1483 : vector<16xf32>
      %add3A_1485 = arith.constant 1 : i32
      %add3A_1486 = vector.broadcast %add3A_1485 : i32 to vector<16xi32>
      %add3A_1487 = arith.addi %mul3A_533, %add3A_1486 : vector<16xi32>
      %gather3A_1488 = tpu.vector_load_idx %arg17[%add3A_1487, %broadcast_in_dim3A_1470] : memref<2048x32xf32, #tpu.memory_space<vmem>>[vector<16xi32>, vector<16xi32>], vector<16xf32>,
      %mul3A_1489 = arith.mulf %gather3A_1471, %gather3A_1488 : vector<16xf32>
      %add3A_1490 = arith.addf %add3A_1454, %mul3A_1489 : vector<16xf32>
      %add3A_1491 = arith.constant 2 : i32
      %add3A_1492 = vector.broadcast %add3A_1491 : i32 to vector<16xi32>
      %add3A_1493 = arith.addi %mul3A_533, %add3A_1492 : vector<16xi32>
      %gather3A_1494 = tpu.vector_load_idx %arg17[%add3A_1493, %broadcast_in_dim3A_1470] : memref<2048x32xf32, #tpu.memory_space<vmem>>[vector<16xi32>, vector<16xi32>], vector<16xf32>,
      %mul3A_1495 = arith.mulf %gather3A_1471, %gather3A_1494 : vector<16xf32>
      %add3A_1496 = arith.addf %add3A_1460, %mul3A_1495 : vector<16xf32>
      %add3A_1497 = arith.constant 3 : i32
      %add3A_1498 = vector.broadcast %add3A_1497 : i32 to vector<16xi32>
      %add3A_1499 = arith.addi %mul3A_533, %add3A_1498 : vector<16xi32>
      %gather3A_1500 = tpu.vector_load_idx %arg17[%add3A_1499, %broadcast_in_dim3A_1470] : memref<2048x32xf32, #tpu.memory_space<vmem>>[vector<16xi32>, vector<16xi32>], vector<16xf32>,
      %mul3A_1501 = arith.mulf %gather3A_1471, %gather3A_1500 : vector<16xf32>
      %add3A_1502 = arith.addf %add3A_1466, %mul3A_1501 : vector<16xf32>
      %mul3A_1503 = arith.mulf %gather3A_1500, %gather3A_1500 : vector<16xf32>
      %add3A_1504 = arith.addf %add3A_1468, %mul3A_1503 : vector<16xf32>
      %broadcast_in_dim3A_1505 = arith.constant 27 : i32
      %broadcast_in_dim3A_1506 = vector.broadcast %broadcast_in_dim3A_1505 : i32 to vector<16xi32>
      %gather3A_1507 = tpu.vector_load_idx %arg15[%add3A_530, %broadcast_in_dim3A_1506] : memref<512x32xf32, #tpu.memory_space<vmem>>[vector<16xi32>, vector<16xi32>], vector<16xf32>,
      %gather3A_1508 = tpu.vector_load_idx %arg16[%add3A_530, %broadcast_in_dim3A_1506] : memref<512x32xf32, #tpu.memory_space<vmem>>[vector<16xi32>, vector<16xi32>], vector<16xf32>,
      %mul3A_1509 = arith.mulf %gather3A_1507, %gather3A_1508 : vector<16xf32>
      %add3A_1510 = arith.addf %add3A_1474, %mul3A_1509 : vector<16xf32>
      %mul3A_1511 = arith.mulf %gather3A_1507, %gather3A_1507 : vector<16xf32>
      %add3A_1512 = arith.addf %add3A_1476, %mul3A_1511 : vector<16xf32>
      %mul3A_1513 = arith.mulf %gather3A_1508, %gather3A_1508 : vector<16xf32>
      %add3A_1514 = arith.addf %add3A_1478, %mul3A_1513 : vector<16xf32>
      %add3A_1515 = arith.constant 0 : i32
      %add3A_1516 = vector.broadcast %add3A_1515 : i32 to vector<16xi32>
      %add3A_1517 = arith.addi %mul3A_533, %add3A_1516 : vector<16xi32>
      %gather3A_1518 = tpu.vector_load_idx %arg17[%add3A_1517, %broadcast_in_dim3A_1506] : memref<2048x32xf32, #tpu.memory_space<vmem>>[vector<16xi32>, vector<16xi32>], vector<16xf32>,
      %mul3A_1519 = arith.mulf %gather3A_1507, %gather3A_1518 : vector<16xf32>
      %add3A_1520 = arith.addf %add3A_1484, %mul3A_1519 : vector<16xf32>
      %add3A_1521 = arith.constant 1 : i32
      %add3A_1522 = vector.broadcast %add3A_1521 : i32 to vector<16xi32>
      %add3A_1523 = arith.addi %mul3A_533, %add3A_1522 : vector<16xi32>
      %gather3A_1524 = tpu.vector_load_idx %arg17[%add3A_1523, %broadcast_in_dim3A_1506] : memref<2048x32xf32, #tpu.memory_space<vmem>>[vector<16xi32>, vector<16xi32>], vector<16xf32>,
      %mul3A_1525 = arith.mulf %gather3A_1507, %gather3A_1524 : vector<16xf32>
      %add3A_1526 = arith.addf %add3A_1490, %mul3A_1525 : vector<16xf32>
      %add3A_1527 = arith.constant 2 : i32
      %add3A_1528 = vector.broadcast %add3A_1527 : i32 to vector<16xi32>
      %add3A_1529 = arith.addi %mul3A_533, %add3A_1528 : vector<16xi32>
      %gather3A_1530 = tpu.vector_load_idx %arg17[%add3A_1529, %broadcast_in_dim3A_1506] : memref<2048x32xf32, #tpu.memory_space<vmem>>[vector<16xi32>, vector<16xi32>], vector<16xf32>,
      %mul3A_1531 = arith.mulf %gather3A_1507, %gather3A_1530 : vector<16xf32>
      %add3A_1532 = arith.addf %add3A_1496, %mul3A_1531 : vector<16xf32>
      %add3A_1533 = arith.constant 3 : i32
      %add3A_1534 = vector.broadcast %add3A_1533 : i32 to vector<16xi32>
      %add3A_1535 = arith.addi %mul3A_533, %add3A_1534 : vector<16xi32>
      %gather3A_1536 = tpu.vector_load_idx %arg17[%add3A_1535, %broadcast_in_dim3A_1506] : memref<2048x32xf32, #tpu.memory_space<vmem>>[vector<16xi32>, vector<16xi32>], vector<16xf32>,
      %mul3A_1537 = arith.mulf %gather3A_1507, %gather3A_1536 : vector<16xf32>
      %add3A_1538 = arith.addf %add3A_1502, %mul3A_1537 : vector<16xf32>
      %mul3A_1539 = arith.mulf %gather3A_1536, %gather3A_1536 : vector<16xf32>
      %add3A_1540 = arith.addf %add3A_1504, %mul3A_1539 : vector<16xf32>
      %broadcast_in_dim3A_1541 = arith.constant 28 : i32
      %broadcast_in_dim3A_1542 = vector.broadcast %broadcast_in_dim3A_1541 : i32 to vector<16xi32>
      %gather3A_1543 = tpu.vector_load_idx %arg15[%add3A_530, %broadcast_in_dim3A_1542] : memref<512x32xf32, #tpu.memory_space<vmem>>[vector<16xi32>, vector<16xi32>], vector<16xf32>,
      %gather3A_1544 = tpu.vector_load_idx %arg16[%add3A_530, %broadcast_in_dim3A_1542] : memref<512x32xf32, #tpu.memory_space<vmem>>[vector<16xi32>, vector<16xi32>], vector<16xf32>,
      %mul3A_1545 = arith.mulf %gather3A_1543, %gather3A_1544 : vector<16xf32>
      %add3A_1546 = arith.addf %add3A_1510, %mul3A_1545 : vector<16xf32>
      %mul3A_1547 = arith.mulf %gather3A_1543, %gather3A_1543 : vector<16xf32>
      %add3A_1548 = arith.addf %add3A_1512, %mul3A_1547 : vector<16xf32>
      %mul3A_1549 = arith.mulf %gather3A_1544, %gather3A_1544 : vector<16xf32>
      %add3A_1550 = arith.addf %add3A_1514, %mul3A_1549 : vector<16xf32>
      %add3A_1551 = arith.constant 0 : i32
      %add3A_1552 = vector.broadcast %add3A_1551 : i32 to vector<16xi32>
      %add3A_1553 = arith.addi %mul3A_533, %add3A_1552 : vector<16xi32>
      %gather3A_1554 = tpu.vector_load_idx %arg17[%add3A_1553, %broadcast_in_dim3A_1542] : memref<2048x32xf32, #tpu.memory_space<vmem>>[vector<16xi32>, vector<16xi32>], vector<16xf32>,
      %mul3A_1555 = arith.mulf %gather3A_1543, %gather3A_1554 : vector<16xf32>
      %add3A_1556 = arith.addf %add3A_1520, %mul3A_1555 : vector<16xf32>
      %add3A_1557 = arith.constant 1 : i32
      %add3A_1558 = vector.broadcast %add3A_1557 : i32 to vector<16xi32>
      %add3A_1559 = arith.addi %mul3A_533, %add3A_1558 : vector<16xi32>
      %gather3A_1560 = tpu.vector_load_idx %arg17[%add3A_1559, %broadcast_in_dim3A_1542] : memref<2048x32xf32, #tpu.memory_space<vmem>>[vector<16xi32>, vector<16xi32>], vector<16xf32>,
      %mul3A_1561 = arith.mulf %gather3A_1543, %gather3A_1560 : vector<16xf32>
      %add3A_1562 = arith.addf %add3A_1526, %mul3A_1561 : vector<16xf32>
      %add3A_1563 = arith.constant 2 : i32
      %add3A_1564 = vector.broadcast %add3A_1563 : i32 to vector<16xi32>
      %add3A_1565 = arith.addi %mul3A_533, %add3A_1564 : vector<16xi32>
      %gather3A_1566 = tpu.vector_load_idx %arg17[%add3A_1565, %broadcast_in_dim3A_1542] : memref<2048x32xf32, #tpu.memory_space<vmem>>[vector<16xi32>, vector<16xi32>], vector<16xf32>,
      %mul3A_1567 = arith.mulf %gather3A_1543, %gather3A_1566 : vector<16xf32>
      %add3A_1568 = arith.addf %add3A_1532, %mul3A_1567 : vector<16xf32>
      %add3A_1569 = arith.constant 3 : i32
      %add3A_1570 = vector.broadcast %add3A_1569 : i32 to vector<16xi32>
      %add3A_1571 = arith.addi %mul3A_533, %add3A_1570 : vector<16xi32>
      %gather3A_1572 = tpu.vector_load_idx %arg17[%add3A_1571, %broadcast_in_dim3A_1542] : memref<2048x32xf32, #tpu.memory_space<vmem>>[vector<16xi32>, vector<16xi32>], vector<16xf32>,
      %mul3A_1573 = arith.mulf %gather3A_1543, %gather3A_1572 : vector<16xf32>
      %add3A_1574 = arith.addf %add3A_1538, %mul3A_1573 : vector<16xf32>
      %mul3A_1575 = arith.mulf %gather3A_1572, %gather3A_1572 : vector<16xf32>
      %add3A_1576 = arith.addf %add3A_1540, %mul3A_1575 : vector<16xf32>
      %broadcast_in_dim3A_1577 = arith.constant 29 : i32
      %broadcast_in_dim3A_1578 = vector.broadcast %broadcast_in_dim3A_1577 : i32 to vector<16xi32>
      %gather3A_1579 = tpu.vector_load_idx %arg15[%add3A_530, %broadcast_in_dim3A_1578] : memref<512x32xf32, #tpu.memory_space<vmem>>[vector<16xi32>, vector<16xi32>], vector<16xf32>,
      %gather3A_1580 = tpu.vector_load_idx %arg16[%add3A_530, %broadcast_in_dim3A_1578] : memref<512x32xf32, #tpu.memory_space<vmem>>[vector<16xi32>, vector<16xi32>], vector<16xf32>,
      %mul3A_1581 = arith.mulf %gather3A_1579, %gather3A_1580 : vector<16xf32>
      %add3A_1582 = arith.addf %add3A_1546, %mul3A_1581 : vector<16xf32>
      %mul3A_1583 = arith.mulf %gather3A_1579, %gather3A_1579 : vector<16xf32>
      %add3A_1584 = arith.addf %add3A_1548, %mul3A_1583 : vector<16xf32>
      %mul3A_1585 = arith.mulf %gather3A_1580, %gather3A_1580 : vector<16xf32>
      %add3A_1586 = arith.addf %add3A_1550, %mul3A_1585 : vector<16xf32>
      %add3A_1587 = arith.constant 0 : i32
      %add3A_1588 = vector.broadcast %add3A_1587 : i32 to vector<16xi32>
      %add3A_1589 = arith.addi %mul3A_533, %add3A_1588 : vector<16xi32>
      %gather3A_1590 = tpu.vector_load_idx %arg17[%add3A_1589, %broadcast_in_dim3A_1578] : memref<2048x32xf32, #tpu.memory_space<vmem>>[vector<16xi32>, vector<16xi32>], vector<16xf32>,
      %mul3A_1591 = arith.mulf %gather3A_1579, %gather3A_1590 : vector<16xf32>
      %add3A_1592 = arith.addf %add3A_1556, %mul3A_1591 : vector<16xf32>
      %add3A_1593 = arith.constant 1 : i32
      %add3A_1594 = vector.broadcast %add3A_1593 : i32 to vector<16xi32>
      %add3A_1595 = arith.addi %mul3A_533, %add3A_1594 : vector<16xi32>
      %gather3A_1596 = tpu.vector_load_idx %arg17[%add3A_1595, %broadcast_in_dim3A_1578] : memref<2048x32xf32, #tpu.memory_space<vmem>>[vector<16xi32>, vector<16xi32>], vector<16xf32>,
      %mul3A_1597 = arith.mulf %gather3A_1579, %gather3A_1596 : vector<16xf32>
      %add3A_1598 = arith.addf %add3A_1562, %mul3A_1597 : vector<16xf32>
      %add3A_1599 = arith.constant 2 : i32
      %add3A_1600 = vector.broadcast %add3A_1599 : i32 to vector<16xi32>
      %add3A_1601 = arith.addi %mul3A_533, %add3A_1600 : vector<16xi32>
      %gather3A_1602 = tpu.vector_load_idx %arg17[%add3A_1601, %broadcast_in_dim3A_1578] : memref<2048x32xf32, #tpu.memory_space<vmem>>[vector<16xi32>, vector<16xi32>], vector<16xf32>,
      %mul3A_1603 = arith.mulf %gather3A_1579, %gather3A_1602 : vector<16xf32>
      %add3A_1604 = arith.addf %add3A_1568, %mul3A_1603 : vector<16xf32>
      %add3A_1605 = arith.constant 3 : i32
      %add3A_1606 = vector.broadcast %add3A_1605 : i32 to vector<16xi32>
      %add3A_1607 = arith.addi %mul3A_533, %add3A_1606 : vector<16xi32>
      %gather3A_1608 = tpu.vector_load_idx %arg17[%add3A_1607, %broadcast_in_dim3A_1578] : memref<2048x32xf32, #tpu.memory_space<vmem>>[vector<16xi32>, vector<16xi32>], vector<16xf32>,
      %mul3A_1609 = arith.mulf %gather3A_1579, %gather3A_1608 : vector<16xf32>
      %add3A_1610 = arith.addf %add3A_1574, %mul3A_1609 : vector<16xf32>
      %mul3A_1611 = arith.mulf %gather3A_1608, %gather3A_1608 : vector<16xf32>
      %add3A_1612 = arith.addf %add3A_1576, %mul3A_1611 : vector<16xf32>
      %broadcast_in_dim3A_1613 = arith.constant 30 : i32
      %broadcast_in_dim3A_1614 = vector.broadcast %broadcast_in_dim3A_1613 : i32 to vector<16xi32>
      %gather3A_1615 = tpu.vector_load_idx %arg15[%add3A_530, %broadcast_in_dim3A_1614] : memref<512x32xf32, #tpu.memory_space<vmem>>[vector<16xi32>, vector<16xi32>], vector<16xf32>,
      %gather3A_1616 = tpu.vector_load_idx %arg16[%add3A_530, %broadcast_in_dim3A_1614] : memref<512x32xf32, #tpu.memory_space<vmem>>[vector<16xi32>, vector<16xi32>], vector<16xf32>,
      %mul3A_1617 = arith.mulf %gather3A_1615, %gather3A_1616 : vector<16xf32>
      %add3A_1618 = arith.addf %add3A_1582, %mul3A_1617 : vector<16xf32>
      %mul3A_1619 = arith.mulf %gather3A_1615, %gather3A_1615 : vector<16xf32>
      %add3A_1620 = arith.addf %add3A_1584, %mul3A_1619 : vector<16xf32>
      %mul3A_1621 = arith.mulf %gather3A_1616, %gather3A_1616 : vector<16xf32>
      %add3A_1622 = arith.addf %add3A_1586, %mul3A_1621 : vector<16xf32>
      %add3A_1623 = arith.constant 0 : i32
      %add3A_1624 = vector.broadcast %add3A_1623 : i32 to vector<16xi32>
      %add3A_1625 = arith.addi %mul3A_533, %add3A_1624 : vector<16xi32>
      %gather3A_1626 = tpu.vector_load_idx %arg17[%add3A_1625, %broadcast_in_dim3A_1614] : memref<2048x32xf32, #tpu.memory_space<vmem>>[vector<16xi32>, vector<16xi32>], vector<16xf32>,
      %mul3A_1627 = arith.mulf %gather3A_1615, %gather3A_1626 : vector<16xf32>
      %add3A_1628 = arith.addf %add3A_1592, %mul3A_1627 : vector<16xf32>
      %add3A_1629 = arith.constant 1 : i32
      %add3A_1630 = vector.broadcast %add3A_1629 : i32 to vector<16xi32>
      %add3A_1631 = arith.addi %mul3A_533, %add3A_1630 : vector<16xi32>
      %gather3A_1632 = tpu.vector_load_idx %arg17[%add3A_1631, %broadcast_in_dim3A_1614] : memref<2048x32xf32, #tpu.memory_space<vmem>>[vector<16xi32>, vector<16xi32>], vector<16xf32>,
      %mul3A_1633 = arith.mulf %gather3A_1615, %gather3A_1632 : vector<16xf32>
      %add3A_1634 = arith.addf %add3A_1598, %mul3A_1633 : vector<16xf32>
      %add3A_1635 = arith.constant 2 : i32
      %add3A_1636 = vector.broadcast %add3A_1635 : i32 to vector<16xi32>
      %add3A_1637 = arith.addi %mul3A_533, %add3A_1636 : vector<16xi32>
      %gather3A_1638 = tpu.vector_load_idx %arg17[%add3A_1637, %broadcast_in_dim3A_1614] : memref<2048x32xf32, #tpu.memory_space<vmem>>[vector<16xi32>, vector<16xi32>], vector<16xf32>,
      %mul3A_1639 = arith.mulf %gather3A_1615, %gather3A_1638 : vector<16xf32>
      %add3A_1640 = arith.addf %add3A_1604, %mul3A_1639 : vector<16xf32>
      %add3A_1641 = arith.constant 3 : i32
      %add3A_1642 = vector.broadcast %add3A_1641 : i32 to vector<16xi32>
      %add3A_1643 = arith.addi %mul3A_533, %add3A_1642 : vector<16xi32>
      %gather3A_1644 = tpu.vector_load_idx %arg17[%add3A_1643, %broadcast_in_dim3A_1614] : memref<2048x32xf32, #tpu.memory_space<vmem>>[vector<16xi32>, vector<16xi32>], vector<16xf32>,
      %mul3A_1645 = arith.mulf %gather3A_1615, %gather3A_1644 : vector<16xf32>
      %add3A_1646 = arith.addf %add3A_1610, %mul3A_1645 : vector<16xf32>
      %mul3A_1647 = arith.mulf %gather3A_1644, %gather3A_1644 : vector<16xf32>
      %add3A_1648 = arith.addf %add3A_1612, %mul3A_1647 : vector<16xf32>
      %broadcast_in_dim3A_1649 = arith.constant 31 : i32
      %broadcast_in_dim3A_1650 = vector.broadcast %broadcast_in_dim3A_1649 : i32 to vector<16xi32>
      %gather3A_1651 = tpu.vector_load_idx %arg15[%add3A_530, %broadcast_in_dim3A_1650] : memref<512x32xf32, #tpu.memory_space<vmem>>[vector<16xi32>, vector<16xi32>], vector<16xf32>,
      %gather3A_1652 = tpu.vector_load_idx %arg16[%add3A_530, %broadcast_in_dim3A_1650] : memref<512x32xf32, #tpu.memory_space<vmem>>[vector<16xi32>, vector<16xi32>], vector<16xf32>,
      %mul3A_1653 = arith.mulf %gather3A_1651, %gather3A_1652 : vector<16xf32>
      %add3A_1654 = arith.addf %add3A_1618, %mul3A_1653 : vector<16xf32>
      %mul3A_1655 = arith.mulf %gather3A_1651, %gather3A_1651 : vector<16xf32>
      %add3A_1656 = arith.addf %add3A_1620, %mul3A_1655 : vector<16xf32>
      %mul3A_1657 = arith.mulf %gather3A_1652, %gather3A_1652 : vector<16xf32>
      %add3A_1658 = arith.addf %add3A_1622, %mul3A_1657 : vector<16xf32>
      %add3A_1659 = arith.constant 0 : i32
      %add3A_1660 = vector.broadcast %add3A_1659 : i32 to vector<16xi32>
      %add3A_1661 = arith.addi %mul3A_533, %add3A_1660 : vector<16xi32>
      %gather3A_1662 = tpu.vector_load_idx %arg17[%add3A_1661, %broadcast_in_dim3A_1650] : memref<2048x32xf32, #tpu.memory_space<vmem>>[vector<16xi32>, vector<16xi32>], vector<16xf32>,
      %mul3A_1663 = arith.mulf %gather3A_1651, %gather3A_1662 : vector<16xf32>
      %add3A_1664 = arith.addf %add3A_1628, %mul3A_1663 : vector<16xf32>
      %add3A_1665 = arith.constant 1 : i32
      %add3A_1666 = vector.broadcast %add3A_1665 : i32 to vector<16xi32>
      %add3A_1667 = arith.addi %mul3A_533, %add3A_1666 : vector<16xi32>
      %gather3A_1668 = tpu.vector_load_idx %arg17[%add3A_1667, %broadcast_in_dim3A_1650] : memref<2048x32xf32, #tpu.memory_space<vmem>>[vector<16xi32>, vector<16xi32>], vector<16xf32>,
      %mul3A_1669 = arith.mulf %gather3A_1651, %gather3A_1668 : vector<16xf32>
      %add3A_1670 = arith.addf %add3A_1634, %mul3A_1669 : vector<16xf32>
      %add3A_1671 = arith.constant 2 : i32
      %add3A_1672 = vector.broadcast %add3A_1671 : i32 to vector<16xi32>
      %add3A_1673 = arith.addi %mul3A_533, %add3A_1672 : vector<16xi32>
      %gather3A_1674 = tpu.vector_load_idx %arg17[%add3A_1673, %broadcast_in_dim3A_1650] : memref<2048x32xf32, #tpu.memory_space<vmem>>[vector<16xi32>, vector<16xi32>], vector<16xf32>,
      %mul3A_1675 = arith.mulf %gather3A_1651, %gather3A_1674 : vector<16xf32>
      %add3A_1676 = arith.addf %add3A_1640, %mul3A_1675 : vector<16xf32>
      %add3A_1677 = arith.constant 3 : i32
      %add3A_1678 = vector.broadcast %add3A_1677 : i32 to vector<16xi32>
      %add3A_1679 = arith.addi %mul3A_533, %add3A_1678 : vector<16xi32>
      %gather3A_1680 = tpu.vector_load_idx %arg17[%add3A_1679, %broadcast_in_dim3A_1650] : memref<2048x32xf32, #tpu.memory_space<vmem>>[vector<16xi32>, vector<16xi32>], vector<16xf32>,
      %mul3A_1681 = arith.mulf %gather3A_1651, %gather3A_1680 : vector<16xf32>
      %add3A_1682 = arith.addf %add3A_1646, %mul3A_1681 : vector<16xf32>
      %mul3A_1683 = arith.mulf %gather3A_1680, %gather3A_1680 : vector<16xf32>
      %add3A_1684 = arith.addf %add3A_1648, %mul3A_1683 : vector<16xf32>
      %mul3A_1685 = arith.constant 16 : i32
      %mul3A_1686 = arith.muli %scan3A_526, %mul3A_1685 : i32
      %swap3A = arith.index_cast %mul3A_1686 : i32 to index
      %swap3A_1687 = tpu.vector_load %arg18[%swap3A] {strides = array<i32>} : memref<512xf32, #tpu.memory_space<vmem>>, vector<16xf32>,
      tpu.vector_store %arg18[%swap3A], %add3A_1654 {strides = array<i32>} : memref<512xf32, #tpu.memory_space<vmem>>, vector<16xf32>,
      %swap3A_1688 = arith.index_cast %mul3A_1686 : i32 to index
      %swap3A_1689 = tpu.vector_load %arg19[%swap3A_1688] {strides = array<i32>} : memref<512xf32, #tpu.memory_space<vmem>>, vector<16xf32>,
      tpu.vector_store %arg19[%swap3A_1688], %add3A_1656 {strides = array<i32>} : memref<512xf32, #tpu.memory_space<vmem>>, vector<16xf32>,
      %swap3A_1690 = arith.index_cast %mul3A_1686 : i32 to index
      %swap3A_1691 = tpu.vector_load %arg20[%swap3A_1690] {strides = array<i32>} : memref<512xf32, #tpu.memory_space<vmem>>, vector<16xf32>,
      tpu.vector_store %arg20[%swap3A_1690], %add3A_1658 {strides = array<i32>} : memref<512xf32, #tpu.memory_space<vmem>>, vector<16xf32>,
      %swap3A_1692 = arith.index_cast %mul3A_1686 : i32 to index
      %swap3A_1693 = tpu.vector_load %arg21[%swap3A_1692] {strides = array<i32>} : memref<512xf32, #tpu.memory_space<vmem>>, vector<16xf32>,
      tpu.vector_store %arg21[%swap3A_1692], %add3A_1684 {strides = array<i32>} : memref<512xf32, #tpu.memory_space<vmem>>, vector<16xf32>,
      %swap3A_1694 = arith.constant 0 : i32
      %swap3A_1695 = arith.index_cast %swap3A_1694 : i32 to index
      %swap3A_1696 = arith.index_cast %mul3A_1686 : i32 to index
      %swap3A_1697 = tpu.vector_load %arg22[%swap3A_1695, %swap3A_1696] {strides = array<i32>} : memref<4x512xf32, #tpu.memory_space<vmem>>, vector<16xf32>,
      tpu.vector_store %arg22[%swap3A_1695, %swap3A_1696], %add3A_1664 {strides = array<i32>} : memref<4x512xf32, #tpu.memory_space<vmem>>, vector<16xf32>,
      %swap3A_1698 = arith.constant 1 : i32
      %swap3A_1699 = arith.index_cast %swap3A_1698 : i32 to index
      %swap3A_1700 = arith.index_cast %mul3A_1686 : i32 to index
      %swap3A_1701 = tpu.vector_load %arg22[%swap3A_1699, %swap3A_1700] {strides = array<i32>} : memref<4x512xf32, #tpu.memory_space<vmem>>, vector<16xf32>,
      tpu.vector_store %arg22[%swap3A_1699, %swap3A_1700], %add3A_1670 {strides = array<i32>} : memref<4x512xf32, #tpu.memory_space<vmem>>, vector<16xf32>,
      %swap3A_1702 = arith.constant 2 : i32
      %swap3A_1703 = arith.index_cast %swap3A_1702 : i32 to index
      %swap3A_1704 = arith.index_cast %mul3A_1686 : i32 to index
      %swap3A_1705 = tpu.vector_load %arg22[%swap3A_1703, %swap3A_1704] {strides = array<i32>} : memref<4x512xf32, #tpu.memory_space<vmem>>, vector<16xf32>,
      tpu.vector_store %arg22[%swap3A_1703, %swap3A_1704], %add3A_1676 {strides = array<i32>} : memref<4x512xf32, #tpu.memory_space<vmem>>, vector<16xf32>,
      %swap3A_1706 = arith.constant 3 : i32
      %swap3A_1707 = arith.index_cast %swap3A_1706 : i32 to index
      %swap3A_1708 = arith.index_cast %mul3A_1686 : i32 to index
      %swap3A_1709 = tpu.vector_load %arg22[%swap3A_1707, %swap3A_1708] {strides = array<i32>} : memref<4x512xf32, #tpu.memory_space<vmem>>, vector<16xf32>,
      tpu.vector_store %arg22[%swap3A_1707, %swap3A_1708], %add3A_1682 {strides = array<i32>} : memref<4x512xf32, #tpu.memory_space<vmem>>, vector<16xf32>,
    }
    %scan3A_514 = arith.constant 32 : i32
    "tpu.region"() ({
      %run_scoped3A_526 = tpu.sem_alloc : memref<!tpu.dma_semaphore, #tpu.memory_space<semaphore_mem>>
      %dma_start3A_527 = tpu.memref_slice %arg9[%mul3A_2] : memref<16384xf32, #tpu.memory_space<hbm>> -> memref<512xf32, #tpu.memory_space<hbm>>
      %dma_start3A_528 = tpu.memref_slice %arg9[%mul3A_2] : memref<16384xf32, #tpu.memory_space<hbm>> -> memref<512xf32, #tpu.memory_space<hbm>>
      tpu.enqueue_dma source(%arg19 : memref<512xf32, #tpu.memory_space<vmem>>) target(%dma_start3A_528 : memref<512xf32, #tpu.memory_space<hbm>>) target_semaphore(%run_scoped3A_526 : memref<!tpu.dma_semaphore, #tpu.memory_space<semaphore_mem>>)
      %dma_wait3A_529 = tpu.memref_slice %arg9[%mul3A_2] : memref<16384xf32, #tpu.memory_space<hbm>> -> memref<512xf32, #tpu.memory_space<hbm>>
      %dma_wait3A_530 = tpu.memref_slice %arg9[%mul3A_2] : memref<16384xf32, #tpu.memory_space<hbm>> -> memref<512xf32, #tpu.memory_space<hbm>>
      tpu.wait_dma2 semaphore(%run_scoped3A_526 : memref<!tpu.dma_semaphore, #tpu.memory_space<semaphore_mem>>) src(%arg19 : memref<512xf32, #tpu.memory_space<vmem>>) dst(%dma_wait3A_530 : memref<512xf32, #tpu.memory_space<hbm>>)
      tpu.yield
    }) : () -> ()
    "tpu.region"() ({
      %run_scoped3A_526 = tpu.sem_alloc : memref<!tpu.dma_semaphore, #tpu.memory_space<semaphore_mem>>
      %dma_start3A_527 = tpu.memref_slice %arg10[%mul3A_2] : memref<16384xf32, #tpu.memory_space<hbm>> -> memref<512xf32, #tpu.memory_space<hbm>>
      %dma_start3A_528 = tpu.memref_slice %arg10[%mul3A_2] : memref<16384xf32, #tpu.memory_space<hbm>> -> memref<512xf32, #tpu.memory_space<hbm>>
      tpu.enqueue_dma source(%arg20 : memref<512xf32, #tpu.memory_space<vmem>>) target(%dma_start3A_528 : memref<512xf32, #tpu.memory_space<hbm>>) target_semaphore(%run_scoped3A_526 : memref<!tpu.dma_semaphore, #tpu.memory_space<semaphore_mem>>)
      %dma_wait3A_529 = tpu.memref_slice %arg10[%mul3A_2] : memref<16384xf32, #tpu.memory_space<hbm>> -> memref<512xf32, #tpu.memory_space<hbm>>
      %dma_wait3A_530 = tpu.memref_slice %arg10[%mul3A_2] : memref<16384xf32, #tpu.memory_space<hbm>> -> memref<512xf32, #tpu.memory_space<hbm>>
      tpu.wait_dma2 semaphore(%run_scoped3A_526 : memref<!tpu.dma_semaphore, #tpu.memory_space<semaphore_mem>>) src(%arg20 : memref<512xf32, #tpu.memory_space<vmem>>) dst(%dma_wait3A_530 : memref<512xf32, #tpu.memory_space<hbm>>)
      tpu.yield
    }) : () -> ()
    "tpu.region"() ({
      %run_scoped3A_526 = tpu.sem_alloc : memref<!tpu.dma_semaphore, #tpu.memory_space<semaphore_mem>>
      %dma_start3A_527 = tpu.memref_slice %arg11[%mul3A_2] : memref<16384xf32, #tpu.memory_space<hbm>> -> memref<512xf32, #tpu.memory_space<hbm>>
      %dma_start3A_528 = tpu.memref_slice %arg11[%mul3A_2] : memref<16384xf32, #tpu.memory_space<hbm>> -> memref<512xf32, #tpu.memory_space<hbm>>
      tpu.enqueue_dma source(%arg21 : memref<512xf32, #tpu.memory_space<vmem>>) target(%dma_start3A_528 : memref<512xf32, #tpu.memory_space<hbm>>) target_semaphore(%run_scoped3A_526 : memref<!tpu.dma_semaphore, #tpu.memory_space<semaphore_mem>>)
      %dma_wait3A_529 = tpu.memref_slice %arg11[%mul3A_2] : memref<16384xf32, #tpu.memory_space<hbm>> -> memref<512xf32, #tpu.memory_space<hbm>>
      %dma_wait3A_530 = tpu.memref_slice %arg11[%mul3A_2] : memref<16384xf32, #tpu.memory_space<hbm>> -> memref<512xf32, #tpu.memory_space<hbm>>
      tpu.wait_dma2 semaphore(%run_scoped3A_526 : memref<!tpu.dma_semaphore, #tpu.memory_space<semaphore_mem>>) src(%arg21 : memref<512xf32, #tpu.memory_space<vmem>>) dst(%dma_wait3A_530 : memref<512xf32, #tpu.memory_space<hbm>>)
      tpu.yield
    }) : () -> ()
    %run_scoped3A = arith.constant 0 : i32
    "tpu.region"() ({
      %run_scoped3A_526 = tpu.sem_alloc : memref<!tpu.dma_semaphore, #tpu.memory_space<semaphore_mem>>
      %dma_start3A_527 = tpu.memref_slice %arg7[%run_scoped3A, %mul3A_2] : memref<4x16384xf32, #tpu.memory_space<hbm>> -> memref<1x512xf32, #tpu.memory_space<hbm>>
      %dma_start3A_528 = tpu.memref_squeeze %dma_start3A_527 : memref<1x512xf32, #tpu.memory_space<hbm>> -> memref<512xf32, #tpu.memory_space<hbm>>
      %dma_start3A_529 = tpu.memref_slice %arg7[%run_scoped3A, %mul3A_2] : memref<4x16384xf32, #tpu.memory_space<hbm>> -> memref<1x512xf32, #tpu.memory_space<hbm>>
      %dma_start3A_530 = tpu.memref_squeeze %dma_start3A_529 : memref<1x512xf32, #tpu.memory_space<hbm>> -> memref<512xf32, #tpu.memory_space<hbm>>
      tpu.enqueue_dma source(%arg18 : memref<512xf32, #tpu.memory_space<vmem>>) target(%dma_start3A_530 : memref<512xf32, #tpu.memory_space<hbm>>) target_semaphore(%run_scoped3A_526 : memref<!tpu.dma_semaphore, #tpu.memory_space<semaphore_mem>>)
      %dma_wait3A_531 = tpu.memref_slice %arg7[%run_scoped3A, %mul3A_2] : memref<4x16384xf32, #tpu.memory_space<hbm>> -> memref<1x512xf32, #tpu.memory_space<hbm>>
      %dma_wait3A_532 = tpu.memref_squeeze %dma_wait3A_531 : memref<1x512xf32, #tpu.memory_space<hbm>> -> memref<512xf32, #tpu.memory_space<hbm>>
      %dma_wait3A_533 = tpu.memref_slice %arg7[%run_scoped3A, %mul3A_2] : memref<4x16384xf32, #tpu.memory_space<hbm>> -> memref<1x512xf32, #tpu.memory_space<hbm>>
      %dma_wait3A_534 = tpu.memref_squeeze %dma_wait3A_533 : memref<1x512xf32, #tpu.memory_space<hbm>> -> memref<512xf32, #tpu.memory_space<hbm>>
      tpu.wait_dma2 semaphore(%run_scoped3A_526 : memref<!tpu.dma_semaphore, #tpu.memory_space<semaphore_mem>>) src(%arg18 : memref<512xf32, #tpu.memory_space<vmem>>) dst(%dma_wait3A_534 : memref<512xf32, #tpu.memory_space<hbm>>)
      tpu.yield
    }) : () -> ()
    %run_scoped3A_515 = arith.constant 0 : i32
    %run_scoped3A_516 = arith.constant 0 : i32
    "tpu.region"() ({
      %run_scoped3A_526 = tpu.sem_alloc : memref<!tpu.dma_semaphore, #tpu.memory_space<semaphore_mem>>
      %dma_start3A_527 = arith.constant 0 : i32
      %dma_start3A_528 = tpu.memref_slice %arg22[%run_scoped3A_515, %dma_start3A_527] : memref<4x512xf32, #tpu.memory_space<vmem>> -> memref<1x512xf32, #tpu.memory_space<vmem>>
      %dma_start3A_529 = tpu.memref_squeeze %dma_start3A_528 : memref<1x512xf32, #tpu.memory_space<vmem>> -> memref<512xf32, #tpu.memory_space<vmem>>
      %dma_start3A_530 = tpu.memref_slice %arg8[%run_scoped3A_516, %mul3A_2] : memref<4x16384xf32, #tpu.memory_space<hbm>> -> memref<1x512xf32, #tpu.memory_space<hbm>>
      %dma_start3A_531 = tpu.memref_squeeze %dma_start3A_530 : memref<1x512xf32, #tpu.memory_space<hbm>> -> memref<512xf32, #tpu.memory_space<hbm>>
      %dma_start3A_532 = tpu.memref_slice %arg8[%run_scoped3A_516, %mul3A_2] : memref<4x16384xf32, #tpu.memory_space<hbm>> -> memref<1x512xf32, #tpu.memory_space<hbm>>
      %dma_start3A_533 = tpu.memref_squeeze %dma_start3A_532 : memref<1x512xf32, #tpu.memory_space<hbm>> -> memref<512xf32, #tpu.memory_space<hbm>>
      %dma_start3A_534 = arith.constant 0 : i32
      %dma_start3A_535 = tpu.memref_slice %arg22[%run_scoped3A_515, %dma_start3A_534] : memref<4x512xf32, #tpu.memory_space<vmem>> -> memref<1x512xf32, #tpu.memory_space<vmem>>
      %dma_start3A_536 = tpu.memref_squeeze %dma_start3A_535 : memref<1x512xf32, #tpu.memory_space<vmem>> -> memref<512xf32, #tpu.memory_space<vmem>>
      tpu.enqueue_dma source(%dma_start3A_536 : memref<512xf32, #tpu.memory_space<vmem>>) target(%dma_start3A_533 : memref<512xf32, #tpu.memory_space<hbm>>) target_semaphore(%run_scoped3A_526 : memref<!tpu.dma_semaphore, #tpu.memory_space<semaphore_mem>>)
      %dma_wait3A_537 = arith.constant 0 : i32
      %dma_wait3A_538 = tpu.memref_slice %arg22[%run_scoped3A_515, %dma_wait3A_537] : memref<4x512xf32, #tpu.memory_space<vmem>> -> memref<1x512xf32, #tpu.memory_space<vmem>>
      %dma_wait3A_539 = tpu.memref_squeeze %dma_wait3A_538 : memref<1x512xf32, #tpu.memory_space<vmem>> -> memref<512xf32, #tpu.memory_space<vmem>>
      %dma_wait3A_540 = tpu.memref_slice %arg8[%run_scoped3A_516, %mul3A_2] : memref<4x16384xf32, #tpu.memory_space<hbm>> -> memref<1x512xf32, #tpu.memory_space<hbm>>
      %dma_wait3A_541 = tpu.memref_squeeze %dma_wait3A_540 : memref<1x512xf32, #tpu.memory_space<hbm>> -> memref<512xf32, #tpu.memory_space<hbm>>
      %dma_wait3A_542 = tpu.memref_slice %arg8[%run_scoped3A_516, %mul3A_2] : memref<4x16384xf32, #tpu.memory_space<hbm>> -> memref<1x512xf32, #tpu.memory_space<hbm>>
      %dma_wait3A_543 = tpu.memref_squeeze %dma_wait3A_542 : memref<1x512xf32, #tpu.memory_space<hbm>> -> memref<512xf32, #tpu.memory_space<hbm>>
      %dma_wait3A_544 = arith.constant 0 : i32
      %dma_wait3A_545 = tpu.memref_slice %arg22[%run_scoped3A_515, %dma_wait3A_544] : memref<4x512xf32, #tpu.memory_space<vmem>> -> memref<1x512xf32, #tpu.memory_space<vmem>>
      %dma_wait3A_546 = tpu.memref_squeeze %dma_wait3A_545 : memref<1x512xf32, #tpu.memory_space<vmem>> -> memref<512xf32, #tpu.memory_space<vmem>>
      tpu.wait_dma2 semaphore(%run_scoped3A_526 : memref<!tpu.dma_semaphore, #tpu.memory_space<semaphore_mem>>) src(%dma_wait3A_546 : memref<512xf32, #tpu.memory_space<vmem>>) dst(%dma_wait3A_543 : memref<512xf32, #tpu.memory_space<hbm>>)
      tpu.yield
    }) : () -> ()
    %run_scoped3A_517 = arith.constant 1 : i32
    "tpu.region"() ({
      %run_scoped3A_526 = tpu.sem_alloc : memref<!tpu.dma_semaphore, #tpu.memory_space<semaphore_mem>>
      %dma_start3A_527 = tpu.memref_slice %arg7[%run_scoped3A_517, %mul3A_2] : memref<4x16384xf32, #tpu.memory_space<hbm>> -> memref<1x512xf32, #tpu.memory_space<hbm>>
      %dma_start3A_528 = tpu.memref_squeeze %dma_start3A_527 : memref<1x512xf32, #tpu.memory_space<hbm>> -> memref<512xf32, #tpu.memory_space<hbm>>
      %dma_start3A_529 = tpu.memref_slice %arg7[%run_scoped3A_517, %mul3A_2] : memref<4x16384xf32, #tpu.memory_space<hbm>> -> memref<1x512xf32, #tpu.memory_space<hbm>>
      %dma_start3A_530 = tpu.memref_squeeze %dma_start3A_529 : memref<1x512xf32, #tpu.memory_space<hbm>> -> memref<512xf32, #tpu.memory_space<hbm>>
      tpu.enqueue_dma source(%arg18 : memref<512xf32, #tpu.memory_space<vmem>>) target(%dma_start3A_530 : memref<512xf32, #tpu.memory_space<hbm>>) target_semaphore(%run_scoped3A_526 : memref<!tpu.dma_semaphore, #tpu.memory_space<semaphore_mem>>)
      %dma_wait3A_531 = tpu.memref_slice %arg7[%run_scoped3A_517, %mul3A_2] : memref<4x16384xf32, #tpu.memory_space<hbm>> -> memref<1x512xf32, #tpu.memory_space<hbm>>
      %dma_wait3A_532 = tpu.memref_squeeze %dma_wait3A_531 : memref<1x512xf32, #tpu.memory_space<hbm>> -> memref<512xf32, #tpu.memory_space<hbm>>
      %dma_wait3A_533 = tpu.memref_slice %arg7[%run_scoped3A_517, %mul3A_2] : memref<4x16384xf32, #tpu.memory_space<hbm>> -> memref<1x512xf32, #tpu.memory_space<hbm>>
      %dma_wait3A_534 = tpu.memref_squeeze %dma_wait3A_533 : memref<1x512xf32, #tpu.memory_space<hbm>> -> memref<512xf32, #tpu.memory_space<hbm>>
      tpu.wait_dma2 semaphore(%run_scoped3A_526 : memref<!tpu.dma_semaphore, #tpu.memory_space<semaphore_mem>>) src(%arg18 : memref<512xf32, #tpu.memory_space<vmem>>) dst(%dma_wait3A_534 : memref<512xf32, #tpu.memory_space<hbm>>)
      tpu.yield
    }) : () -> ()
    %run_scoped3A_518 = arith.constant 1 : i32
    %run_scoped3A_519 = arith.constant 1 : i32
    "tpu.region"() ({
      %run_scoped3A_526 = tpu.sem_alloc : memref<!tpu.dma_semaphore, #tpu.memory_space<semaphore_mem>>
      %dma_start3A_527 = arith.constant 0 : i32
      %dma_start3A_528 = tpu.memref_slice %arg22[%run_scoped3A_518, %dma_start3A_527] : memref<4x512xf32, #tpu.memory_space<vmem>> -> memref<1x512xf32, #tpu.memory_space<vmem>>
      %dma_start3A_529 = tpu.memref_squeeze %dma_start3A_528 : memref<1x512xf32, #tpu.memory_space<vmem>> -> memref<512xf32, #tpu.memory_space<vmem>>
      %dma_start3A_530 = tpu.memref_slice %arg8[%run_scoped3A_519, %mul3A_2] : memref<4x16384xf32, #tpu.memory_space<hbm>> -> memref<1x512xf32, #tpu.memory_space<hbm>>
      %dma_start3A_531 = tpu.memref_squeeze %dma_start3A_530 : memref<1x512xf32, #tpu.memory_space<hbm>> -> memref<512xf32, #tpu.memory_space<hbm>>
      %dma_start3A_532 = tpu.memref_slice %arg8[%run_scoped3A_519, %mul3A_2] : memref<4x16384xf32, #tpu.memory_space<hbm>> -> memref<1x512xf32, #tpu.memory_space<hbm>>
      %dma_start3A_533 = tpu.memref_squeeze %dma_start3A_532 : memref<1x512xf32, #tpu.memory_space<hbm>> -> memref<512xf32, #tpu.memory_space<hbm>>
      %dma_start3A_534 = arith.constant 0 : i32
      %dma_start3A_535 = tpu.memref_slice %arg22[%run_scoped3A_518, %dma_start3A_534] : memref<4x512xf32, #tpu.memory_space<vmem>> -> memref<1x512xf32, #tpu.memory_space<vmem>>
      %dma_start3A_536 = tpu.memref_squeeze %dma_start3A_535 : memref<1x512xf32, #tpu.memory_space<vmem>> -> memref<512xf32, #tpu.memory_space<vmem>>
      tpu.enqueue_dma source(%dma_start3A_536 : memref<512xf32, #tpu.memory_space<vmem>>) target(%dma_start3A_533 : memref<512xf32, #tpu.memory_space<hbm>>) target_semaphore(%run_scoped3A_526 : memref<!tpu.dma_semaphore, #tpu.memory_space<semaphore_mem>>)
      %dma_wait3A_537 = arith.constant 0 : i32
      %dma_wait3A_538 = tpu.memref_slice %arg22[%run_scoped3A_518, %dma_wait3A_537] : memref<4x512xf32, #tpu.memory_space<vmem>> -> memref<1x512xf32, #tpu.memory_space<vmem>>
      %dma_wait3A_539 = tpu.memref_squeeze %dma_wait3A_538 : memref<1x512xf32, #tpu.memory_space<vmem>> -> memref<512xf32, #tpu.memory_space<vmem>>
      %dma_wait3A_540 = tpu.memref_slice %arg8[%run_scoped3A_519, %mul3A_2] : memref<4x16384xf32, #tpu.memory_space<hbm>> -> memref<1x512xf32, #tpu.memory_space<hbm>>
      %dma_wait3A_541 = tpu.memref_squeeze %dma_wait3A_540 : memref<1x512xf32, #tpu.memory_space<hbm>> -> memref<512xf32, #tpu.memory_space<hbm>>
      %dma_wait3A_542 = tpu.memref_slice %arg8[%run_scoped3A_519, %mul3A_2] : memref<4x16384xf32, #tpu.memory_space<hbm>> -> memref<1x512xf32, #tpu.memory_space<hbm>>
      %dma_wait3A_543 = tpu.memref_squeeze %dma_wait3A_542 : memref<1x512xf32, #tpu.memory_space<hbm>> -> memref<512xf32, #tpu.memory_space<hbm>>
      %dma_wait3A_544 = arith.constant 0 : i32
      %dma_wait3A_545 = tpu.memref_slice %arg22[%run_scoped3A_518, %dma_wait3A_544] : memref<4x512xf32, #tpu.memory_space<vmem>> -> memref<1x512xf32, #tpu.memory_space<vmem>>
      %dma_wait3A_546 = tpu.memref_squeeze %dma_wait3A_545 : memref<1x512xf32, #tpu.memory_space<vmem>> -> memref<512xf32, #tpu.memory_space<vmem>>
      tpu.wait_dma2 semaphore(%run_scoped3A_526 : memref<!tpu.dma_semaphore, #tpu.memory_space<semaphore_mem>>) src(%dma_wait3A_546 : memref<512xf32, #tpu.memory_space<vmem>>) dst(%dma_wait3A_543 : memref<512xf32, #tpu.memory_space<hbm>>)
      tpu.yield
    }) : () -> ()
    %run_scoped3A_520 = arith.constant 2 : i32
    "tpu.region"() ({
      %run_scoped3A_526 = tpu.sem_alloc : memref<!tpu.dma_semaphore, #tpu.memory_space<semaphore_mem>>
      %dma_start3A_527 = tpu.memref_slice %arg7[%run_scoped3A_520, %mul3A_2] : memref<4x16384xf32, #tpu.memory_space<hbm>> -> memref<1x512xf32, #tpu.memory_space<hbm>>
      %dma_start3A_528 = tpu.memref_squeeze %dma_start3A_527 : memref<1x512xf32, #tpu.memory_space<hbm>> -> memref<512xf32, #tpu.memory_space<hbm>>
      %dma_start3A_529 = tpu.memref_slice %arg7[%run_scoped3A_520, %mul3A_2] : memref<4x16384xf32, #tpu.memory_space<hbm>> -> memref<1x512xf32, #tpu.memory_space<hbm>>
      %dma_start3A_530 = tpu.memref_squeeze %dma_start3A_529 : memref<1x512xf32, #tpu.memory_space<hbm>> -> memref<512xf32, #tpu.memory_space<hbm>>
      tpu.enqueue_dma source(%arg18 : memref<512xf32, #tpu.memory_space<vmem>>) target(%dma_start3A_530 : memref<512xf32, #tpu.memory_space<hbm>>) target_semaphore(%run_scoped3A_526 : memref<!tpu.dma_semaphore, #tpu.memory_space<semaphore_mem>>)
      %dma_wait3A_531 = tpu.memref_slice %arg7[%run_scoped3A_520, %mul3A_2] : memref<4x16384xf32, #tpu.memory_space<hbm>> -> memref<1x512xf32, #tpu.memory_space<hbm>>
      %dma_wait3A_532 = tpu.memref_squeeze %dma_wait3A_531 : memref<1x512xf32, #tpu.memory_space<hbm>> -> memref<512xf32, #tpu.memory_space<hbm>>
      %dma_wait3A_533 = tpu.memref_slice %arg7[%run_scoped3A_520, %mul3A_2] : memref<4x16384xf32, #tpu.memory_space<hbm>> -> memref<1x512xf32, #tpu.memory_space<hbm>>
      %dma_wait3A_534 = tpu.memref_squeeze %dma_wait3A_533 : memref<1x512xf32, #tpu.memory_space<hbm>> -> memref<512xf32, #tpu.memory_space<hbm>>
      tpu.wait_dma2 semaphore(%run_scoped3A_526 : memref<!tpu.dma_semaphore, #tpu.memory_space<semaphore_mem>>) src(%arg18 : memref<512xf32, #tpu.memory_space<vmem>>) dst(%dma_wait3A_534 : memref<512xf32, #tpu.memory_space<hbm>>)
      tpu.yield
    }) : () -> ()
    %run_scoped3A_521 = arith.constant 2 : i32
    %run_scoped3A_522 = arith.constant 2 : i32
    "tpu.region"() ({
      %run_scoped3A_526 = tpu.sem_alloc : memref<!tpu.dma_semaphore, #tpu.memory_space<semaphore_mem>>
      %dma_start3A_527 = arith.constant 0 : i32
      %dma_start3A_528 = tpu.memref_slice %arg22[%run_scoped3A_521, %dma_start3A_527] : memref<4x512xf32, #tpu.memory_space<vmem>> -> memref<1x512xf32, #tpu.memory_space<vmem>>
      %dma_start3A_529 = tpu.memref_squeeze %dma_start3A_528 : memref<1x512xf32, #tpu.memory_space<vmem>> -> memref<512xf32, #tpu.memory_space<vmem>>
      %dma_start3A_530 = tpu.memref_slice %arg8[%run_scoped3A_522, %mul3A_2] : memref<4x16384xf32, #tpu.memory_space<hbm>> -> memref<1x512xf32, #tpu.memory_space<hbm>>
      %dma_start3A_531 = tpu.memref_squeeze %dma_start3A_530 : memref<1x512xf32, #tpu.memory_space<hbm>> -> memref<512xf32, #tpu.memory_space<hbm>>
      %dma_start3A_532 = tpu.memref_slice %arg8[%run_scoped3A_522, %mul3A_2] : memref<4x16384xf32, #tpu.memory_space<hbm>> -> memref<1x512xf32, #tpu.memory_space<hbm>>
      %dma_start3A_533 = tpu.memref_squeeze %dma_start3A_532 : memref<1x512xf32, #tpu.memory_space<hbm>> -> memref<512xf32, #tpu.memory_space<hbm>>
      %dma_start3A_534 = arith.constant 0 : i32
      %dma_start3A_535 = tpu.memref_slice %arg22[%run_scoped3A_521, %dma_start3A_534] : memref<4x512xf32, #tpu.memory_space<vmem>> -> memref<1x512xf32, #tpu.memory_space<vmem>>
      %dma_start3A_536 = tpu.memref_squeeze %dma_start3A_535 : memref<1x512xf32, #tpu.memory_space<vmem>> -> memref<512xf32, #tpu.memory_space<vmem>>
      tpu.enqueue_dma source(%dma_start3A_536 : memref<512xf32, #tpu.memory_space<vmem>>) target(%dma_start3A_533 : memref<512xf32, #tpu.memory_space<hbm>>) target_semaphore(%run_scoped3A_526 : memref<!tpu.dma_semaphore, #tpu.memory_space<semaphore_mem>>)
      %dma_wait3A_537 = arith.constant 0 : i32
      %dma_wait3A_538 = tpu.memref_slice %arg22[%run_scoped3A_521, %dma_wait3A_537] : memref<4x512xf32, #tpu.memory_space<vmem>> -> memref<1x512xf32, #tpu.memory_space<vmem>>
      %dma_wait3A_539 = tpu.memref_squeeze %dma_wait3A_538 : memref<1x512xf32, #tpu.memory_space<vmem>> -> memref<512xf32, #tpu.memory_space<vmem>>
      %dma_wait3A_540 = tpu.memref_slice %arg8[%run_scoped3A_522, %mul3A_2] : memref<4x16384xf32, #tpu.memory_space<hbm>> -> memref<1x512xf32, #tpu.memory_space<hbm>>
      %dma_wait3A_541 = tpu.memref_squeeze %dma_wait3A_540 : memref<1x512xf32, #tpu.memory_space<hbm>> -> memref<512xf32, #tpu.memory_space<hbm>>
      %dma_wait3A_542 = tpu.memref_slice %arg8[%run_scoped3A_522, %mul3A_2] : memref<4x16384xf32, #tpu.memory_space<hbm>> -> memref<1x512xf32, #tpu.memory_space<hbm>>
      %dma_wait3A_543 = tpu.memref_squeeze %dma_wait3A_542 : memref<1x512xf32, #tpu.memory_space<hbm>> -> memref<512xf32, #tpu.memory_space<hbm>>
      %dma_wait3A_544 = arith.constant 0 : i32
      %dma_wait3A_545 = tpu.memref_slice %arg22[%run_scoped3A_521, %dma_wait3A_544] : memref<4x512xf32, #tpu.memory_space<vmem>> -> memref<1x512xf32, #tpu.memory_space<vmem>>
      %dma_wait3A_546 = tpu.memref_squeeze %dma_wait3A_545 : memref<1x512xf32, #tpu.memory_space<vmem>> -> memref<512xf32, #tpu.memory_space<vmem>>
      tpu.wait_dma2 semaphore(%run_scoped3A_526 : memref<!tpu.dma_semaphore, #tpu.memory_space<semaphore_mem>>) src(%dma_wait3A_546 : memref<512xf32, #tpu.memory_space<vmem>>) dst(%dma_wait3A_543 : memref<512xf32, #tpu.memory_space<hbm>>)
      tpu.yield
    }) : () -> ()
    %run_scoped3A_523 = arith.constant 3 : i32
    "tpu.region"() ({
      %run_scoped3A_526 = tpu.sem_alloc : memref<!tpu.dma_semaphore, #tpu.memory_space<semaphore_mem>>
      %dma_start3A_527 = tpu.memref_slice %arg7[%run_scoped3A_523, %mul3A_2] : memref<4x16384xf32, #tpu.memory_space<hbm>> -> memref<1x512xf32, #tpu.memory_space<hbm>>
      %dma_start3A_528 = tpu.memref_squeeze %dma_start3A_527 : memref<1x512xf32, #tpu.memory_space<hbm>> -> memref<512xf32, #tpu.memory_space<hbm>>
      %dma_start3A_529 = tpu.memref_slice %arg7[%run_scoped3A_523, %mul3A_2] : memref<4x16384xf32, #tpu.memory_space<hbm>> -> memref<1x512xf32, #tpu.memory_space<hbm>>
      %dma_start3A_530 = tpu.memref_squeeze %dma_start3A_529 : memref<1x512xf32, #tpu.memory_space<hbm>> -> memref<512xf32, #tpu.memory_space<hbm>>
      tpu.enqueue_dma source(%arg18 : memref<512xf32, #tpu.memory_space<vmem>>) target(%dma_start3A_530 : memref<512xf32, #tpu.memory_space<hbm>>) target_semaphore(%run_scoped3A_526 : memref<!tpu.dma_semaphore, #tpu.memory_space<semaphore_mem>>)
      %dma_wait3A_531 = tpu.memref_slice %arg7[%run_scoped3A_523, %mul3A_2] : memref<4x16384xf32, #tpu.memory_space<hbm>> -> memref<1x512xf32, #tpu.memory_space<hbm>>
      %dma_wait3A_532 = tpu.memref_squeeze %dma_wait3A_531 : memref<1x512xf32, #tpu.memory_space<hbm>> -> memref<512xf32, #tpu.memory_space<hbm>>
      %dma_wait3A_533 = tpu.memref_slice %arg7[%run_scoped3A_523, %mul3A_2] : memref<4x16384xf32, #tpu.memory_space<hbm>> -> memref<1x512xf32, #tpu.memory_space<hbm>>
      %dma_wait3A_534 = tpu.memref_squeeze %dma_wait3A_533 : memref<1x512xf32, #tpu.memory_space<hbm>> -> memref<512xf32, #tpu.memory_space<hbm>>
      tpu.wait_dma2 semaphore(%run_scoped3A_526 : memref<!tpu.dma_semaphore, #tpu.memory_space<semaphore_mem>>) src(%arg18 : memref<512xf32, #tpu.memory_space<vmem>>) dst(%dma_wait3A_534 : memref<512xf32, #tpu.memory_space<hbm>>)
      tpu.yield
    }) : () -> ()
    %run_scoped3A_524 = arith.constant 3 : i32
    %run_scoped3A_525 = arith.constant 3 : i32
    "tpu.region"() ({
      %run_scoped3A_526 = tpu.sem_alloc : memref<!tpu.dma_semaphore, #tpu.memory_space<semaphore_mem>>
      %dma_start3A_527 = arith.constant 0 : i32
      %dma_start3A_528 = tpu.memref_slice %arg22[%run_scoped3A_524, %dma_start3A_527] : memref<4x512xf32, #tpu.memory_space<vmem>> -> memref<1x512xf32, #tpu.memory_space<vmem>>
      %dma_start3A_529 = tpu.memref_squeeze %dma_start3A_528 : memref<1x512xf32, #tpu.memory_space<vmem>> -> memref<512xf32, #tpu.memory_space<vmem>>
      %dma_start3A_530 = tpu.memref_slice %arg8[%run_scoped3A_525, %mul3A_2] : memref<4x16384xf32, #tpu.memory_space<hbm>> -> memref<1x512xf32, #tpu.memory_space<hbm>>
      %dma_start3A_531 = tpu.memref_squeeze %dma_start3A_530 : memref<1x512xf32, #tpu.memory_space<hbm>> -> memref<512xf32, #tpu.memory_space<hbm>>
      %dma_start3A_532 = tpu.memref_slice %arg8[%run_scoped3A_525, %mul3A_2] : memref<4x16384xf32, #tpu.memory_space<hbm>> -> memref<1x512xf32, #tpu.memory_space<hbm>>
      %dma_start3A_533 = tpu.memref_squeeze %dma_start3A_532 : memref<1x512xf32, #tpu.memory_space<hbm>> -> memref<512xf32, #tpu.memory_space<hbm>>
      %dma_start3A_534 = arith.constant 0 : i32
      %dma_start3A_535 = tpu.memref_slice %arg22[%run_scoped3A_524, %dma_start3A_534] : memref<4x512xf32, #tpu.memory_space<vmem>> -> memref<1x512xf32, #tpu.memory_space<vmem>>
      %dma_start3A_536 = tpu.memref_squeeze %dma_start3A_535 : memref<1x512xf32, #tpu.memory_space<vmem>> -> memref<512xf32, #tpu.memory_space<vmem>>
      tpu.enqueue_dma source(%dma_start3A_536 : memref<512xf32, #tpu.memory_space<vmem>>) target(%dma_start3A_533 : memref<512xf32, #tpu.memory_space<hbm>>) target_semaphore(%run_scoped3A_526 : memref<!tpu.dma_semaphore, #tpu.memory_space<semaphore_mem>>)
      %dma_wait3A_537 = arith.constant 0 : i32
      %dma_wait3A_538 = tpu.memref_slice %arg22[%run_scoped3A_524, %dma_wait3A_537] : memref<4x512xf32, #tpu.memory_space<vmem>> -> memref<1x512xf32, #tpu.memory_space<vmem>>
      %dma_wait3A_539 = tpu.memref_squeeze %dma_wait3A_538 : memref<1x512xf32, #tpu.memory_space<vmem>> -> memref<512xf32, #tpu.memory_space<vmem>>
      %dma_wait3A_540 = tpu.memref_slice %arg8[%run_scoped3A_525, %mul3A_2] : memref<4x16384xf32, #tpu.memory_space<hbm>> -> memref<1x512xf32, #tpu.memory_space<hbm>>
      %dma_wait3A_541 = tpu.memref_squeeze %dma_wait3A_540 : memref<1x512xf32, #tpu.memory_space<hbm>> -> memref<512xf32, #tpu.memory_space<hbm>>
      %dma_wait3A_542 = tpu.memref_slice %arg8[%run_scoped3A_525, %mul3A_2] : memref<4x16384xf32, #tpu.memory_space<hbm>> -> memref<1x512xf32, #tpu.memory_space<hbm>>
      %dma_wait3A_543 = tpu.memref_squeeze %dma_wait3A_542 : memref<1x512xf32, #tpu.memory_space<hbm>> -> memref<512xf32, #tpu.memory_space<hbm>>
      %dma_wait3A_544 = arith.constant 0 : i32
      %dma_wait3A_545 = tpu.memref_slice %arg22[%run_scoped3A_524, %dma_wait3A_544] : memref<4x512xf32, #tpu.memory_space<vmem>> -> memref<1x512xf32, #tpu.memory_space<vmem>>
      %dma_wait3A_546 = tpu.memref_squeeze %dma_wait3A_545 : memref<1x512xf32, #tpu.memory_space<vmem>> -> memref<512xf32, #tpu.memory_space<vmem>>
      tpu.wait_dma2 semaphore(%run_scoped3A_526 : memref<!tpu.dma_semaphore, #tpu.memory_space<semaphore_mem>>) src(%dma_wait3A_546 : memref<512xf32, #tpu.memory_space<vmem>>) dst(%dma_wait3A_543 : memref<512xf32, #tpu.memory_space<hbm>>)
      tpu.yield
    }) : () -> ()
    return
  }
}

</mosaic_0001>

<sc_bundles>
// kernel: kernel.3.cloned.1.call-start
scs
__scs_entry_jumppad:
0x0: {  	(pc) =	sbr.rel $0x88, $3  }
0x1: {  	(tag) =	ssettag $0x0;
	lr =	simm.s32 $0x1  }
0x2: {  	[smem:$0x3F9C] =	sst lr;
	_ =	strace $0xD0000000  }
0x3: {  	_ = 	snop  }
0x4: {  	_ = 	snop  }
0x5: {  	_ = 	snop  }
0x6: {  	_ = 	snop  }
0x7: {  	_ = 	snop  }
__scs_overlays_trampoline_lowered:
0x8: {  	[smem:$0x3FAB] =	sst s0  }
0x9: {  	[smem:$0x3FAC] =	sst s1  }
0xa: {  	[smem:$0x3FAD] =	sst s2  }
0xb: {  	[smem:$0x3FAE] =	sst s3  }
0xc: {  	[smem:$0x3FAF] =	sst s4  }
0xd: {  	[smem:$0x3FB0] =	sst s5  }
0xe: {  	[smem:$0x3FB1] =	sst s6  }
0xf: {  	[smem:$0x3FB2] =	sst s7  }
0x10: {  	[smem:$0x3FB3] =	sst s8  }
0x11: {  	[smem:$0x3FB4] =	sst s9;
	s0 =	simm.s32 @!p0 $0x0  }
0x12: {  	s1 =	sld [smem:$0x3F9A];
	s0 =	simm.s32 @p0 $0x1  }
0x13: {  	[smem:$0x3FB5] =	sst s0;
	s0 =	simm.s32 @!p1 $0x0  }
0x14: {  	s2 =	sld [smem:$0x3F99];
	s0 =	simm.s32 @p1 $0x1  }
0x15: {  	[smem:$0x3FB6] =	sst s0;
	s0 =	simm.s32 @!p2 $0x0  }
0x16: {  	s3 =	sld [smem:$0x3FDB];
	s0 =	simm.s32 @p2 $0x1  }
0x17: {  	s4 =	simm.s32 $0x1BF5;
	[smem:$0x3FB8] =	sst s0  }
0x18: {  	s0 =	sld [smem:$0x3F9B];
	_ =	swait.ge [sflag:s4], $0x0  }
0x19: {  	s7 =	sld [smem:$0x3F9C]  }
0x1a: {  	s8 =	sadd.s32 $0xFFFFE003, lr  }
0x1b: {  	s9 =	sadd.s32 $0xFFFFFEF7, lr;
	s5 =	simm.s32 $0xFFFFFFFF;
	p2 =	slt.u32 s8, $0xFFFFF086  }
0x1c: {  	p1 =	slt.u32 s9, $0xF7A;
	s5 =	simm.s32 @!p2 $0x0  }
0x1d: {  	s5 =	simm.s32 @p1 $0x1;
	p0 =	seq.s32 s7, s2  }
0x1e: {  	s7 =	smul.u32 @!p0 $0xF7A, s2;
	p2 =	seq.s32 @!p0 s5, $0x0  }
0x1f: {  	s9 =	smul.u32 $0xF7A, s1;
	s8 =	simm.s32 @!p0 $0x1BF5;
	p2 =	por !p2, p0  }
0x20: {  	[sflag:s8] =	ssyncset.s32 @!p0 $0xFFFFF086;
	s6 =	sadd.s32 @!p0 s3, s7;
	s7 =	simm.s32 @!p0 $0x108  }
0x21: {  	s3 =	sadd.s32 s3, s9;
	s6 =	sadd.s32 @!p0 $0x88, s6;
	s7 =	simm.s32 @p2 $0x1082  }
0x22: {  	[simem:s7], [sflag:s8] =	dma.local @!p0 [hbm:s6], $0xF7A  }
0x23: {  	s9 =	sor.u32 $0xD0000000, s2;
	s6 =	simm.s32 $0x108;
	_ =	swait.ge @!p0 [sflag:s8], $0x0  }
0x24: {  	s3 =	sadd.s32 $0x88, s3;
	s6 =	simm.s32 @!p1 $0x1082;
	[sflag:s4] =	ssyncset.s32 $0xFFFFF086  }
0x25: {  	[simem:s6], [sflag:s4] =	dma.local [hbm:s3], $0xF7A  }
0x26: {  	[smem:$0x3F9C] =	sst s1;
	(tag) =	ssettag s2;
	_ =	strace s9  }
0x27: {  	s1 =	sld [smem:$0x3FAC]  }
0x28: {  	s2 =	sld [smem:$0x3FAD]  }
0x29: {  	s4 =	sld [smem:$0x3FAF]  }
0x2a: {  	p0 =	seq.s32 s5, $0x0;
	s5 =	sld [smem:$0x3FB0]  }
0x2b: {  	s6 =	sld [smem:$0x3FB1]  }
0x2c: {  	s7 =	sld [smem:$0x3FB2]  }
0x2d: {  	s3 =	simm.s32 $0x108;
	s8 =	sld [smem:$0x3FB3]  }
0x2e: {  	s3 =	simm.s32 @!p0 $0x1082;
	s9 =	sld [smem:$0x3FB4]  }
0x2f: {  	lr =	sadd.s32 s0, s3;
	s0 =	sld [smem:$0x3FAB]  }
0x30: {  	s3 =	sld [smem:$0x3FAE]  }
0x31: {  	[smem:$0x3FB7] =	sst s10  }
0x32: {  	s10 =	sld [smem:$0x3FB5];
	_ =	sdelay $0x3  }
0x33: {  	p0 =	seq.s32 s10, $0x1;
	s10 =	sld [smem:$0x3FB7];
	_ =	sdelay $0x3  }
0x34: {  	[smem:$0x3FB7] =	sst s10  }
0x35: {  	s10 =	sld [smem:$0x3FB6];
	_ =	sdelay $0x3  }
0x36: {  	p1 =	seq.s32 s10, $0x1;
	s10 =	sld [smem:$0x3FB7];
	_ =	sdelay $0x3  }
0x37: {  	[smem:$0x3FB7] =	sst s10  }
0x38: {  	s10 =	sld [smem:$0x3FB8]  }
0x39: {  	_ = 	snop;
	(pc) =	sbr.ind lr, $3  }
0x3a: {  	_ = 	snop  }
0x3b: {  	_ = 	snop  }
0x3c: {  	p2 =	seq.s32 s10, $0x1;
	s10 =	sld [smem:$0x3FB7]  }
0x3d: {  	_ =	shalt  }
0x3e: {  	_ =	shalt  }
0x3f: {  	_ =	shalt  }
0x40: {  	_ =	shalt  }
0x41: {  	_ =	shalt  }
0x42: {  	_ =	shalt  }
0x43: {  	_ =	shalt  }
0x44: {  	_ =	shalt  }
0x45: {  	_ =	shalt  }
0x46: {  	_ =	shalt  }
0x47: {  	_ =	shalt  }
0x48: {  	_ =	shalt  }
0x49: {  	_ =	shalt  }
0x4a: {  	_ =	shalt  }
0x4b: {  	_ =	shalt  }
0x4c: {  	_ =	shalt  }
0x4d: {  	_ =	shalt  }
0x4e: {  	_ =	shalt  }
0x4f: {  	_ =	shalt  }
0x50: {  	_ =	shalt  }
0x51: {  	_ =	shalt  }
0x52: {  	_ =	shalt  }
0x53: {  	_ =	shalt  }
0x54: {  	_ =	shalt  }
0x55: {  	_ =	shalt  }
0x56: {  	_ =	shalt  }
0x57: {  	_ =	shalt  }
0x58: {  	_ =	shalt  }
0x59: {  	_ =	shalt  }
0x5a: {  	_ =	shalt  }
0x5b: {  	_ =	shalt  }
0x5c: {  	_ =	shalt  }
0x5d: {  	_ =	shalt  }
0x5e: {  	_ =	shalt  }
0x5f: {  	_ =	shalt  }
0x60: {  	_ =	shalt  }
0x61: {  	_ =	shalt  }
0x62: {  	_ =	shalt  }
0x63: {  	_ =	shalt  }
0x64: {  	_ =	shalt  }
0x65: {  	_ =	shalt  }
0x66: {  	_ =	shalt  }
0x67: {  	_ =	shalt  }
0x68: {  	_ =	shalt  }
0x69: {  	_ =	shalt  }
0x6a: {  	_ =	shalt  }
0x6b: {  	_ =	shalt  }
0x6c: {  	_ =	shalt  }
0x6d: {  	_ =	shalt  }
0x6e: {  	_ =	shalt  }
0x6f: {  	_ =	shalt  }
0x70: {  	_ =	shalt  }
0x71: {  	_ =	shalt  }
0x72: {  	_ =	shalt  }
0x73: {  	_ =	shalt  }
0x74: {  	_ =	shalt  }
0x75: {  	_ =	shalt  }
0x76: {  	_ =	shalt  }
0x77: {  	_ =	shalt  }
0x78: {  	_ =	shalt  }
0x79: {  	_ =	shalt  }
0x7a: {  	_ =	shalt  }
0x7b: {  	_ =	shalt  }
0x7c: {  	_ =	shalt  }
0x7d: {  	_ =	shalt  }
0x7e: {  	_ =	shalt  }
0x7f: {  	_ =	shalt  }
0x80: {  	_ =	shalt  }
0x81: {  	_ =	shalt  }
0x82: {  	_ =	shalt  }
0x83: {  	_ =	shalt  }
0x84: {  	_ =	shalt  }
0x85: {  	_ =	shalt  }
0x86: {  	_ =	shalt  }
0x87: {  	_ =	shalt  }
.Lfunc_end0:
.L_simem_size_0:
called_computation_lowered:
.L_overlay_start_0:
0x88: {  	s2 =	sld [smem:$0x3FD9]  }
0x89: {  	s3 =	sld [smem:$0x3FFE];
	_ =	sdelay $0x1  }
0x8a: {  	s1 =	srdreg.scid  }
0x8b: {  	s0 =	sand.u32 $0x1, s1  }
0x8c: {  	s14 =	sshll.u32 s0, $0xA;
	s2 =	sadd.s32 s3, s2  }
0x8d: {  	s2 =	sadd.s32 s2, s14  }
0x8e: {  	[smem:$0x3FC3] =	sst s2  }
0x8f: {  	_ = 	snop  }
0x90: {  	s2 =	sld [smem:$0x3FD0];
	_ =	sdelay $0x1  }
0x91: {  	s15 =	sld [smem:$0x3FC9]  }
0x92: {  	s5 =	simm.s32 $0xA;
	s6 =	simm.s32 $0x10;
	s4 =	sld [smem:$0x3FC8]  }
0x93: {  	[smem:s6], [sflag:s5] =	dma.local [hbm:s2], $0x1  }
0x94: {  	_ =	swait.eq [sflag:s5], $0x1  }
0x95: {  	s16 =	sld [smem:$0x10]  }
0x96: {  	s17 =	sld [smem:$0x11]  }
0x97: {  	s7 =	sld [smem:$0x12];
	[sflag:s5] =	ssyncset.done $0x0  }
0x98: {  	s8 =	sld [smem:$0x13];
	[sflag:s5] =	ssyncadd.s32 $0xFFFFFFFF  }
0x99: {  	s18 =	sld [smem:$0x15];
	(tm) =	ssettm $0x1  }
0x9a: {  	s9 =	sld [smem:$0x3FFB];
	_ =	sdelay $0x3  }
0x9b: {  	_ =	strace s9  }
0x9c: {  	s9 =	sld [smem:$0x3FFC];
	_ =	sdelay $0x3  }
0x9d: {  	_ =	strace s9  }
0x9e: {  	s9 =	sld [smem:$0x3FFD];
	_ =	sdelay $0x3  }
0x9f: {  	_ =	strace s9  }
0xa0: {  	_ =	strace $0x8FFFFFFF  }
0xa1: {  	s19 =	sld [smem:$0x3FDB];
	_ =	sdelay $0x1  }
0xa2: {  	s10 =	simm.s32 $_scs_section_size  }
0xa3: {  	s11 =	simm.s32 $_size__tile_overlayer_lowered;
	s12 =	simm.s32 $_tile_overlayer_lowered  }
0xa4: {  	s22 =	simm.s32 $0x1BFF;
	s21 =	sshll.u32 s12, $0x1;
	s9 =	sadd.s32 s10, s19  }
0xa5: {  	s13 =	simm.s32 $0x0;
	s20 =	sshll.u32 s11, $0x1;
	s11 =	sadd.s32 s21, s9  }
0xa6: {  	[timem:s13], [sflag:s22] =	dma.local [hbm:s11], s20  }
0xa7: {  	_ =	swait.ge [sflag:s22], s20  }
0xa8: {  	s10 =	ssub.s32 $0x0, s20;
	[sflag:s22] =	ssyncset.done $0x0  }
0xa9: {  	[sflag:s22] =	ssyncadd.s32 s10;
	_ =	sdelay $0x1  }
0xaa: {  	s23 =	simm.s32 $0x1B8B  }
0xab: {  	_ =	swait.ge [sflag:s23], $0x1  }
0xac: {  	[sflag:s23] =	ssyncset.done $0x0  }
0xad: {  	s25 =	simm.s32 $0x1B8E;
	s24 =	sld [smem:$0x3FFE];
	[sflag:s23] =	ssyncadd.s32 $0xFFFFFFFF  }
0xae: {  	s26 =	simm.s32 $execute0_lowered;
	[smem:$0x3FD2] =	sst s25  }
0xaf: {  	s11 =	sshll.u32 s26, $0x1;
	_ =	strace $0x80000046;
	[dreg:$0x1] =	wrdreg $0xFFFFFFFF  }
0xb0: {  	s28 =	simm.s32 $_size_execute0_lowered;
	s9 =	sadd.s32 s9, s11;
	[dreg:$0x0] =	wrdreg $0x0  }
0xb1: {  	s11 =	sshll.u32 s28, $0x1;
	[dreg:$0x2] =	wrdreg s9  }
0xb2: {  	[dreg:$0x3] =	wrdreg s11  }
0xb3: {  	[dreg:$0x4] =	wrdreg $0xC0  }
0xb4: {  	_ =	task [dreg:s13], $0x5FFFF  }
0xb5: {  	[dreg:$0x1] =	wrdreg $0xFFFFFFFF  }
0xb6: {  	[dreg:$0x0] =	wrdreg $0x60  }
0xb7: {  	[dreg:$0x2] =	wrdreg s15  }
0xb8: {  	[dreg:$0x3] =	wrdreg s4  }
0xb9: {  	[dreg:$0x4] =	wrdreg s24  }
0xba: {  	[dreg:$0x5] =	wrdreg s16  }
0xbb: {  	[dreg:$0x6] =	wrdreg s17  }
0xbc: {  	[dreg:$0x7] =	wrdreg s7  }
0xbd: {  	[dreg:$0x8] =	wrdreg s8  }
0xbe: {  	[dreg:$0x9] =	wrdreg s18  }
0xbf: {  	[dreg:$0xa] =	wrdreg $0x9  }
0xc0: {  	_ =	task.clear_ibuf [dreg:s13], $0xBFFFF;
	_ =	strace $0x90000046  }
0xc1: {  	s29 =	simm.s32 $0x9;
	_ =	strace $0x80000048  }
0xc2: {  	_ =	swait.ge [sflag:s29], $0x1  }
0xc3: {  	[sflag:s29] =	ssyncadd.s32 $0xFFFFFFFF  }
0xc4: {  	_ =	strace $0x90000048  }
0xc5: {  	_ =	sfence  }
0xc6: {  	s30 =	sld [smem:$0x0];
	_ =	sdelay $0x2  }
0xc7: {  	s31 =	sshll.u32 s1, $0xD;
	s1 =	sshrl.u32 s1, $0x2  }
0xc8: {  	s3 =	sand.u32 $0x4000, s31;
	s1 =	sadd.s32 s1, s30  }
0xc9: {  	s0 =	sor.u32 s3, s0;
	s1 =	sshll.u32 s1, $0x11  }
0xca: {  	s0 =	sor.u32 s1, s0  }
0xcb: {  	s0 =	sadd.s32 $0x8F2B, s0  }
0xcc: {  	[sflag:s0] =	ssyncadd.remote.s32 $0x1  }
0xcd: {  	_ =	sfence.sel $0xFFFF  }
0xce: {  	[dreg:$0x0] =	wrdreg $0xFFFFFFFF;
	(pc) =	sbr.abs _section_cstart, $3  }
0xcf: {  	[dreg:$0x1] =	wrdreg $0xFFFFFFFF  }
0xd0: {  	_ =	task.clear_ibuf [dreg:s13], $0x2FFFF;
	_ =	strace $0x9FFFFFFF  }
0xd1: {  	(tm) =	ssettm $0x7FFFFFFF  }
tec
execute0_lowered:
.L_overlay_start_1:
0x0: {  	(tag) =	ssettag $0x1  }
0x1: {  	s0 =	rddreg [dreg:$0x0]  }
0x2: {  	s1 =	rddreg [dreg:$0x1]  }
0x3: {  	s4 =	rddreg [dreg:$0x2]  }
0x4: {  	s5 =	rddreg [dreg:$0x3]  }
0x5: {  	s6 =	rddreg [dreg:$0x4]  }
0x6: {  	s8 =	rddreg [dreg:$0x5]  }
0x7: {  	s9 =	rddreg [dreg:$0x6];
	s2 =	srdreg.scid  }
0x8: {  	s7 =	stileid.u32;
	s10 =	rddreg [dreg:$0x7];
	s21 =	simm.s32 $0x400  }
0x9: {  	s22 =	simm.s32 $0x1;
	s23 =	simm.s32 $0x80;
	s31 =	simm.s32 $0x8C00  }
0xa: {  	s29 =	simm.s32 $0x18C00;
	s3 =	sand.u32 $0x1, s2;
	s7 =	sshll.u32 s7, $0x1  }
0xb: {  	s30 =	simm.s32 $0x0;
	s2 =	simm.s32 $0x0;
	s7 =	sor.u32 s3, s7  }
0xc: {  	[smem:$0x7FF] =	sst s2;
	s12 =	ssub.s32 $0x2, s3;
	s3 =	sadd.s32 $0x1313800, s4  }
0xd: {  	s11 =	sshll.u32 s7, $0x8;
	_ =	strace $0x80000047;
	s13 =	sshrl.u32 s12, $0x1  }
0xe: {  	s15 =	sshll.u32 s7, $0x6;
	s11 =	sadd.s32 s11, s4;
	s4 =	sadd.s32 $0xF42E00, s4  }
0xf: {  	s19 =	ssub.s32 s12, s13;
	s0 =	sadd.s32 s0, s15;
	s24 =	sadd.s32 s1, s15  }
0x10: {  	s8 =	sadd.s32 s8, s15;
	s9 =	sadd.s32 s9, s15;
	s10 =	sadd.s32 s10, s15  }
0x11: {  	s25 =	sor.u32 $0x800, s15;
	s12 =	sadd.s32 s6, s15;
	[dreg:$0x9] =	wrdreg s0  }
0x12: {  	s26 =	sor.u32 $0x1000, s15;
	s28 =	sor.u32 $0x1800, s15;
	[dreg:$0xa] =	wrdreg s24  }
0x13: {  	s7 =	sadd.s32 $0xA00, s11;
	s11 =	sadd.s32 s5, s15;
	s13 =	sadd.s32 s5, s25  }
0x14: {  	s14 =	sadd.s32 s6, s25;
	s15 =	sadd.s32 s5, s26;
	s16 =	sadd.s32 s6, s26  }
0x15: {  	s17 =	sadd.s32 s5, s28;
	s18 =	sadd.s32 s6, s28;
	s19 =	smax.u32 s19, $0x1  }
0x16: {  	v0 =	vlaneseq.u32;
	s24 =	simm.s32 $0xC00;
	s25 =	simm.s32 $0x4C00;
	s0 =	simm.s32 $0x2  }
.LBB2_1:
0x17: {  	s1 =	rddreg [dreg:$0x9]  }
0x18: {  	[tilespmem:s2], [sflag:$0x1] =	stream.linear.gather [hbm4b:s1+s2], $0x200, $0x38;
	[tilespmem:$0x19C00] =	vst v63  }
0x19: {  	s20 =	rddreg [dreg:$0xa];
	s5 =	simm.s32 $0x200  }
0x1a: {  	[tilespmem:s5], [sflag:$0x1] =	stream.linear.gather [hbm4b:s20+s2], $0x200, $0x38;
	[tilespmem:$0x19C00] =	vst v63  }
0x1b: {  	_ = 	snop  }
0x1c: {  	[tilespmem:s21], [sflag:$0x1] =	stream.linear.gather [hbm4b:s7+s2], $0x800, $0x38;
	[tilespmem:$0x19C00] =	vst v63  }
0x1d: {  	_ =	swait.ge [sflag:s22], $0x200  }
0x1e: {  	[sflag:s22] =	ssyncset.done $0x0  }
0x1f: {  	[sflag:s22] =	ssyncadd.s32 $0xFFFFFE00  }
0x20: {  	_ =	swait.ge [sflag:s22], $0x200  }
0x21: {  	[sflag:s22] =	ssyncset.done $0x0  }
0x22: {  	[sflag:s22] =	ssyncadd.s32 $0xFFFFFE00  }
0x23: {  	_ =	swait.ge [sflag:s22], $0x800  }
0x24: {  	[sflag:s22] =	ssyncset.done $0x0  }
0x25: {  	[sflag:s22] =	ssyncadd.s32 $0xFFFFF800  }
0x26: {  	[tilespmem:s24], [sflag:$0x1] =	stream.indirect.gather [hbm4b:s3+s23], $0x20, s2, s23, $0xb8;
	[tilespmem:$0x19C00] =	vst v63  }
0x27: {  	_ = 	snop  }
0x28: {  	[tilespmem:s25], [sflag:$0x1] =	stream.indirect.gather [hbm4b:s4+s23], $0x20, s5, s23, $0xb8;
	[tilespmem:$0x19C00] =	vst v63  }
0x29: {  	s26 =	simm.s32 $0x1C00  }
0x2a: {  	[tilespmem:s26], [sflag:$0x1] =	stream.indirect.gather [hbm4b:s3+s23], $0x20, s23, s23, $0xb8;
	[tilespmem:$0x19C00] =	vst v63  }
0x2b: {  	s6 =	simm.s32 $0x5C00;
	s5 =	simm.s32 $0x280  }
0x2c: {  	[tilespmem:s6], [sflag:$0x1] =	stream.indirect.gather [hbm4b:s4+s23], $0x20, s5, s23, $0xb8;
	[tilespmem:$0x19C00] =	vst v63  }
0x2d: {  	s20 =	simm.s32 $0x100;
	s26 =	simm.s32 $0x2C00  }
0x2e: {  	[tilespmem:s26], [sflag:$0x1] =	stream.indirect.gather [hbm4b:s3+s23], $0x20, s20, s23, $0xb8;
	[tilespmem:$0x19C00] =	vst v63  }
0x2f: {  	s5 =	simm.s32 $0x300;
	s6 =	simm.s32 $0x6C00  }
0x30: {  	[tilespmem:s6], [sflag:$0x1] =	stream.indirect.gather [hbm4b:s4+s23], $0x20, s5, s23, $0xb8;
	[tilespmem:$0x19C00] =	vst v63  }
0x31: {  	s20 =	simm.s32 $0x180;
	s26 =	simm.s32 $0x3C00  }
0x32: {  	[tilespmem:s26], [sflag:$0x1] =	stream.indirect.gather [hbm4b:s3+s23], $0x20, s20, s23, $0xb8;
	[tilespmem:$0x19C00] =	vst v63  }
0x33: {  	s5 =	simm.s32 $0x380;
	s6 =	simm.s32 $0x7C00  }
0x34: {  	[tilespmem:s6], [sflag:$0x1] =	stream.indirect.gather [hbm4b:s4+s23], $0x20, s5, s23, $0xb8;
	[tilespmem:$0x19C00] =	vst v63  }
0x35: {  	_ = 	snop  }
0x36: {  	[tilespmem:s31], [sflag:$0x1] =	stream.indirect.gather [hbm4b:s4+s23], $0x20, s21, s23, $0xb8;
	[tilespmem:$0x19C00] =	vst v63  }
0x37: {  	s20 =	simm.s32 $0x480;
	s26 =	simm.s32 $0x9C00  }
0x38: {  	[tilespmem:s26], [sflag:$0x1] =	stream.indirect.gather [hbm4b:s4+s23], $0x20, s20, s23, $0xb8;
	[tilespmem:$0x19C00] =	vst v63  }
0x39: {  	s5 =	simm.s32 $0x500;
	s6 =	simm.s32 $0xAC00  }
0x3a: {  	[tilespmem:s6], [sflag:$0x1] =	stream.indirect.gather [hbm4b:s4+s23], $0x20, s5, s23, $0xb8;
	[tilespmem:$0x19C00] =	vst v63  }
0x3b: {  	s20 =	simm.s32 $0x580;
	s26 =	simm.s32 $0xBC00  }
0x3c: {  	[tilespmem:s26], [sflag:$0x1] =	stream.indirect.gather [hbm4b:s4+s23], $0x20, s20, s23, $0xb8;
	[tilespmem:$0x19C00] =	vst v63  }
0x3d: {  	s5 =	simm.s32 $0x600;
	s6 =	simm.s32 $0xCC00  }
0x3e: {  	[tilespmem:s6], [sflag:$0x1] =	stream.indirect.gather [hbm4b:s4+s23], $0x20, s5, s23, $0xb8;
	[tilespmem:$0x19C00] =	vst v63  }
0x3f: {  	s20 =	simm.s32 $0x680;
	s26 =	simm.s32 $0xDC00  }
0x40: {  	[tilespmem:s26], [sflag:$0x1] =	stream.indirect.gather [hbm4b:s4+s23], $0x20, s20, s23, $0xb8;
	[tilespmem:$0x19C00] =	vst v63  }
0x41: {  	s5 =	simm.s32 $0x700;
	s6 =	simm.s32 $0xEC00  }
0x42: {  	[tilespmem:s6], [sflag:$0x1] =	stream.indirect.gather [hbm4b:s4+s23], $0x20, s5, s23, $0xb8;
	[tilespmem:$0x19C00] =	vst v63  }
0x43: {  	s20 =	simm.s32 $0x780;
	s26 =	simm.s32 $0xFC00  }
0x44: {  	[tilespmem:s26], [sflag:$0x1] =	stream.indirect.gather [hbm4b:s4+s23], $0x20, s20, s23, $0xb8;
	[tilespmem:$0x19C00] =	vst v63  }
0x45: {  	s5 =	simm.s32 $0x800;
	s6 =	simm.s32 $0x10C00  }
0x46: {  	[tilespmem:s6], [sflag:$0x1] =	stream.indirect.gather [hbm4b:s4+s23], $0x20, s5, s23, $0xb8;
	[tilespmem:$0x19C00] =	vst v63  }
0x47: {  	s20 =	simm.s32 $0x880;
	s26 =	simm.s32 $0x11C00  }
0x48: {  	[tilespmem:s26], [sflag:$0x1] =	stream.indirect.gather [hbm4b:s4+s23], $0x20, s20, s23, $0xb8;
	[tilespmem:$0x19C00] =	vst v63  }
0x49: {  	s5 =	simm.s32 $0x900;
	s6 =	simm.s32 $0x12C00  }
0x4a: {  	[tilespmem:s6], [sflag:$0x1] =	stream.indirect.gather [hbm4b:s4+s23], $0x20, s5, s23, $0xb8;
	[tilespmem:$0x19C00] =	vst v63  }
0x4b: {  	s20 =	simm.s32 $0x980;
	s26 =	simm.s32 $0x13C00  }
0x4c: {  	[tilespmem:s26], [sflag:$0x1] =	stream.indirect.gather [hbm4b:s4+s23], $0x20, s20, s23, $0xb8;
	[tilespmem:$0x19C00] =	vst v63  }
0x4d: {  	s5 =	simm.s32 $0xA00;
	s6 =	simm.s32 $0x14C00  }
0x4e: {  	[tilespmem:s6], [sflag:$0x1] =	stream.indirect.gather [hbm4b:s4+s23], $0x20, s5, s23, $0xb8;
	[tilespmem:$0x19C00] =	vst v63  }
0x4f: {  	s20 =	simm.s32 $0xA80;
	s26 =	simm.s32 $0x15C00  }
0x50: {  	[tilespmem:s26], [sflag:$0x1] =	stream.indirect.gather [hbm4b:s4+s23], $0x20, s20, s23, $0xb8;
	[tilespmem:$0x19C00] =	vst v63  }
0x51: {  	s5 =	simm.s32 $0xB00;
	s6 =	simm.s32 $0x16C00  }
0x52: {  	[tilespmem:s6], [sflag:$0x1] =	stream.indirect.gather [hbm4b:s4+s23], $0x20, s5, s23, $0xb8;
	[tilespmem:$0x19C00] =	vst v63  }
0x53: {  	s20 =	simm.s32 $0xB80;
	s26 =	simm.s32 $0x17C00  }
0x54: {  	[tilespmem:s26], [sflag:$0x1] =	stream.indirect.gather [hbm4b:s4+s23], $0x20, s20, s23, $0xb8;
	[tilespmem:$0x19C00] =	vst v63  }
0x55: {  	_ =	swait.ge [sflag:s22], $0x1000  }
0x56: {  	[sflag:s22] =	ssyncset.done $0x0  }
0x57: {  	[sflag:s22] =	ssyncadd.s32 $0xFFFFF000  }
0x58: {  	_ =	swait.ge [sflag:s22], $0x1000  }
0x59: {  	[sflag:s22] =	ssyncset.done $0x0  }
0x5a: {  	[sflag:s22] =	ssyncadd.s32 $0xFFFFF000  }
0x5b: {  	_ =	swait.ge [sflag:s22], $0x1000  }
0x5c: {  	[sflag:s22] =	ssyncset.done $0x0  }
0x5d: {  	[sflag:s22] =	ssyncadd.s32 $0xFFFFF000  }
0x5e: {  	_ =	swait.ge [sflag:s22], $0x1000  }
0x5f: {  	[sflag:s22] =	ssyncset.done $0x0  }
0x60: {  	[sflag:s22] =	ssyncadd.s32 $0xFFFFF000  }
0x61: {  	_ =	swait.ge [sflag:s22], $0x1000  }
0x62: {  	[sflag:s22] =	ssyncset.done $0x0  }
0x63: {  	[sflag:s22] =	ssyncadd.s32 $0xFFFFF000  }
0x64: {  	_ =	swait.ge [sflag:s22], $0x1000  }
0x65: {  	[sflag:s22] =	ssyncset.done $0x0  }
0x66: {  	[sflag:s22] =	ssyncadd.s32 $0xFFFFF000  }
0x67: {  	_ =	swait.ge [sflag:s22], $0x1000  }
0x68: {  	[sflag:s22] =	ssyncset.done $0x0  }
0x69: {  	[sflag:s22] =	ssyncadd.s32 $0xFFFFF000  }
0x6a: {  	_ =	swait.ge [sflag:s22], $0x1000  }
0x6b: {  	[sflag:s22] =	ssyncset.done $0x0  }
0x6c: {  	[sflag:s22] =	ssyncadd.s32 $0xFFFFF000  }
0x6d: {  	_ =	swait.ge [sflag:s22], $0x1000  }
0x6e: {  	[sflag:s22] =	ssyncset.done $0x0  }
0x6f: {  	[sflag:s22] =	ssyncadd.s32 $0xFFFFF000  }
0x70: {  	_ =	swait.ge [sflag:s22], $0x1000  }
0x71: {  	[sflag:s22] =	ssyncset.done $0x0  }
0x72: {  	[sflag:s22] =	ssyncadd.s32 $0xFFFFF000  }
0x73: {  	_ =	swait.ge [sflag:s22], $0x1000  }
0x74: {  	[sflag:s22] =	ssyncset.done $0x0  }
0x75: {  	[sflag:s22] =	ssyncadd.s32 $0xFFFFF000  }
0x76: {  	_ =	swait.ge [sflag:s22], $0x1000  }
0x77: {  	[sflag:s22] =	ssyncset.done $0x0  }
0x78: {  	[sflag:s22] =	ssyncadd.s32 $0xFFFFF000  }
0x79: {  	_ =	swait.ge [sflag:s22], $0x1000  }
0x7a: {  	[sflag:s22] =	ssyncset.done $0x0  }
0x7b: {  	[sflag:s22] =	ssyncadd.s32 $0xFFFFF000  }
0x7c: {  	_ =	swait.ge [sflag:s22], $0x1000  }
0x7d: {  	[sflag:s22] =	ssyncset.done $0x0  }
0x7e: {  	[sflag:s22] =	ssyncadd.s32 $0xFFFFF000  }
0x7f: {  	_ =	swait.ge [sflag:s22], $0x1000  }
0x80: {  	[sflag:s22] =	ssyncset.done $0x0  }
0x81: {  	[sflag:s22] =	ssyncadd.s32 $0xFFFFF000  }
0x82: {  	_ =	swait.ge [sflag:s22], $0x1000  }
0x83: {  	[sflag:s22] =	ssyncset.done $0x0  }
0x84: {  	[sflag:s22] =	ssyncadd.s32 $0xFFFFF000  }
0x85: {  	_ =	swait.ge [sflag:s22], $0x1000  }
0x86: {  	[sflag:s22] =	ssyncset.done $0x0  }
0x87: {  	[sflag:s22] =	ssyncadd.s32 $0xFFFFF000  }
0x88: {  	_ =	swait.ge [sflag:s22], $0x1000  }
0x89: {  	[sflag:s22] =	ssyncset.done $0x0  }
0x8a: {  	[sflag:s22] =	ssyncadd.s32 $0xFFFFF000  }
0x8b: {  	_ =	swait.ge [sflag:s22], $0x1000  }
0x8c: {  	[sflag:s22] =	ssyncset.done $0x0  }
0x8d: {  	[sflag:s22] =	ssyncadd.s32 $0xFFFFF000  }
0x8e: {  	_ =	swait.ge [sflag:s22], $0x1000  }
0x8f: {  	[sflag:s22] =	ssyncset.done $0x0  }
0x90: {  	[sflag:s22] =	ssyncadd.s32 $0xFFFFF000  }
0x91: {  	_ =	swait.ge [sflag:s22], $0x1000  }
0x92: {  	[sflag:s22] =	ssyncset.done $0x0  }
0x93: {  	[sflag:s22] =	ssyncadd.s32 $0xFFFFF000  }
0x94: {  	_ =	swait.ge [sflag:s22], $0x1000  }
0x95: {  	[sflag:s22] =	ssyncset.done $0x0  }
0x96: {  	[sflag:s22] =	ssyncadd.s32 $0xFFFFF000  }
0x97: {  	_ =	swait.ge [sflag:s22], $0x1000  }
0x98: {  	[sflag:s22] =	ssyncset.done $0x0  }
0x99: {  	[sflag:s22] =	ssyncadd.s32 $0xFFFFF000  }
0x9a: {  	s28 =	simm.s32 $0x19000;
	s1 =	simm.s32 $0x19800;
	_ =	swait.ge [sflag:s22], $0x1000  }
0x9b: {  	s5 =	simm.s32 $0x18E00;
	s6 =	simm.s32 $0x0;
	[sflag:s22] =	ssyncset.done $0x0  }
0x9c: {  	s26 =	simm.s32 $0x19200;
	s20 =	simm.s32 $0x18C00;
	[sflag:s22] =	ssyncadd.s32 $0xFFFFF000  }
.LBB2_2:
0x9d: {  	v1 =	vor.u32 s6, v0  }
0x9e: {  	v2 =	vshll.u32 v1, $0x5;
	_ =	sdelay $0x1  }
0x9f: {  	v1 =	vshll.u32 v1, $0x7  }
0xa0: {  	v3 =	vor.u32 $0x20, v1  }
0xa1: {  	v4 =	vor.u32 $0x40, v1  }
0xa2: {  	v6 =	vor.u32 $0x60, v1;
	v5 =	vld.idx.msk [tilespmem:v2+s24+$0x0], $0xffff  }
0xa3: {  	v8 =	vor.u32 $0x1, v2;
	v7 =	vld.idx.msk [tilespmem:v2+s25+$0x0], $0xffff  }
0xa4: {  	v9 =	vld.idx.msk [tilespmem:v1+s31+$0x0], $0xffff  }
0xa5: {  	v10 =	vor.u32 $0x1, v1;
	v3 =	vld.idx.msk [tilespmem:v3+s31+$0x0], $0xffff  }
0xa6: {  	v11 =	vor.u32 $0x21, v1;
	v4 =	vld.idx.msk [tilespmem:v4+s31+$0x0], $0xffff  }
0xa7: {  	v13 =	vor.u32 $0x41, v1;
	v6 =	vld.idx.msk [tilespmem:v6+s31+$0x0], $0xffff  }
0xa8: {  	v16 =	vor.u32 $0x61, v1;
	v12 =	vld.idx.msk [tilespmem:v8+s24+$0x0], $0xffff  }
0xa9: {  	v17 =	vor.u32 $0x2, v2;
	v8 =	vld.idx.msk [tilespmem:v8+s25+$0x0], $0xffff  }
0xaa: {  	v10 =	vld.idx.msk [tilespmem:v10+s31+$0x0], $0xffff  }
0xab: {  	v18 =	vor.u32 $0x2, v1;
	v11 =	vld.idx.msk [tilespmem:v11+s31+$0x0], $0xffff  }
0xac: {  	v19 =	vor.u32 $0x22, v1;
	v13 =	vld.idx.msk [tilespmem:v13+s31+$0x0], $0xffff  }
0xad: {  	v21 =	vor.u32 $0x42, v1;
	v24 =	vor.u32 $0x62, v1;
	v50 =	vor.u32 $0x3, v2;
	v16 =	vld.idx.msk [tilespmem:v16+s31+$0x0], $0xffff  }
0xae: {  	v56 =	vor.u32 $0x3, v1;
	v58 =	vor.u32 $0x23, v1;
	v60 =	vor.u32 $0x43, v1;
	v23 =	vld.idx.msk [tilespmem:v17+s24+$0x0], $0xffff  }
0xaf: {  	v63 =	vor.u32 $0x63, v1;
	v25 =	vor.u32 $0x4, v2;
	v29 =	vor.u32 $0x4, v1;
	v17 =	vld.idx.msk [tilespmem:v17+s25+$0x0], $0xffff  }
0xb0: {  	v31 =	vor.u32 $0x24, v1;
	v51 =	vld.idx.msk [tilespmem:v18+s31+$0x0], $0xffff;
	v14 =	vmul.f32 v7, v5;
	v15 =	vmul.f32 v5, v5  }
0xb1: {  	v34 =	vor.u32 $0x44, v1;
	v54 =	vld.idx.msk [tilespmem:v19+s31+$0x0], $0xffff;
	v7 =	vmul.f32 v7, v7;
	v9 =	vmul.f32 v9, v5  }
0xb2: {  	v35 =	vor.u32 $0x64, v1;
	v57 =	vld.idx.msk [tilespmem:v24+s31+$0x0], $0xffff;
	v3 =	vmul.f32 v3, v5;
	v4 =	vmul.f32 v4, v5  }
0xb3: {  	v36 =	vor.u32 $0x5, v2;
	v59 =	vld.idx.msk [tilespmem:v50+s24+$0x0], $0xffff;
	v5 =	vmul.f32 v6, v5;
	v20 =	vmul.f32 v8, v12  }
0xb4: {  	v41 =	vor.u32 $0x5, v1;
	v19 =	vld.idx.msk [tilespmem:v56+s31+$0x0], $0xffff;
	v22 =	vmul.f32 v12, v12;
	v8 =	vmul.f32 v8, v8  }
0xb5: {  	v43 =	vor.u32 $0x25, v1;
	v28 =	vld.idx.msk [tilespmem:v63+s31+$0x0], $0xffff;
	v10 =	vmul.f32 v10, v12;
	v6 =	vmul.f32 v6, v6  }
0xb6: {  	v45 =	vor.u32 $0x45, v1;
	v30 =	vld.idx.msk [tilespmem:v25+s24+$0x0], $0xffff;
	v52 =	vmul.f32 v11, v12;
	v53 =	vmul.f32 v13, v12  }
0xb7: {  	v47 =	vor.u32 $0x65, v1;
	v33 =	vld.idx.msk [tilespmem:v25+s25+$0x0], $0xffff;
	v12 =	vmul.f32 v16, v12;
	v16 =	vmul.f32 v16, v16  }
0xb8: {  	v48 =	vor.u32 $0x6, v2;
	v55 =	vld.idx.msk [tilespmem:v21+s31+$0x0], $0xffff;
	v61 =	vmul.f32 v17, v23;
	v62 =	vmul.f32 v23, v23  }
0xb9: {  	v18 =	vld.idx.msk [tilespmem:v29+s31+$0x0], $0xffff;
	v56 =	vor.u32 $0x46, v1;
	v17 =	vmul.f32 v17, v17;
	v13 =	vmul.f32 v54, v23  }
0xba: {  	v44 =	vld.idx.msk [tilespmem:v36+s24+$0x0], $0xffff;
	v29 =	vor.u32 $0x27, v1;
	v26 =	vmul.f32 v57, v23;
	v32 =	vmul.f32 v59, v59  }
0xbb: {  	v40 =	vld.idx.msk [tilespmem:v34+s31+$0x0], $0xffff;
	v34 =	vor.u32 $0x67, v1;
	v19 =	vmul.f32 v19, v59;
	v38 =	vmul.f32 v28, v28  }
0xbc: {  	v49 =	vld.idx.msk [tilespmem:v45+s31+$0x0], $0xffff;
	v45 =	vor.u32 $0x48, v1;
	v39 =	vmul.f32 v33, v30;
	v46 =	vmul.f32 v30, v30  }
0xbd: {  	v21 =	vmul.f32 v33, v33;
	v14 =	vadd.f32 $0.0e+00, v14;
	v9 =	vadd.f32 $0.0e+00, v9  }
0xbe: {  	v18 =	vmul.f32 v18, v30;
	v3 =	vadd.f32 $0.0e+00, v3;
	v4 =	vadd.f32 $0.0e+00, v4  }
0xbf: {  	v42 =	vld.idx.msk [tilespmem:v35+s31+$0x0], $0xffff;
	v54 =	vmul.f32 v44, v44;
	v5 =	vadd.f32 $0.0e+00, v5;
	v15 =	vadd.f32 v22, v15  }
0xc0: {  	v11 =	vld.idx.msk [tilespmem:v58+s31+$0x0], $0xffff;
	v58 =	vor.u32 $0x66, v1;
	v7 =	vadd.f32 v8, v7;
	v6 =	vadd.f32 v16, v6  }
0xc1: {  	v8 =	vmul.f32 v51, v23;
	v22 =	vmul.f32 v55, v23;
	v16 =	vld.idx.msk [tilespmem:v60+s31+$0x0], $0xffff;
	v14 =	vadd.f32 v20, v14  }
0xc2: {  	v55 =	vld.idx.msk [tilespmem:v48+s24+$0x0], $0xffff;
	v9 =	vadd.f32 v10, v9;
	v10 =	vmul.f32 v57, v57;
	v3 =	vadd.f32 v52, v3  }
0xc3: {  	v20 =	vld.idx.msk [tilespmem:v50+s25+$0x0], $0xffff;
	v50 =	vor.u32 $0x6, v1;
	v4 =	vadd.f32 v53, v4;
	v5 =	vadd.f32 v12, v5  }
0xc4: {  	v57 =	vld.idx.msk [tilespmem:v48+s25+$0x0], $0xffff;
	v48 =	vor.u32 $0x68, v1;
	v15 =	vadd.f32 v62, v15;
	v7 =	vadd.f32 v17, v7  }
0xc5: {  	v12 =	vmul.f32 v28, v59;
	v53 =	vor.u32 $0x26, v1;
	v14 =	vadd.f32 v61, v14  }
0xc6: {  	v8 =	vadd.f32 v8, v9;
	v6 =	vadd.f32 v10, v6;
	v11 =	vmul.f32 v11, v59  }
0xc7: {  	v24 =	vld.idx.msk [tilespmem:v56+s31+$0x0], $0xffff;
	v10 =	vmul.f32 v42, v30;
	v61 =	vor.u32 $0x7, v2;
	v3 =	vadd.f32 v13, v3  }
0xc8: {  	v4 =	vadd.f32 v22, v4;
	v5 =	vadd.f32 v26, v5;
	v13 =	vld.idx.msk [tilespmem:v31+s31+$0x0], $0xffff;
	v31 =	vor.u32 $0x47, v1  }
0xc9: {  	v52 =	vld.idx.msk [tilespmem:v47+s31+$0x0], $0xffff;
	v8 =	vadd.f32 v19, v8;
	v37 =	vmul.f32 v16, v59;
	v19 =	vmul.f32 v40, v30  }
0xca: {  	v6 =	vadd.f32 v38, v6;
	v28 =	vmul.f32 v55, v55;
	v27 =	vmul.f32 v20, v59  }
0xcb: {  	v20 =	vmul.f32 v20, v20;
	v3 =	vadd.f32 v11, v3;
	v5 =	vadd.f32 v12, v5  }
0xcc: {  	v12 =	vld.idx.msk [tilespmem:v43+s31+$0x0], $0xffff;
	v11 =	vmul.f32 v42, v42;
	v25 =	vmul.f32 v57, v55;
	v43 =	vor.u32 $0x28, v1  }
0xcd: {  	v17 =	vld.idx.msk [tilespmem:v50+s31+$0x0], $0xffff;
	v50 =	vor.u32 $0x9, v2;
	v4 =	vadd.f32 v37, v4;
	v8 =	vadd.f32 v18, v8  }
0xce: {  	v26 =	vld.idx.msk [tilespmem:v58+s31+$0x0], $0xffff;
	v62 =	vmul.f32 v52, v44;
	v37 =	vmul.f32 v24, v55;
	v9 =	vadd.f32 v27, v14  }
0xcf: {  	v24 =	vor.u32 $0xD, v2;
	v14 =	vadd.f32 v32, v15;
	v7 =	vadd.f32 v20, v7  }
0xd0: {  	v15 =	vld.idx.msk [tilespmem:v36+s25+$0x0], $0xffff;
	v5 =	vadd.f32 v10, v5;
	v6 =	vadd.f32 v11, v6;
	v27 =	vor.u32 $0x7, v1  }
0xd1: {  	v20 =	vld.idx.msk [tilespmem:v41+s31+$0x0], $0xffff;
	v11 =	vmul.f32 v57, v57;
	v36 =	vor.u32 $0x8, v2;
	v41 =	vor.u32 $0x8, v1  }
0xd2: {  	v63 =	vld.idx.msk [tilespmem:v53+s31+$0x0], $0xffff;
	v57 =	vor.u32 $0x29, v1;
	v13 =	vmul.f32 v13, v30;
	v4 =	vadd.f32 v19, v4  }
0xd3: {  	v40 =	vld.idx.msk [tilespmem:v29+s31+$0x0], $0xffff;
	v38 =	vmul.f32 v26, v55;
	v9 =	vadd.f32 v39, v9;
	v14 =	vadd.f32 v46, v14  }
0xd4: {  	v56 =	vld.idx.msk [tilespmem:v48+s31+$0x0], $0xffff;
	v7 =	vadd.f32 v21, v7;
	v21 =	vmul.f32 v52, v52;
	v5 =	vadd.f32 v62, v5  }
0xd5: {  	v33 =	vld.idx.msk [tilespmem:v61+s25+$0x0], $0xffff;
	v39 =	vmul.f32 v26, v26;
	v62 =	vor.u32 $0x69, v1;
	v12 =	vmul.f32 v12, v44  }
0xd6: {  	v30 =	vld.idx.msk [tilespmem:v61+s24+$0x0], $0xffff;
	v3 =	vadd.f32 v13, v3;
	v13 =	vmul.f32 v49, v44;
	v32 =	vmul.f32 v17, v55  }
0xd7: {  	v42 =	vld.idx.msk [tilespmem:v31+s31+$0x0], $0xffff;
	v10 =	vadd.f32 v54, v14;
	v6 =	vadd.f32 v21, v6;
	v35 =	vmul.f32 v63, v55  }
0xd8: {  	v5 =	vadd.f32 v38, v5;
	v54 =	vld.idx.msk [tilespmem:v45+s31+$0x0], $0xffff;
	v55 =	vor.u32 $0x9, v1;
	v63 =	vor.u32 $0xA, v2  }
0xd9: {  	v45 =	vor.u32 $0x2B, v1;
	v51 =	vmul.f32 v15, v44;
	v59 =	vmul.f32 v15, v15;
	v47 =	vld.idx.msk [tilespmem:v36+s24+$0x0], $0xffff  }
0xda: {  	v60 =	vmul.f32 v20, v44;
	v3 =	vadd.f32 v12, v3;
	v4 =	vadd.f32 v13, v4;
	v15 =	vld.idx.msk [tilespmem:v36+s25+$0x0], $0xffff  }
0xdb: {  	v17 =	vmul.f32 v33, v33;
	v13 =	vld.idx.msk [tilespmem:v43+s31+$0x0], $0xffff;
	v36 =	vor.u32 $0x6A, v1;
	v43 =	vor.u32 $0xB, v1  }
0xdc: {  	v58 =	vld.idx.msk [tilespmem:v50+s24+$0x0], $0xffff;
	v10 =	vadd.f32 v28, v10;
	v6 =	vadd.f32 v39, v6;
	v44 =	vmul.f32 v33, v30  }
0xdd: {  	v18 =	vld.idx.msk [tilespmem:v27+s31+$0x0], $0xffff;
	v46 =	vmul.f32 v30, v30;
	v52 =	vmul.f32 v40, v30;
	v9 =	vadd.f32 v51, v9  }
0xde: {  	v20 =	vld.idx.msk [tilespmem:v34+s31+$0x0], $0xffff;
	v12 =	vmul.f32 v42, v30;
	v7 =	vadd.f32 v59, v7;
	v8 =	vadd.f32 v60, v8  }
0xdf: {  	v3 =	vadd.f32 v35, v3;
	v4 =	vadd.f32 v37, v4;
	v59 =	vor.u32 $0x49, v1  }
0xe0: {  	v35 =	vor.u32 $0x4A, v1;
	v37 =	vor.u32 $0xB, v2;
	v10 =	vadd.f32 v46, v10  }
0xe1: {  	v33 =	vmul.f32 v58, v58;
	v9 =	vadd.f32 v25, v9;
	v7 =	vadd.f32 v11, v7  }
0xe2: {  	v8 =	vadd.f32 v32, v8;
	v11 =	vmul.f32 v56, v56;
	v49 =	vmul.f32 v18, v30  }
0xe3: {  	v51 =	vld.idx.msk [tilespmem:v41+s31+$0x0], $0xffff;
	v3 =	vadd.f32 v52, v3;
	v14 =	vmul.f32 v20, v30;
	v53 =	vmul.f32 v20, v20  }
0xe4: {  	v29 =	vld.idx.msk [tilespmem:v62+s31+$0x0], $0xffff;
	v4 =	vadd.f32 v12, v4;
	v60 =	vmul.f32 v15, v47;
	v61 =	vmul.f32 v47, v47  }
0xe5: {  	v12 =	vld.idx.msk [tilespmem:v57+s31+$0x0], $0xffff;
	v32 =	vor.u32 $0x2A, v1;
	v15 =	vmul.f32 v15, v15;
	v13 =	vmul.f32 v13, v47  }
0xe6: {  	v31 =	vld.idx.msk [tilespmem:v63+s24+$0x0], $0xffff;
	v26 =	vmul.f32 v54, v47;
	v27 =	vmul.f32 v56, v47;
	v30 =	vor.u32 $0xA, v1  }
0xe7: {  	v18 =	vld.idx.msk [tilespmem:v50+s25+$0x0], $0xffff;
	v50 =	vor.u32 $0xC, v2;
	v9 =	vadd.f32 v44, v9;
	v7 =	vadd.f32 v17, v7  }
0xe8: {  	v34 =	vld.idx.msk [tilespmem:v63+s25+$0x0], $0xffff;
	v56 =	vor.u32 $0x2C, v1;
	v8 =	vadd.f32 v49, v8;
	v5 =	vadd.f32 v14, v5  }
0xe9: {  	v44 =	vld.idx.msk [tilespmem:v36+s31+$0x0], $0xffff;
	v36 =	vor.u32 $0x4D, v1;
	v6 =	vadd.f32 v53, v6;
	v10 =	vadd.f32 v61, v10  }
0xea: {  	v20 =	vld.idx.msk [tilespmem:v55+s31+$0x0], $0xffff;
	v17 =	vmul.f32 v51, v47;
	v3 =	vadd.f32 v13, v3;
	v4 =	vadd.f32 v26, v4  }
0xeb: {  	v16 =	vld.idx.msk [tilespmem:v59+s31+$0x0], $0xffff;
	v14 =	vmul.f32 v29, v58;
	v40 =	vmul.f32 v29, v29;
	v47 =	vor.u32 $0x4B, v1  }
0xec: {  	v42 =	vld.idx.msk [tilespmem:v35+s31+$0x0], $0xffff;
	v49 =	vor.u32 $0x6B, v1;
	v53 =	vor.u32 $0xC, v1;
	v9 =	vadd.f32 v60, v9  }
0xed: {  	v46 =	vld.idx.msk [tilespmem:v37+s24+$0x0], $0xffff;
	v59 =	vor.u32 $0x4C, v1;
	v7 =	vadd.f32 v15, v7;
	v8 =	vadd.f32 v17, v8  }
0xee: {  	v51 =	vld.idx.msk [tilespmem:v45+s31+$0x0], $0xffff;
	v61 =	vor.u32 $0x6C, v1;
	v5 =	vadd.f32 v27, v5;
	v6 =	vadd.f32 v11, v6  }
0xef: {  	v35 =	vld.idx.msk [tilespmem:v24+s24+$0x0], $0xffff;
	v10 =	vadd.f32 v33, v10;
	v12 =	vmul.f32 v12, v58;
	v41 =	vmul.f32 v34, v31  }
0xf0: {  	v15 =	vld.idx.msk [tilespmem:v37+s25+$0x0], $0xffff;
	v48 =	vmul.f32 v31, v31;
	v21 =	vmul.f32 v34, v34;
	v33 =	vor.u32 $0x2D, v1  }
0xf1: {  	v13 =	vld.idx.msk [tilespmem:v32+s31+$0x0], $0xffff;
	v28 =	vmul.f32 v18, v58;
	v18 =	vmul.f32 v18, v18;
	v3 =	vadd.f32 v12, v3  }
0xf2: {  	v20 =	vmul.f32 v20, v58;
	v38 =	vld.idx.msk [tilespmem:v30+s31+$0x0], $0xffff;
	v5 =	vadd.f32 v14, v5;
	v6 =	vadd.f32 v40, v6  }
0xf3: {  	v60 =	vld.idx.msk [tilespmem:v50+s25+$0x0], $0xffff;
	v10 =	vadd.f32 v48, v10;
	v11 =	vmul.f32 v44, v31;
	v12 =	vmul.f32 v44, v44  }
0xf4: {  	v26 =	vld.idx.msk [tilespmem:v56+s31+$0x0], $0xffff;
	v48 =	vor.u32 $0x2E, v1;
	v9 =	vadd.f32 v28, v9;
	v7 =	vadd.f32 v18, v7  }
0xf5: {  	v8 =	vadd.f32 v20, v8;
	v39 =	vmul.f32 v16, v58;
	v19 =	vmul.f32 v42, v31;
	v58 =	vld.idx.msk [tilespmem:v50+s24+$0x0], $0xffff  }
0xf6: {  	v57 =	vmul.f32 v46, v46;
	v17 =	vld.idx.msk [tilespmem:v53+s31+$0x0], $0xffff;
	v50 =	vor.u32 $0x4E, v1;
	v53 =	vor.u32 $0x6E, v1  }
0xf7: {  	v20 =	vld.idx.msk [tilespmem:v43+s31+$0x0], $0xffff;
	v54 =	vmul.f32 v15, v46;
	v5 =	vadd.f32 v11, v5;
	v6 =	vadd.f32 v12, v6  }
0xf8: {  	v52 =	vld.idx.msk [tilespmem:v47+s31+$0x0], $0xffff;
	v62 =	vmul.f32 v15, v15;
	v4 =	vadd.f32 v39, v4;
	v9 =	vadd.f32 v41, v9  }
0xf9: {  	v55 =	vld.idx.msk [tilespmem:v49+s31+$0x0], $0xffff;
	v13 =	vmul.f32 v13, v31;
	v7 =	vadd.f32 v21, v7;
	v10 =	vadd.f32 v57, v10  }
0xfa: {  	v28 =	vld.idx.msk [tilespmem:v59+s31+$0x0], $0xffff;
	v39 =	vor.u32 $0x6D, v1;
	v41 =	vor.u32 $0xE, v2;
	v18 =	vmul.f32 v38, v31  }
0xfb: {  	v31 =	vor.u32 $0xD, v1;
	v34 =	vmul.f32 v60, v60;
	v38 =	vld.idx.msk [tilespmem:v24+s25+$0x0], $0xffff;
	v24 =	vor.u32 $0x3D, v1  }
0xfc: {  	v30 =	vld.idx.msk [tilespmem:v61+s31+$0x0], $0xffff;
	v3 =	vadd.f32 v13, v3;
	v13 =	vmul.f32 v51, v46;
	v51 =	vmul.f32 v35, v35  }
0xfd: {  	v4 =	vadd.f32 v19, v4;
	v63 =	vmul.f32 v20, v46;
	v14 =	vmul.f32 v52, v46  }
0xfe: {  	v9 =	vadd.f32 v54, v9;
	v25 =	vmul.f32 v55, v46;
	v27 =	vmul.f32 v55, v55  }
0xff: {  	v7 =	vadd.f32 v62, v7;
	v29 =	vmul.f32 v60, v58;
	v32 =	vmul.f32 v58, v58  }
0x100: {  	v62 =	vor.u32 $0x2F, v1;
	v37 =	vmul.f32 v17, v58;
	v40 =	vmul.f32 v26, v58  }
0x101: {  	v47 =	vld.idx.msk [tilespmem:v36+s31+$0x0], $0xffff;
	v8 =	vadd.f32 v18, v8;
	v42 =	vmul.f32 v28, v58;
	v43 =	vmul.f32 v30, v58  }
0x102: {  	v45 =	vld.idx.msk [tilespmem:v33+s31+$0x0], $0xffff;
	v44 =	vmul.f32 v30, v30;
	v46 =	vor.u32 $0xE, v1;
	v55 =	vor.u32 $0xF, v2  }
0x103: {  	v59 =	vld.idx.msk [tilespmem:v50+s31+$0x0], $0xffff;
	v60 =	vor.u32 $0xF, v1;
	v28 =	vor.u32 $0x4F, v1;
	v3 =	vadd.f32 v13, v3  }
0x104: {  	v61 =	vld.idx.msk [tilespmem:v53+s31+$0x0], $0xffff;
	v50 =	vor.u32 $0x11, v1;
	v7 =	vadd.f32 v34, v7;
	v8 =	vadd.f32 v63, v8  }
0x105: {  	v26 =	vor.u32 $0x52, v1;
	v4 =	vadd.f32 v14, v4;
	v5 =	vadd.f32 v25, v5;
	v20 =	vld.idx.msk [tilespmem:v39+s31+$0x0], $0xffff  }
0x106: {  	v13 =	vmul.f32 v47, v35;
	v6 =	vadd.f32 v27, v6;
	v9 =	vadd.f32 v29, v9;
	v52 =	vld.idx.msk [tilespmem:v41+s24+$0x0], $0xffff  }
0x107: {  	v10 =	vadd.f32 v32, v10;
	v15 =	vld.idx.msk [tilespmem:v41+s25+$0x0], $0xffff;
	v57 =	vmul.f32 v45, v35;
	v32 =	vor.u32 $0x10, v2  }
0x108: {  	v14 =	vld.idx.msk [tilespmem:v48+s31+$0x0], $0xffff;
	v39 =	vor.u32 $0x30, v1;
	v3 =	vadd.f32 v40, v3;
	v49 =	vmul.f32 v38, v35  }
0x109: {  	v18 =	vld.idx.msk [tilespmem:v31+s31+$0x0], $0xffff;
	v17 =	vmul.f32 v38, v38;
	v8 =	vadd.f32 v37, v8;
	v4 =	vadd.f32 v42, v4  }
0x10a: {  	v31 =	vor.u32 $0x6F, v1;
	v5 =	vadd.f32 v43, v5;
	v6 =	vadd.f32 v44, v6;
	v56 =	vld.idx.msk [tilespmem:v46+s31+$0x0], $0xffff  }
0x10b: {  	v10 =	vadd.f32 v51, v10;
	v37 =	vor.u32 $0x10, v1;
	v42 =	vor.u32 $0x50, v1;
	v63 =	vld.idx.msk [tilespmem:v55+s24+$0x0], $0xffff  }
0x10c: {  	v43 =	vor.u32 $0x70, v1;
	v44 =	vor.u32 $0x11, v2;
	v9 =	vadd.f32 v49, v9;
	v16 =	vld.idx.msk [tilespmem:v28+s31+$0x0], $0xffff  }
0x10d: {  	v7 =	vadd.f32 v17, v7;
	v11 =	vmul.f32 v61, v61;
	v4 =	vadd.f32 v13, v4;
	v13 =	vld.idx.msk [tilespmem:v62+s31+$0x0], $0xffff  }
0x10e: {  	v3 =	vadd.f32 v57, v3;
	v12 =	vmul.f32 v20, v35;
	v58 =	vmul.f32 v20, v20;
	v20 =	vld.idx.msk [tilespmem:v60+s31+$0x0], $0xffff  }
0x10f: {  	v57 =	vor.u32 $0x12, v2;
	v29 =	vmul.f32 v15, v52;
	v30 =	vmul.f32 v52, v52;
	v38 =	vld.idx.msk [tilespmem:v32+s24+$0x0], $0xffff  }
0x110: {  	v28 =	vor.u32 $0x72, v1;
	v15 =	vmul.f32 v15, v15;
	v14 =	vmul.f32 v14, v52;
	v41 =	vld.idx.msk [tilespmem:v32+s25+$0x0], $0xffff  }
0x111: {  	v62 =	vor.u32 $0x32, v1;
	v33 =	vmul.f32 v59, v52;
	v54 =	vmul.f32 v18, v35;
	v18 =	vld.idx.msk [tilespmem:v55+s25+$0x0], $0xffff  }
0x112: {  	v34 =	vmul.f32 v61, v52;
	v36 =	vld.idx.msk [tilespmem:v31+s31+$0x0], $0xffff;
	v5 =	vadd.f32 v12, v5;
	v6 =	vadd.f32 v58, v6  }
0x113: {  	v59 =	vor.u32 $0x12, v1;
	v9 =	vadd.f32 v29, v9;
	v3 =	vadd.f32 v14, v3;
	v14 =	vld.idx.msk [tilespmem:v39+s31+$0x0], $0xffff  }
0x114: {  	v31 =	vor.u32 $0x13, v2;
	v10 =	vadd.f32 v30, v10;
	v7 =	vadd.f32 v15, v7;
	v49 =	vld.idx.msk [tilespmem:v42+s31+$0x0], $0xffff  }
0x115: {  	v4 =	vadd.f32 v33, v4;
	v51 =	vld.idx.msk [tilespmem:v43+s31+$0x0], $0xffff;
	v43 =	vor.u32 $0x53, v1;
	v17 =	vmul.f32 v56, v52  }
0x116: {  	v53 =	vld.idx.msk [tilespmem:v44+s24+$0x0], $0xffff;
	v8 =	vadd.f32 v54, v8;
	v40 =	vmul.f32 v63, v63;
	v46 =	vmul.f32 v16, v63  }
0x117: {  	v52 =	vor.u32 $0x31, v1;
	v54 =	vor.u32 $0x51, v1;
	v56 =	vor.u32 $0x71, v1;
	v25 =	vld.idx.msk [tilespmem:v57+s24+$0x0], $0xffff  }
0x118: {  	v27 =	vld.idx.msk [tilespmem:v57+s25+$0x0], $0xffff;
	v57 =	vor.u32 $0x54, v1;
	v5 =	vadd.f32 v34, v5;
	v6 =	vadd.f32 v11, v6  }
0x119: {  	v13 =	vmul.f32 v13, v63;
	v33 =	vld.idx.msk [tilespmem:v62+s31+$0x0], $0xffff;
	v62 =	vor.u32 $0x15, v2;
	v8 =	vadd.f32 v17, v8  }
0x11a: {  	v15 =	vld.idx.msk [tilespmem:v44+s25+$0x0], $0xffff;
	v20 =	vmul.f32 v20, v63;
	v10 =	vadd.f32 v40, v10;
	v48 =	vmul.f32 v41, v38  }
0x11b: {  	v4 =	vadd.f32 v46, v4;
	v55 =	vmul.f32 v38, v38;
	v21 =	vmul.f32 v41, v41  }
0x11c: {  	v40 =	vor.u32 $0x33, v1;
	v35 =	vmul.f32 v18, v63;
	v18 =	vmul.f32 v18, v18  }
0x11d: {  	v45 =	vld.idx.msk [tilespmem:v37+s31+$0x0], $0xffff;
	v46 =	vor.u32 $0x73, v1;
	v12 =	vmul.f32 v36, v63;
	v47 =	vmul.f32 v36, v36  }
0x11e: {  	v3 =	vadd.f32 v13, v3;
	v14 =	vmul.f32 v14, v38;
	v19 =	vmul.f32 v49, v38  }
0x11f: {  	v37 =	vld.idx.msk [tilespmem:v28+s31+$0x0], $0xffff;
	v8 =	vadd.f32 v20, v8;
	v11 =	vmul.f32 v51, v38;
	v60 =	vmul.f32 v15, v53  }
0x120: {  	v17 =	vld.idx.msk [tilespmem:v59+s31+$0x0], $0xffff;
	v10 =	vadd.f32 v55, v10;
	v63 =	vmul.f32 v53, v53;
	v29 =	vmul.f32 v15, v15  }
0x121: {  	v42 =	vld.idx.msk [tilespmem:v31+s24+$0x0], $0xffff;
	v55 =	vor.u32 $0x34, v1;
	v9 =	vadd.f32 v35, v9;
	v7 =	vadd.f32 v18, v7  }
0x122: {  	v20 =	vld.idx.msk [tilespmem:v50+s31+$0x0], $0xffff;
	v5 =	vadd.f32 v12, v5;
	v18 =	vmul.f32 v45, v38;
	v12 =	vmul.f32 v51, v51  }
0x123: {  	v6 =	vadd.f32 v47, v6;
	v13 =	vld.idx.msk [tilespmem:v52+s31+$0x0], $0xffff;
	v36 =	vmul.f32 v27, v25;
	v39 =	vmul.f32 v25, v25  }
0x124: {  	v58 =	vld.idx.msk [tilespmem:v54+s31+$0x0], $0xffff;
	v38 =	vor.u32 $0x13, v1;
	v41 =	vmul.f32 v27, v27;
	v50 =	vmul.f32 v37, v25  }
0x125: {  	v61 =	vld.idx.msk [tilespmem:v56+s31+$0x0], $0xffff;
	v51 =	vmul.f32 v37, v37;
	v37 =	vor.u32 $0x75, v1;
	v3 =	vadd.f32 v14, v3  }
0x126: {  	v54 =	vld.idx.msk [tilespmem:v43+s31+$0x0], $0xffff;
	v43 =	vor.u32 $0x16, v1;
	v4 =	vadd.f32 v19, v4;
	v10 =	vadd.f32 v63, v10  }
0x127: {  	v35 =	vld.idx.msk [tilespmem:v26+s31+$0x0], $0xffff;
	v26 =	vor.u32 $0x18, v1;
	v9 =	vadd.f32 v48, v9;
	v7 =	vadd.f32 v21, v7  }
0x128: {  	v45 =	vld.idx.msk [tilespmem:v31+s25+$0x0], $0xffff;
	v47 =	vmul.f32 v33, v25;
	v8 =	vadd.f32 v18, v8;
	v5 =	vadd.f32 v11, v5  }
0x129: {  	v6 =	vadd.f32 v12, v6;
	v44 =	vmul.f32 v17, v25;
	v48 =	vor.u32 $0x14, v2  }
0x12a: {  	v10 =	vadd.f32 v39, v10;
	v9 =	vadd.f32 v60, v9;
	v30 =	vmul.f32 v20, v53  }
0x12b: {  	v7 =	vadd.f32 v29, v7;
	v13 =	vmul.f32 v13, v53;
	v14 =	vmul.f32 v58, v53  }
0x12c: {  	v33 =	vld.idx.msk [tilespmem:v62+s24+$0x0], $0xffff;
	v60 =	vor.u32 $0x74, v1;
	v32 =	vmul.f32 v61, v53;
	v34 =	vmul.f32 v61, v61  }
0x12d: {  	v52 =	vld.idx.msk [tilespmem:v40+s31+$0x0], $0xffff;
	v49 =	vmul.f32 v35, v25;
	v53 =	vor.u32 $0x14, v1;
	v56 =	vmul.f32 v45, v42  }
0x12e: {  	v18 =	vld.idx.msk [tilespmem:v38+s31+$0x0], $0xffff;
	v58 =	vmul.f32 v42, v42;
	v17 =	vmul.f32 v45, v45;
	v38 =	vor.u32 $0x16, v2  }
0x12f: {  	v45 =	vor.u32 $0x36, v1;
	v8 =	vadd.f32 v30, v8;
	v9 =	vadd.f32 v36, v9  }
0x130: {  	v7 =	vadd.f32 v41, v7;
	v30 =	vor.u32 $0x15, v1;
	v3 =	vadd.f32 v13, v3  }
0x131: {  	v20 =	vld.idx.msk [tilespmem:v46+s31+$0x0], $0xffff;
	v46 =	vmul.f32 v33, v33;
	v4 =	vadd.f32 v14, v4;
	v5 =	vadd.f32 v32, v5  }
0x132: {  	v6 =	vadd.f32 v34, v6;
	v10 =	vadd.f32 v58, v10;
	v27 =	vmul.f32 v52, v42  }
0x133: {  	v59 =	vld.idx.msk [tilespmem:v48+s24+$0x0], $0xffff;
	v13 =	vmul.f32 v54, v42;
	v32 =	vor.u32 $0x35, v1;
	v34 =	vor.u32 $0x55, v1  }
0x134: {  	v15 =	vld.idx.msk [tilespmem:v48+s25+$0x0], $0xffff;
	v48 =	vor.u32 $0x56, v1;
	v8 =	vadd.f32 v44, v8;
	v9 =	vadd.f32 v56, v9  }
0x135: {  	v29 =	vld.idx.msk [tilespmem:v57+s31+$0x0], $0xffff;
	v58 =	vor.u32 $0x37, v1;
	v7 =	vadd.f32 v17, v7;
	v3 =	vadd.f32 v47, v3  }
0x136: {  	v14 =	vld.idx.msk [tilespmem:v55+s31+$0x0], $0xffff;
	v56 =	vor.u32 $0x17, v1;
	v4 =	vadd.f32 v49, v4;
	v5 =	vadd.f32 v50, v5  }
0x137: {  	v6 =	vadd.f32 v51, v6;
	v12 =	vmul.f32 v20, v42;
	v28 =	vmul.f32 v20, v20;
	v31 =	vld.idx.msk [tilespmem:v60+s31+$0x0], $0xffff  }
0x138: {  	v49 =	vor.u32 $0x76, v1;
	v50 =	vor.u32 $0x17, v2;
	v60 =	vor.u32 $0x57, v1;
	v63 =	vld.idx.msk [tilespmem:v53+s31+$0x0], $0xffff  }
0x139: {  	v61 =	vmul.f32 v18, v42;
	v18 =	vld.idx.msk [tilespmem:v62+s25+$0x0], $0xffff;
	v62 =	vor.u32 $0x77, v1;
	v3 =	vadd.f32 v27, v3  }
0x13a: {  	v42 =	vld.idx.msk [tilespmem:v37+s31+$0x0], $0xffff;
	v37 =	vor.u32 $0x19, v2;
	v4 =	vadd.f32 v13, v4;
	v5 =	vadd.f32 v12, v5  }
0x13b: {  	v44 =	vld.idx.msk [tilespmem:v38+s24+$0x0], $0xffff;
	v6 =	vadd.f32 v28, v6;
	v35 =	vmul.f32 v15, v59;
	v36 =	vmul.f32 v59, v59  }
0x13c: {  	v47 =	vld.idx.msk [tilespmem:v38+s25+$0x0], $0xffff;
	v8 =	vadd.f32 v61, v8;
	v15 =	vmul.f32 v15, v15;
	v14 =	vmul.f32 v14, v59  }
0x13d: {  	v39 =	vmul.f32 v29, v59;
	v13 =	vld.idx.msk [tilespmem:v32+s31+$0x0], $0xffff;
	v29 =	vor.u32 $0x38, v1;
	v32 =	vor.u32 $0x58, v1  }
0x13e: {  	v16 =	vld.idx.msk [tilespmem:v34+s31+$0x0], $0xffff;
	v34 =	vor.u32 $0x78, v1;
	v9 =	vadd.f32 v35, v9;
	v10 =	vadd.f32 v36, v10  }
0x13f: {  	v20 =	vld.idx.msk [tilespmem:v30+s31+$0x0], $0xffff;
	v7 =	vadd.f32 v15, v7;
	v40 =	vmul.f32 v31, v59;
	v11 =	vmul.f32 v31, v31  }
0x140: {  	v51 =	vld.idx.msk [tilespmem:v43+s31+$0x0], $0xffff;
	v3 =	vadd.f32 v14, v3;
	v17 =	vmul.f32 v63, v59;
	v41 =	vmul.f32 v18, v33  }
0x141: {  	v55 =	vld.idx.msk [tilespmem:v48+s31+$0x0], $0xffff;
	v4 =	vadd.f32 v39, v4;
	v18 =	vmul.f32 v18, v18;
	v12 =	vmul.f32 v42, v33  }
0x142: {  	v57 =	vld.idx.msk [tilespmem:v49+s31+$0x0], $0xffff;
	v49 =	vor.u32 $0x59, v1;
	v53 =	vmul.f32 v42, v42;
	v54 =	vmul.f32 v47, v44  }
0x143: {  	v14 =	vld.idx.msk [tilespmem:v45+s31+$0x0], $0xffff;
	v61 =	vmul.f32 v44, v44;
	v21 =	vmul.f32 v47, v47;
	v63 =	vor.u32 $0x18, v2  }
0x144: {  	v15 =	vld.idx.msk [tilespmem:v50+s25+$0x0], $0xffff;
	v5 =	vadd.f32 v40, v5;
	v6 =	vadd.f32 v11, v6;
	v20 =	vmul.f32 v20, v33  }
0x145: {  	v59 =	vld.idx.msk [tilespmem:v50+s24+$0x0], $0xffff;
	v10 =	vadd.f32 v46, v10;
	v46 =	vor.u32 $0x39, v1;
	v8 =	vadd.f32 v17, v8  }
0x146: {  	v28 =	vld.idx.msk [tilespmem:v62+s31+$0x0], $0xffff;
	v9 =	vadd.f32 v41, v9;
	v13 =	vmul.f32 v13, v33;
	v52 =	vmul.f32 v16, v33  }
0x147: {  	v48 =	vld.idx.msk [tilespmem:v37+s24+$0x0], $0xffff;
	v7 =	vadd.f32 v18, v7;
	v18 =	vmul.f32 v51, v44;
	v19 =	vmul.f32 v55, v44  }
0x148: {  	v41 =	vld.idx.msk [tilespmem:v32+s31+$0x0], $0xffff;
	v32 =	vor.u32 $0x1B, v2;
	v5 =	vadd.f32 v12, v5;
	v6 =	vadd.f32 v53, v6  }
0x149: {  	v51 =	vld.idx.msk [tilespmem:v37+s25+$0x0], $0xffff;
	v37 =	vor.u32 $0x1B, v1;
	v10 =	vadd.f32 v61, v10;
	v8 =	vadd.f32 v20, v8  }
0x14a: {  	v61 =	vor.u32 $0x3A, v1;
	v3 =	vadd.f32 v13, v3;
	v4 =	vadd.f32 v52, v4  }
0x14b: {  	v25 =	vld.idx.msk [tilespmem:v60+s31+$0x0], $0xffff;
	v9 =	vadd.f32 v54, v9;
	v14 =	vmul.f32 v14, v44;
	v11 =	vmul.f32 v57, v44  }
0x14c: {  	v43 =	vld.idx.msk [tilespmem:v34+s31+$0x0], $0xffff;
	v7 =	vadd.f32 v21, v7;
	v12 =	vmul.f32 v57, v57;
	v35 =	vmul.f32 v15, v15  }
0x14d: {  	v20 =	vld.idx.msk [tilespmem:v56+s31+$0x0], $0xffff;
	v44 =	vor.u32 $0x19, v1;
	v52 =	vor.u32 $0x79, v1;
	v27 =	vmul.f32 v15, v59  }
0x14e: {  	v13 =	vld.idx.msk [tilespmem:v58+s31+$0x0], $0xffff;
	v54 =	vor.u32 $0x1A, v2;
	v30 =	vmul.f32 v59, v59;
	v38 =	vmul.f32 v28, v59  }
0x14f: {  	v31 =	vld.idx.msk [tilespmem:v63+s24+$0x0], $0xffff;
	v40 =	vmul.f32 v28, v28;
	v8 =	vadd.f32 v18, v8;
	v3 =	vadd.f32 v14, v3  }
0x150: {  	v33 =	vld.idx.msk [tilespmem:v63+s25+$0x0], $0xffff;
	v63 =	vor.u32 $0x5A, v1;
	v4 =	vadd.f32 v19, v4;
	v5 =	vadd.f32 v11, v5  }
0x151: {  	v28 =	vmul.f32 v48, v48;
	v6 =	vadd.f32 v12, v6;
	v7 =	vadd.f32 v35, v7  }
0x152: {  	v17 =	vld.idx.msk [tilespmem:v26+s31+$0x0], $0xffff;
	v14 =	vmul.f32 v25, v59;
	v9 =	vadd.f32 v27, v9;
	v10 =	vadd.f32 v30, v10  }
0x153: {  	v39 =	vld.idx.msk [tilespmem:v29+s31+$0x0], $0xffff;
	v57 =	vmul.f32 v43, v43;
	v62 =	vmul.f32 v51, v48;
	v30 =	vor.u32 $0x7A, v1  }
0x154: {  	v27 =	vor.u32 $0x5D, v1;
	v4 =	vadd.f32 v14, v4;
	v5 =	vadd.f32 v38, v5  }
0x155: {  	v60 =	vld.idx.msk [tilespmem:v49+s31+$0x0], $0xffff;
	v6 =	vadd.f32 v40, v6;
	v36 =	vmul.f32 v20, v59;
	v13 =	vmul.f32 v13, v59  }
0x156: {  	v58 =	vld.idx.msk [tilespmem:v46+s31+$0x0], $0xffff;
	v59 =	vor.u32 $0x1A, v1;
	v42 =	vmul.f32 v33, v31;
	v45 =	vmul.f32 v31, v31  }
0x157: {  	v18 =	vld.idx.msk [tilespmem:v44+s31+$0x0], $0xffff;
	v44 =	vor.u32 $0x7B, v1;
	v47 =	vmul.f32 v33, v33;
	v50 =	vmul.f32 v17, v31  }
0x158: {  	v20 =	vld.idx.msk [tilespmem:v52+s31+$0x0], $0xffff;
	v52 =	vor.u32 $0x3C, v1;
	v53 =	vmul.f32 v39, v31;
	v55 =	vmul.f32 v41, v31  }
0x159: {  	v56 =	vmul.f32 v43, v31;
	v6 =	vadd.f32 v57, v6;
	v17 =	vmul.f32 v51, v51  }
0x15a: {  	v39 =	vor.u32 $0x3B, v1;
	v41 =	vor.u32 $0x5B, v1;
	v8 =	vadd.f32 v36, v8  }
0x15b: {  	v40 =	vld.idx.msk [tilespmem:v32+s24+$0x0], $0xffff;
	v57 =	vor.u32 $0x1D, v2;
	v3 =	vadd.f32 v13, v3;
	v9 =	vadd.f32 v42, v9  }
0x15c: {  	v29 =	vld.idx.msk [tilespmem:v54+s24+$0x0], $0xffff;
	v34 =	vmul.f32 v58, v48;
	v10 =	vadd.f32 v45, v10;
	v7 =	vadd.f32 v47, v7  }
0x15d: {  	v15 =	vld.idx.msk [tilespmem:v54+s25+$0x0], $0xffff;
	v13 =	vmul.f32 v60, v48;
	v4 =	vadd.f32 v55, v4;
	v5 =	vadd.f32 v56, v5  }
0x15e: {  	v14 =	vld.idx.msk [tilespmem:v61+s31+$0x0], $0xffff;
	v45 =	vor.u32 $0x1C, v2;
	v55 =	vor.u32 $0x5C, v1;
	v56 =	vor.u32 $0x7C, v1  }
0x15f: {  	v8 =	vadd.f32 v50, v8;
	v3 =	vadd.f32 v53, v3;
	v50 =	vor.u32 $0x1C, v1  }
0x160: {  	v36 =	vld.idx.msk [tilespmem:v63+s31+$0x0], $0xffff;
	v53 =	vmul.f32 v40, v40;
	v9 =	vadd.f32 v62, v9;
	v31 =	vmul.f32 v18, v48  }
0x161: {  	v38 =	vld.idx.msk [tilespmem:v30+s31+$0x0], $0xffff;
	v10 =	vadd.f32 v28, v10;
	v12 =	vmul.f32 v20, v48;
	v35 =	vmul.f32 v20, v20  }
0x162: {  	v7 =	vadd.f32 v17, v7;
	v33 =	vld.idx.msk [tilespmem:v59+s31+$0x0], $0xffff;
	v42 =	vmul.f32 v15, v29;
	v43 =	vmul.f32 v29, v29  }
0x163: {  	v4 =	vadd.f32 v13, v4;
	v18 =	vld.idx.msk [tilespmem:v32+s25+$0x0], $0xffff;
	v15 =	vmul.f32 v15, v15;
	v14 =	vmul.f32 v14, v29  }
0x164: {  	v20 =	vld.idx.msk [tilespmem:v37+s31+$0x0], $0xffff;
	v62 =	vor.u32 $0x1D, v1;
	v28 =	vor.u32 $0x7D, v1;
	v32 =	vor.u32 $0x1E, v1  }
0x165: {  	v49 =	vld.idx.msk [tilespmem:v44+s31+$0x0], $0xffff;
	v44 =	vor.u32 $0x7F, v1;
	v3 =	vadd.f32 v34, v3;
	v8 =	vadd.f32 v31, v8  }
0x166: {  	v13 =	vld.idx.msk [tilespmem:v39+s31+$0x0], $0xffff;
	v34 =	vor.u32 $0x3E, v1;
	v5 =	vadd.f32 v12, v5;
	v6 =	vadd.f32 v35, v6  }
0x167: {  	v16 =	vld.idx.msk [tilespmem:v41+s31+$0x0], $0xffff;
	v9 =	vadd.f32 v42, v9;
	v10 =	vadd.f32 v43, v10;
	v46 =	vmul.f32 v36, v29  }
0x168: {  	v26 =	vld.idx.msk [tilespmem:v57+s24+$0x0], $0xffff;
	v41 =	vor.u32 $0x5E, v1;
	v7 =	vadd.f32 v15, v7;
	v3 =	vadd.f32 v14, v3  }
0x169: {  	v15 =	vld.idx.msk [tilespmem:v57+s25+$0x0], $0xffff;
	v47 =	vmul.f32 v38, v29;
	v11 =	vmul.f32 v38, v38;
	v4 =	vadd.f32 v46, v4  }
0x16a: {  	v51 =	vld.idx.msk [tilespmem:v45+s24+$0x0], $0xffff;
	v10 =	vadd.f32 v53, v10;
	v46 =	vor.u32 $0x1F, v1;
	v17 =	vmul.f32 v33, v29  }
0x16b: {  	v54 =	vld.idx.msk [tilespmem:v45+s25+$0x0], $0xffff;
	v48 =	vmul.f32 v18, v40;
	v5 =	vadd.f32 v47, v5;
	v18 =	vmul.f32 v18, v18  }
0x16c: {  	v14 =	vld.idx.msk [tilespmem:v52+s31+$0x0], $0xffff;
	v6 =	vadd.f32 v11, v6;
	v20 =	vmul.f32 v20, v40;
	v12 =	vmul.f32 v49, v40  }
0x16d: {  	v61 =	vld.idx.msk [tilespmem:v55+s31+$0x0], $0xffff;
	v59 =	vmul.f32 v49, v49;
	v29 =	vor.u32 $0x1E, v2;
	v2 =	vor.u32 $0x1F, v2  }
0x16e: {  	v63 =	vld.idx.msk [tilespmem:v56+s31+$0x0], $0xffff;
	v13 =	vmul.f32 v13, v40;
	v16 =	vmul.f32 v16, v40;
	v8 =	vadd.f32 v17, v8  }
0x16f: {  	v58 =	vld.idx.msk [tilespmem:v50+s31+$0x0], $0xffff;
	v38 =	vmul.f32 v26, v26;
	v9 =	vadd.f32 v48, v9;
	v7 =	vadd.f32 v18, v7  }
0x170: {  	v30 =	vld.idx.msk [tilespmem:v62+s31+$0x0], $0xffff;
	v40 =	vor.u32 $0x7E, v1;
	v5 =	vadd.f32 v12, v5;
	v6 =	vadd.f32 v59, v6  }
0x171: {  	v33 =	vld.idx.msk [tilespmem:v27+s31+$0x0], $0xffff;
	v35 =	vmul.f32 v15, v26;
	v15 =	vmul.f32 v15, v15;
	v48 =	vor.u32 $0x3F, v1  }
0x172: {  	v36 =	vld.idx.msk [tilespmem:v28+s31+$0x0], $0xffff;
	v3 =	vadd.f32 v13, v3;
	v60 =	vmul.f32 v54, v51;
	v25 =	vmul.f32 v51, v51  }
0x173: {  	v43 =	vld.idx.msk [tilespmem:v34+s31+$0x0], $0xffff;
	v4 =	vadd.f32 v16, v4;
	v21 =	vmul.f32 v54, v54;
	v14 =	vmul.f32 v14, v51  }
0x174: {  	v31 =	vmul.f32 v61, v51;
	v13 =	vld.idx.msk [tilespmem:v24+s31+$0x0], $0xffff;
	v11 =	vmul.f32 v63, v51;
	v8 =	vadd.f32 v20, v8  }
0x175: {  	v18 =	vmul.f32 v58, v51;
	v51 =	vld.idx.msk [tilespmem:v44+s31+$0x0], $0xffff;
	v9 =	vadd.f32 v60, v9;
	v10 =	vadd.f32 v25, v10  }
0x176: {  	v12 =	vmul.f32 v63, v63;
	v7 =	vadd.f32 v21, v7;
	v3 =	vadd.f32 v14, v3;
	v37 =	vld.idx.msk [tilespmem:v29+s24+$0x0], $0xffff  }
0x177: {  	v1 =	vor.u32 $0x5F, v1;
	v4 =	vadd.f32 v31, v4;
	v5 =	vadd.f32 v11, v5;
	v39 =	vld.idx.msk [tilespmem:v29+s25+$0x0], $0xffff  }
0x178: {  	v17 =	vld.idx.msk [tilespmem:v32+s31+$0x0], $0xffff;
	v6 =	vadd.f32 v12, v6;
	v47 =	vmul.f32 v33, v26;
	v20 =	vmul.f32 v36, v26  }
0x179: {  	v45 =	vld.idx.msk [tilespmem:v2+s24+$0x0], $0xffff;
	v22 =	vmul.f32 v36, v36;
	v8 =	vadd.f32 v18, v8;
	v9 =	vadd.f32 v35, v9  }
0x17a: {  	v2 =	vld.idx.msk [tilespmem:v2+s25+$0x0], $0xffff;
	v18 =	vmul.f32 v30, v26;
	v10 =	vadd.f32 v38, v10;
	v7 =	vadd.f32 v15, v7  }
0x17b: {  	v16 =	vld.idx.msk [tilespmem:v40+s31+$0x0], $0xffff;
	v4 =	vadd.f32 v47, v4;
	v5 =	vadd.f32 v20, v5;
	v42 =	vmul.f32 v13, v26  }
0x17c: {  	v23 =	vld.idx.msk [tilespmem:v41+s31+$0x0], $0xffff;
	v6 =	vadd.f32 v22, v6;
	v58 =	vmul.f32 v51, v51;
	v49 =	vmul.f32 v39, v37  }
0x17d: {  	v53 =	vld.idx.msk [tilespmem:v46+s31+$0x0], $0xffff;
	v8 =	vadd.f32 v18, v8;
	v50 =	vmul.f32 v37, v37;
	v14 =	vmul.f32 v39, v39  }
0x17e: {  	v3 =	vadd.f32 v42, v3;
	v52 =	vmul.f32 v17, v37;
	v13 =	vmul.f32 v43, v37  }
0x17f: {  	v55 =	vld.idx.msk [tilespmem:v48+s31+$0x0], $0xffff;
	v54 =	vmul.f32 v2, v45;
	v57 =	vmul.f32 v45, v45;
	v9 =	vadd.f32 v49, v9  }
0x180: {  	v1 =	vld.idx.msk [tilespmem:v1+s31+$0x0], $0xffff;
	v2 =	vmul.f32 v2, v2;
	v56 =	vmul.f32 v16, v16;
	v10 =	vadd.f32 v50, v10  }
0x181: {  	v59 =	vmul.f32 v23, v37;
	v7 =	vadd.f32 v14, v7;
	v9 =	vadd.f32 v54, v9  }
0x182: {  	v60 =	vmul.f32 v53, v45;
	v6 =	vadd.f32 v56, v6;
	v10 =	vadd.f32 v57, v10  }
0x183: {  	v11 =	vmul.f32 v16, v37;
	v8 =	vadd.f32 v52, v8;
	v2 =	vadd.f32 v2, v7;
	[tilespmem:s20+$0x0] =	vst v9  }
0x184: {  	v3 =	vadd.f32 v13, v3;
	v61 =	vmul.f32 v55, v45;
	v6 =	vadd.f32 v58, v6;
	[tilespmem:s5+$0x0] =	vst v10  }
0x185: {  	p0 =	sne.s32 s6, $0x1F0;
	v4 =	vadd.f32 v59, v4;
	v1 =	vmul.f32 v1, v45;
	v62 =	vadd.f32 v60, v8;
	[tilespmem:s28+$0x0] =	vst v2  }
.Ltmp0:
0x186: {  	v63 =	vmul.f32 v51, v45;
	v3 =	vadd.f32 v61, v3;
	v2 =	vadd.f32 v11, v5;
	[tilespmem:s26+$0x0] =	vst v6;
	(pc) =	sbr.rel @p0 .LBB2_2-.Ltmp0, $4  }
0x187: {  	v1 =	vadd.f32 v1, v4;
	[tilespmem:s1+$0xFFFFFC00] =	vst v62  }
0x188: {  	v2 =	vadd.f32 v63, v2;
	[tilespmem:s1+$0xFFFFFE00] =	vst v3  }
0x189: {  	s6 =	sadd.s32 $0x10, s6;
	s20 =	sadd.s32 $0x10, s20;
	s5 =	sadd.s32 $0x10, s5;
	[tilespmem:s1+$0x0] =	vst v1  }
0x18a: {  	s28 =	sadd.s32 $0x10, s28;
	s26 =	sadd.s32 $0x10, s26;
	[tilespmem:s1+$0x200] =	vst v2;
	s1 =	sadd.s32 $0x10, s1  }
0x18b: {  	s1 =	simm.s32 $0x18E00  }
0x18c: {  	[hbm4b:s8+s2] =	stream.linear.scatter [tilespmem:s1], [sflag:$0x2], $0x200, $0x38;
	[tilespmem:$0x19C00] =	vst v63  }
0x18d: {  	_ =	swait.ge [sflag:s0], $0x200  }
0x18e: {  	[sflag:s0] =	ssyncset.done $0x0  }
0x18f: {  	s28 =	simm.s32 $0x19000;
	[sflag:s0] =	ssyncadd.s32 $0xFFFFFE00  }
0x190: {  	[hbm4b:s9+s2] =	stream.linear.scatter [tilespmem:s28], [sflag:$0x2], $0x200, $0x38;
	[tilespmem:$0x19C00] =	vst v63  }
0x191: {  	_ =	swait.ge [sflag:s0], $0x200  }
0x192: {  	[sflag:s0] =	ssyncset.done $0x0  }
0x193: {  	s5 =	simm.s32 $0x19200;
	[sflag:s0] =	ssyncadd.s32 $0xFFFFFE00  }
0x194: {  	[hbm4b:s10+s2] =	stream.linear.scatter [tilespmem:s5], [sflag:$0x2], $0x200, $0x38;
	[tilespmem:$0x19C00] =	vst v63  }
0x195: {  	_ =	swait.ge [sflag:s0], $0x200  }
0x196: {  	[sflag:s0] =	ssyncset.done $0x0  }
0x197: {  	[sflag:s0] =	ssyncadd.s32 $0xFFFFFE00  }
0x198: {  	[hbm4b:s11+s2] =	stream.linear.scatter [tilespmem:s29], [sflag:$0x2], $0x200, $0x38;
	[tilespmem:$0x19C00] =	vst v63  }
0x199: {  	_ =	swait.ge [sflag:s0], $0x200  }
0x19a: {  	[sflag:s0] =	ssyncset.done $0x0  }
0x19b: {  	s6 =	simm.s32 $0x19400;
	[sflag:s0] =	ssyncadd.s32 $0xFFFFFE00  }
0x19c: {  	[hbm4b:s12+s2] =	stream.linear.scatter [tilespmem:s6], [sflag:$0x2], $0x200, $0x38;
	[tilespmem:$0x19C00] =	vst v63  }
0x19d: {  	_ =	swait.ge [sflag:s0], $0x200  }
0x19e: {  	[sflag:s0] =	ssyncset.done $0x0  }
0x19f: {  	[sflag:s0] =	ssyncadd.s32 $0xFFFFFE00  }
0x1a0: {  	[hbm4b:s13+s2] =	stream.linear.scatter [tilespmem:s29], [sflag:$0x2], $0x200, $0x38;
	[tilespmem:$0x19C00] =	vst v63  }
0x1a1: {  	_ =	swait.ge [sflag:s0], $0x200  }
0x1a2: {  	[sflag:s0] =	ssyncset.done $0x0  }
0x1a3: {  	s20 =	simm.s32 $0x19600;
	[sflag:s0] =	ssyncadd.s32 $0xFFFFFE00  }
0x1a4: {  	[hbm4b:s14+s2] =	stream.linear.scatter [tilespmem:s20], [sflag:$0x2], $0x200, $0x38;
	[tilespmem:$0x19C00] =	vst v63  }
0x1a5: {  	_ =	swait.ge [sflag:s0], $0x200  }
0x1a6: {  	[sflag:s0] =	ssyncset.done $0x0  }
0x1a7: {  	[sflag:s0] =	ssyncadd.s32 $0xFFFFFE00  }
0x1a8: {  	[hbm4b:s15+s2] =	stream.linear.scatter [tilespmem:s29], [sflag:$0x2], $0x200, $0x38;
	[tilespmem:$0x19C00] =	vst v63  }
0x1a9: {  	_ =	swait.ge [sflag:s0], $0x200  }
0x1aa: {  	[sflag:s0] =	ssyncset.done $0x0  }
0x1ab: {  	s26 =	simm.s32 $0x19800;
	[sflag:s0] =	ssyncadd.s32 $0xFFFFFE00  }
0x1ac: {  	[hbm4b:s16+s2] =	stream.linear.scatter [tilespmem:s26], [sflag:$0x2], $0x200, $0x38;
	[tilespmem:$0x19C00] =	vst v63  }
0x1ad: {  	_ =	swait.ge [sflag:s0], $0x200  }
0x1ae: {  	[sflag:s0] =	ssyncset.done $0x0  }
0x1af: {  	[sflag:s0] =	ssyncadd.s32 $0xFFFFFE00  }
0x1b0: {  	[hbm4b:s17+s2] =	stream.linear.scatter [tilespmem:s29], [sflag:$0x2], $0x200, $0x38;
	[tilespmem:$0x19C00] =	vst v63  }
0x1b1: {  	s30 =	sadd.s32 $0x1, s30;
	_ =	swait.ge [sflag:s0], $0x200  }
0x1b2: {  	p0 =	sne.s32 s30, s19;
	[sflag:s0] =	ssyncset.done $0x0  }
.Ltmp1:
0x1b3: {  	s28 =	simm.s32 $0x19A00;
	[sflag:s0] =	ssyncadd.s32 $0xFFFFFE00;
	(pc) =	sbr.rel @p0 .LBB2_1-.Ltmp1, $4  }
0x1b4: {  	[hbm4b:s18+s2] =	stream.linear.scatter [tilespmem:s28], [sflag:$0x2], $0x200, $0x38;
	[tilespmem:$0x19C00] =	vst v63  }
0x1b5: {  	_ =	swait.ge [sflag:s0], $0x200  }
0x1b6: {  	[sflag:s0] =	ssyncset.done $0x0  }
0x1b7: {  	[sflag:s0] =	ssyncadd.s32 $0xFFFFFE00  }
0x1b8: {  	_ =	sfence.sel $0x180000  }
0x1b9: {  	[bflag:$0x0] =	sbarrier.arrive $0xFFFF  }
0x1ba: {  	_ =	strace $0x90000047  }
0x1bb: {  	s0 =	stileid.u32;
	[bflag:$0x2] =	sbarrier.arrive $0xFFFF  }
0x1bc: {  	p0 =	sne.s32 s0, $0x0;
	s0 =	rddreg [dreg:$0x8]  }
0x1bd: {  	s0 =	sadd.s32 @!p0 $0x100000, s0  }
0x1be: {  	[sflag:s0] =	ssyncadd.tile.s32 @!p0 $0x1;
	_ =	shalt  }
.Lfunc_end2:
_tile_overlayer_lowered:
.L_overlay_start_2:
0x1bf: {  	(tag) =	ssettag $0x2  }
0x1c0: {  	s0 =	rddreg [dreg:$0x0];
	s2 =	stileid.u32  }
0x1c1: {  	s1 =	rddreg [dreg:$0x1];
	p0 =	sne.s32 s2, $0x0  }
0x1c2: {  	s3 =	rddreg [dreg:$0x2];
	[bflag:$0x3] =	sbarrier.arrive $0xFFFF;
	s2 =	simm.s32 @!p0 $0x1C02  }
0x1c3: {  	[timem:s3], [sflag:s2] =	dma.local @!p0 [hbm:s0], s1  }
0x1c4: {  	s0 =	simm.s32 @!p0 $0x2  }
0x1c5: {  	_ =	swait.ge @!p0 [sflag:s0], s1  }
0x1c6: {  	s1 =	ssub.s32 @!p0 $0x0, s1;
	[sflag:s0] =	ssyncset.done @!p0 $0x0  }
0x1c7: {  	[sflag:s0] =	ssyncadd.s32 @!p0 s1  }
0x1c8: {  	[bflag:$0x3] =	sbarrier.arrive $0xFFFF  }
0x1c9: {  	_ =	shalt  }

</sc_bundles>
